<compile_context>
chip_gen: v7x
topology: tpu7x:2x2x1
jax: 0.10.2.dev20260603
libtpu: 0.0.44.dev20260713+nightly
codegen_flags: <defaults>
</compile_context>

<pallas_src>
import functools
import jax, jax.numpy as jnp
from jax import lax
from jax.experimental import pallas as pl
from jax.experimental.pallas import tpu as pltpu
from jax.experimental.pallas import tpu_sc as plsc

_NC, _NS = 2, 16
_NW = _NC * _NS
_TOTAL = 16 * 3 * 512 * 512
_PER_W = _TOTAL // _NW
_CHUNK = 16384
_NBUF = 7
_NCH = _PER_W // _CHUNK

@functools.partial(
    pl.kernel,
    out_type=jax.ShapeDtypeStruct((_TOTAL // _CHUNK, _CHUNK), jnp.float32),
    mesh=plsc.VectorSubcoreMesh(core_axis_name="c", subcore_axis_name="s"),
    scratch_types=[
        pltpu.VMEM((_NBUF, _CHUNK), jnp.float32),
        pltpu.SemaphoreType.DMA((_NBUF,)),
        pltpu.SemaphoreType.DMA((_NBUF,)),
    ],
)
def _sc_copy(x_hbm, out_hbm, buf, isem, osem):
    wid = lax.axis_index("s") * _NC + lax.axis_index("c")
    base = wid * _NCH

    def cin(i, b):
        return pltpu.async_copy(
            x_hbm.at[pl.ds(base + i, 1)], buf.at[pl.ds(b, 1)], isem.at[b])

    def cout(i, b):
        return pltpu.async_copy(
            buf.at[pl.ds(b, 1)], out_hbm.at[pl.ds(base + i, 1)], osem.at[b])

    ins, outs = {}, {}
    for i in range(_NBUF):
        ins[i] = cin(i, i)
    for i in range(_NCH):
        b = i % _NBUF
        ins[i].wait()
        outs[i] = cout(i, b)
        j = i + _NBUF
        if j < _NCH:
            outs[i].wait()
            ins[j] = cin(j, b)
    for i in range(max(_NCH - _NBUF, 0), _NCH):
        outs[i].wait()

def kernel(x):
    return _sc_copy(x.reshape(_TOTAL // _CHUNK, _CHUNK)).reshape(x.shape)

# --- scband reference (transcript-rebuilt; emitter-appended) ---
"""Pipeline reference for scband-ubsn-1425929142281 (READ-ONLY COPY).

The authoritative reference and input builder live on the scoring server;
editing this copy changes nothing except your own understanding.
"""

import jax, jax.numpy as jnp
import numpy as np

F_PD = 4
PAD = 2

def pd_down(x, f, pad, pad_value=0.0):
    # pixel-shuffle down-sampling (PD), faithful to torch F.pixel_unshuffle + pad + spread
    b, c, w, h = x.shape
    # torch pixel_unshuffle: (b,c,w,h) -> (b, c*f*f, w//f, h//f) with factor order (c, f_row, f_col)
    un = x.reshape(b, c, w // f, f, h // f, f).transpose(0, 1, 3, 5, 2, 4).reshape(b, c * f * f, w // f, h // f)
    if pad != 0:
        un = jnp.pad(un, ((0, 0), (0, 0), (pad, pad), (pad, pad)), constant_values=pad_value)
    wp = w // f + 2 * pad
    hp = h // f + 2 * pad
    sp = un.reshape(b, c, f, f, wp, hp).transpose(0, 1, 2, 4, 3, 5)
    return sp.reshape(b, c, w + 2 * f * pad, h + 2 * f * pad)

def pd_up(x, f, pad):
    # inverse of pixel-shuffle down-sampling
    b, c, w, h = x.shape
    bs = x.reshape(b, c, f, w // f, f, h // f).transpose(0, 1, 2, 4, 3, 5).reshape(b, c * f * f, w // f, h // f)
    if pad != 0:
        bs = bs[..., pad:-pad, pad:-pad]
    b2, cff, wf, hf = bs.shape
    c2 = cff // (f * f)
    # torch pixel_shuffle: (b, c*f*f, wf, hf) -> (b, c, wf*f, hf*f)
    return bs.reshape(b, c2, f, f, wf, hf).transpose(0, 1, 4, 2, 5, 3).reshape(b, c2, wf * f, hf * f)

def setup_inputs(seed: int = 0) -> dict:
    key = jax.random.key(seed)
    x = jax.random.normal(key, (16, 3, 512, 512), dtype=jnp.float32)
    return {"x": x}

def reference(x):
    # UBSN pixel-shuffle-down-sampling (pd=4, pad=2) -> pixel-shuffle-up-sampling pipeline
    y = pd_down(x, F_PD, PAD, 0.0)
    out = pd_up(y, F_PD, PAD)
    return out

if __name__ == "__main__":
    import jax
    _d = setup_inputs()
    print(jax.jit(kernel)(*tuple(_d.values())))

</pallas_src>

<mosaic_0001>
#map = affine_map<(d0, d1) -> (0, 0)>
module attributes {stable_mosaic.version = 14 : i64} {
  func.func @_sc_copy(%arg0: i32, %arg1: i32, %arg2: memref<768x16384xf32, #tpu.memory_space<hbm>>, %arg3: memref<768x16384xf32, #tpu.memory_space<hbm>>, %arg4: memref<7x16384xf32, #tpu.memory_space<vmem>>, %arg5: memref<7x!tpu.dma_semaphore, #tpu.memory_space<semaphore_mem>>, %arg6: memref<7x!tpu.dma_semaphore, #tpu.memory_space<semaphore_mem>>) attributes {dimension_semantics = [#tpu.dimension_semantics<core_parallel>, #tpu.dimension_semantics<subcore_parallel>], iteration_bounds = array<i64: 2, 16>, scalar_prefetch = 0 : i64, scratch_operands = 3 : i64, tpu.core_type = #tpu.core_type<sc_vector_subcore>, window_params = [{transform_indices = #map}, {transform_indices = #map}]} {
    %mul3A = arith.constant 2 : i32
    %mul3A_0 = arith.muli %arg1, %mul3A : i32
    %add3A = arith.addi %mul3A_0, %arg0 : i32
    %mul3A_1 = arith.constant 24 : i32
    %mul3A_2 = arith.muli %add3A, %mul3A_1 : i32
    %add3A_3 = arith.constant 0 : i32
    %add3A_4 = arith.addi %mul3A_2, %add3A_3 : i32
    %dma_start3A = arith.constant 0 : i32
    %dma_start3A_5 = arith.constant 0 : i32
    %dma_start3A_6 = arith.constant 0 : i32
    %dma_start3A_7 = tpu.memref_slice %arg4[%dma_start3A_5, %dma_start3A_6] : memref<7x16384xf32, #tpu.memory_space<vmem>> -> memref<1x16384xf32, #tpu.memory_space<vmem>>
    %dma_start3A_8 = arith.constant 0 : i32
    %dma_start3A_9 = tpu.memref_slice %arg2[%add3A_4, %dma_start3A_8] : memref<768x16384xf32, #tpu.memory_space<hbm>> -> memref<1x16384xf32, #tpu.memory_space<hbm>>
    %dma_start3A_10 = tpu.memref_slice %arg5[%dma_start3A] : memref<7x!tpu.dma_semaphore, #tpu.memory_space<semaphore_mem>> -> memref<1x!tpu.dma_semaphore, #tpu.memory_space<semaphore_mem>>
    %dma_start3A_11 = tpu.memref_squeeze %dma_start3A_10 : memref<1x!tpu.dma_semaphore, #tpu.memory_space<semaphore_mem>> -> memref<!tpu.dma_semaphore, #tpu.memory_space<semaphore_mem>>
    %dma_start3A_12 = arith.constant 0 : i32
    %dma_start3A_13 = arith.constant 0 : i32
    %dma_start3A_14 = tpu.memref_slice %arg4[%dma_start3A_12, %dma_start3A_13] : memref<7x16384xf32, #tpu.memory_space<vmem>> -> memref<1x16384xf32, #tpu.memory_space<vmem>>
    %dma_start3A_15 = arith.constant 0 : i32
    %dma_start3A_16 = tpu.memref_slice %arg2[%add3A_4, %dma_start3A_15] : memref<768x16384xf32, #tpu.memory_space<hbm>> -> memref<1x16384xf32, #tpu.memory_space<hbm>>
    tpu.enqueue_dma source(%dma_start3A_16 : memref<1x16384xf32, #tpu.memory_space<hbm>>) target(%dma_start3A_14 : memref<1x16384xf32, #tpu.memory_space<vmem>>) target_semaphore(%dma_start3A_11 : memref<!tpu.dma_semaphore, #tpu.memory_space<semaphore_mem>>)
    %add3A_17 = arith.constant 1 : i32
    %add3A_18 = arith.addi %mul3A_2, %add3A_17 : i32
    %dma_start3A_19 = arith.constant 1 : i32
    %dma_start3A_20 = arith.constant 1 : i32
    %dma_start3A_21 = arith.constant 0 : i32
    %dma_start3A_22 = tpu.memref_slice %arg4[%dma_start3A_20, %dma_start3A_21] : memref<7x16384xf32, #tpu.memory_space<vmem>> -> memref<1x16384xf32, #tpu.memory_space<vmem>>
    %dma_start3A_23 = arith.constant 0 : i32
    %dma_start3A_24 = tpu.memref_slice %arg2[%add3A_18, %dma_start3A_23] : memref<768x16384xf32, #tpu.memory_space<hbm>> -> memref<1x16384xf32, #tpu.memory_space<hbm>>
    %dma_start3A_25 = tpu.memref_slice %arg5[%dma_start3A_19] : memref<7x!tpu.dma_semaphore, #tpu.memory_space<semaphore_mem>> -> memref<1x!tpu.dma_semaphore, #tpu.memory_space<semaphore_mem>>
    %dma_start3A_26 = tpu.memref_squeeze %dma_start3A_25 : memref<1x!tpu.dma_semaphore, #tpu.memory_space<semaphore_mem>> -> memref<!tpu.dma_semaphore, #tpu.memory_space<semaphore_mem>>
    %dma_start3A_27 = arith.constant 1 : i32
    %dma_start3A_28 = arith.constant 0 : i32
    %dma_start3A_29 = tpu.memref_slice %arg4[%dma_start3A_27, %dma_start3A_28] : memref<7x16384xf32, #tpu.memory_space<vmem>> -> memref<1x16384xf32, #tpu.memory_space<vmem>>
    %dma_start3A_30 = arith.constant 0 : i32
    %dma_start3A_31 = tpu.memref_slice %arg2[%add3A_18, %dma_start3A_30] : memref<768x16384xf32, #tpu.memory_space<hbm>> -> memref<1x16384xf32, #tpu.memory_space<hbm>>
    tpu.enqueue_dma source(%dma_start3A_31 : memref<1x16384xf32, #tpu.memory_space<hbm>>) target(%dma_start3A_29 : memref<1x16384xf32, #tpu.memory_space<vmem>>) target_semaphore(%dma_start3A_26 : memref<!tpu.dma_semaphore, #tpu.memory_space<semaphore_mem>>)
    %add3A_32 = arith.constant 2 : i32
    %add3A_33 = arith.addi %mul3A_2, %add3A_32 : i32
    %dma_start3A_34 = arith.constant 2 : i32
    %dma_start3A_35 = arith.constant 2 : i32
    %dma_start3A_36 = arith.constant 0 : i32
    %dma_start3A_37 = tpu.memref_slice %arg4[%dma_start3A_35, %dma_start3A_36] : memref<7x16384xf32, #tpu.memory_space<vmem>> -> memref<1x16384xf32, #tpu.memory_space<vmem>>
    %dma_start3A_38 = arith.constant 0 : i32
    %dma_start3A_39 = tpu.memref_slice %arg2[%add3A_33, %dma_start3A_38] : memref<768x16384xf32, #tpu.memory_space<hbm>> -> memref<1x16384xf32, #tpu.memory_space<hbm>>
    %dma_start3A_40 = tpu.memref_slice %arg5[%dma_start3A_34] : memref<7x!tpu.dma_semaphore, #tpu.memory_space<semaphore_mem>> -> memref<1x!tpu.dma_semaphore, #tpu.memory_space<semaphore_mem>>
    %dma_start3A_41 = tpu.memref_squeeze %dma_start3A_40 : memref<1x!tpu.dma_semaphore, #tpu.memory_space<semaphore_mem>> -> memref<!tpu.dma_semaphore, #tpu.memory_space<semaphore_mem>>
    %dma_start3A_42 = arith.constant 2 : i32
    %dma_start3A_43 = arith.constant 0 : i32
    %dma_start3A_44 = tpu.memref_slice %arg4[%dma_start3A_42, %dma_start3A_43] : memref<7x16384xf32, #tpu.memory_space<vmem>> -> memref<1x16384xf32, #tpu.memory_space<vmem>>
    %dma_start3A_45 = arith.constant 0 : i32
    %dma_start3A_46 = tpu.memref_slice %arg2[%add3A_33, %dma_start3A_45] : memref<768x16384xf32, #tpu.memory_space<hbm>> -> memref<1x16384xf32, #tpu.memory_space<hbm>>
    tpu.enqueue_dma source(%dma_start3A_46 : memref<1x16384xf32, #tpu.memory_space<hbm>>) target(%dma_start3A_44 : memref<1x16384xf32, #tpu.memory_space<vmem>>) target_semaphore(%dma_start3A_41 : memref<!tpu.dma_semaphore, #tpu.memory_space<semaphore_mem>>)
    %add3A_47 = arith.constant 3 : i32
    %add3A_48 = arith.addi %mul3A_2, %add3A_47 : i32
    %dma_start3A_49 = arith.constant 3 : i32
    %dma_start3A_50 = arith.constant 3 : i32
    %dma_start3A_51 = arith.constant 0 : i32
    %dma_start3A_52 = tpu.memref_slice %arg4[%dma_start3A_50, %dma_start3A_51] : memref<7x16384xf32, #tpu.memory_space<vmem>> -> memref<1x16384xf32, #tpu.memory_space<vmem>>
    %dma_start3A_53 = arith.constant 0 : i32
    %dma_start3A_54 = tpu.memref_slice %arg2[%add3A_48, %dma_start3A_53] : memref<768x16384xf32, #tpu.memory_space<hbm>> -> memref<1x16384xf32, #tpu.memory_space<hbm>>
    %dma_start3A_55 = tpu.memref_slice %arg5[%dma_start3A_49] : memref<7x!tpu.dma_semaphore, #tpu.memory_space<semaphore_mem>> -> memref<1x!tpu.dma_semaphore, #tpu.memory_space<semaphore_mem>>
    %dma_start3A_56 = tpu.memref_squeeze %dma_start3A_55 : memref<1x!tpu.dma_semaphore, #tpu.memory_space<semaphore_mem>> -> memref<!tpu.dma_semaphore, #tpu.memory_space<semaphore_mem>>
    %dma_start3A_57 = arith.constant 3 : i32
    %dma_start3A_58 = arith.constant 0 : i32
    %dma_start3A_59 = tpu.memref_slice %arg4[%dma_start3A_57, %dma_start3A_58] : memref<7x16384xf32, #tpu.memory_space<vmem>> -> memref<1x16384xf32, #tpu.memory_space<vmem>>
    %dma_start3A_60 = arith.constant 0 : i32
    %dma_start3A_61 = tpu.memref_slice %arg2[%add3A_48, %dma_start3A_60] : memref<768x16384xf32, #tpu.memory_space<hbm>> -> memref<1x16384xf32, #tpu.memory_space<hbm>>
    tpu.enqueue_dma source(%dma_start3A_61 : memref<1x16384xf32, #tpu.memory_space<hbm>>) target(%dma_start3A_59 : memref<1x16384xf32, #tpu.memory_space<vmem>>) target_semaphore(%dma_start3A_56 : memref<!tpu.dma_semaphore, #tpu.memory_space<semaphore_mem>>)
    %add3A_62 = arith.constant 4 : i32
    %add3A_63 = arith.addi %mul3A_2, %add3A_62 : i32
    %dma_start3A_64 = arith.constant 4 : i32
    %dma_start3A_65 = arith.constant 4 : i32
    %dma_start3A_66 = arith.constant 0 : i32
    %dma_start3A_67 = tpu.memref_slice %arg4[%dma_start3A_65, %dma_start3A_66] : memref<7x16384xf32, #tpu.memory_space<vmem>> -> memref<1x16384xf32, #tpu.memory_space<vmem>>
    %dma_start3A_68 = arith.constant 0 : i32
    %dma_start3A_69 = tpu.memref_slice %arg2[%add3A_63, %dma_start3A_68] : memref<768x16384xf32, #tpu.memory_space<hbm>> -> memref<1x16384xf32, #tpu.memory_space<hbm>>
    %dma_start3A_70 = tpu.memref_slice %arg5[%dma_start3A_64] : memref<7x!tpu.dma_semaphore, #tpu.memory_space<semaphore_mem>> -> memref<1x!tpu.dma_semaphore, #tpu.memory_space<semaphore_mem>>
    %dma_start3A_71 = tpu.memref_squeeze %dma_start3A_70 : memref<1x!tpu.dma_semaphore, #tpu.memory_space<semaphore_mem>> -> memref<!tpu.dma_semaphore, #tpu.memory_space<semaphore_mem>>
    %dma_start3A_72 = arith.constant 4 : i32
    %dma_start3A_73 = arith.constant 0 : i32
    %dma_start3A_74 = tpu.memref_slice %arg4[%dma_start3A_72, %dma_start3A_73] : memref<7x16384xf32, #tpu.memory_space<vmem>> -> memref<1x16384xf32, #tpu.memory_space<vmem>>
    %dma_start3A_75 = arith.constant 0 : i32
    %dma_start3A_76 = tpu.memref_slice %arg2[%add3A_63, %dma_start3A_75] : memref<768x16384xf32, #tpu.memory_space<hbm>> -> memref<1x16384xf32, #tpu.memory_space<hbm>>
    tpu.enqueue_dma source(%dma_start3A_76 : memref<1x16384xf32, #tpu.memory_space<hbm>>) target(%dma_start3A_74 : memref<1x16384xf32, #tpu.memory_space<vmem>>) target_semaphore(%dma_start3A_71 : memref<!tpu.dma_semaphore, #tpu.memory_space<semaphore_mem>>)
    %add3A_77 = arith.constant 5 : i32
    %add3A_78 = arith.addi %mul3A_2, %add3A_77 : i32
    %dma_start3A_79 = arith.constant 5 : i32
    %dma_start3A_80 = arith.constant 5 : i32
    %dma_start3A_81 = arith.constant 0 : i32
    %dma_start3A_82 = tpu.memref_slice %arg4[%dma_start3A_80, %dma_start3A_81] : memref<7x16384xf32, #tpu.memory_space<vmem>> -> memref<1x16384xf32, #tpu.memory_space<vmem>>
    %dma_start3A_83 = arith.constant 0 : i32
    %dma_start3A_84 = tpu.memref_slice %arg2[%add3A_78, %dma_start3A_83] : memref<768x16384xf32, #tpu.memory_space<hbm>> -> memref<1x16384xf32, #tpu.memory_space<hbm>>
    %dma_start3A_85 = tpu.memref_slice %arg5[%dma_start3A_79] : memref<7x!tpu.dma_semaphore, #tpu.memory_space<semaphore_mem>> -> memref<1x!tpu.dma_semaphore, #tpu.memory_space<semaphore_mem>>
    %dma_start3A_86 = tpu.memref_squeeze %dma_start3A_85 : memref<1x!tpu.dma_semaphore, #tpu.memory_space<semaphore_mem>> -> memref<!tpu.dma_semaphore, #tpu.memory_space<semaphore_mem>>
    %dma_start3A_87 = arith.constant 5 : i32
    %dma_start3A_88 = arith.constant 0 : i32
    %dma_start3A_89 = tpu.memref_slice %arg4[%dma_start3A_87, %dma_start3A_88] : memref<7x16384xf32, #tpu.memory_space<vmem>> -> memref<1x16384xf32, #tpu.memory_space<vmem>>
    %dma_start3A_90 = arith.constant 0 : i32
    %dma_start3A_91 = tpu.memref_slice %arg2[%add3A_78, %dma_start3A_90] : memref<768x16384xf32, #tpu.memory_space<hbm>> -> memref<1x16384xf32, #tpu.memory_space<hbm>>
    tpu.enqueue_dma source(%dma_start3A_91 : memref<1x16384xf32, #tpu.memory_space<hbm>>) target(%dma_start3A_89 : memref<1x16384xf32, #tpu.memory_space<vmem>>) target_semaphore(%dma_start3A_86 : memref<!tpu.dma_semaphore, #tpu.memory_space<semaphore_mem>>)
    %add3A_92 = arith.constant 6 : i32
    %add3A_93 = arith.addi %mul3A_2, %add3A_92 : i32
    %dma_start3A_94 = arith.constant 6 : i32
    %dma_start3A_95 = arith.constant 6 : i32
    %dma_start3A_96 = arith.constant 0 : i32
    %dma_start3A_97 = tpu.memref_slice %arg4[%dma_start3A_95, %dma_start3A_96] : memref<7x16384xf32, #tpu.memory_space<vmem>> -> memref<1x16384xf32, #tpu.memory_space<vmem>>
    %dma_start3A_98 = arith.constant 0 : i32
    %dma_start3A_99 = tpu.memref_slice %arg2[%add3A_93, %dma_start3A_98] : memref<768x16384xf32, #tpu.memory_space<hbm>> -> memref<1x16384xf32, #tpu.memory_space<hbm>>
    %dma_start3A_100 = tpu.memref_slice %arg5[%dma_start3A_94] : memref<7x!tpu.dma_semaphore, #tpu.memory_space<semaphore_mem>> -> memref<1x!tpu.dma_semaphore, #tpu.memory_space<semaphore_mem>>
    %dma_start3A_101 = tpu.memref_squeeze %dma_start3A_100 : memref<1x!tpu.dma_semaphore, #tpu.memory_space<semaphore_mem>> -> memref<!tpu.dma_semaphore, #tpu.memory_space<semaphore_mem>>
    %dma_start3A_102 = arith.constant 6 : i32
    %dma_start3A_103 = arith.constant 0 : i32
    %dma_start3A_104 = tpu.memref_slice %arg4[%dma_start3A_102, %dma_start3A_103] : memref<7x16384xf32, #tpu.memory_space<vmem>> -> memref<1x16384xf32, #tpu.memory_space<vmem>>
    %dma_start3A_105 = arith.constant 0 : i32
    %dma_start3A_106 = tpu.memref_slice %arg2[%add3A_93, %dma_start3A_105] : memref<768x16384xf32, #tpu.memory_space<hbm>> -> memref<1x16384xf32, #tpu.memory_space<hbm>>
    tpu.enqueue_dma source(%dma_start3A_106 : memref<1x16384xf32, #tpu.memory_space<hbm>>) target(%dma_start3A_104 : memref<1x16384xf32, #tpu.memory_space<vmem>>) target_semaphore(%dma_start3A_101 : memref<!tpu.dma_semaphore, #tpu.memory_space<semaphore_mem>>)
    %dma_wait3A = arith.constant 0 : i32
    %dma_wait3A_107 = arith.constant 0 : i32
    %dma_wait3A_108 = arith.constant 0 : i32
    %dma_wait3A_109 = tpu.memref_slice %arg4[%dma_wait3A_107, %dma_wait3A_108] : memref<7x16384xf32, #tpu.memory_space<vmem>> -> memref<1x16384xf32, #tpu.memory_space<vmem>>
    %dma_wait3A_110 = arith.constant 0 : i32
    %dma_wait3A_111 = tpu.memref_slice %arg2[%add3A_4, %dma_wait3A_110] : memref<768x16384xf32, #tpu.memory_space<hbm>> -> memref<1x16384xf32, #tpu.memory_space<hbm>>
    %dma_wait3A_112 = tpu.memref_slice %arg5[%dma_wait3A] : memref<7x!tpu.dma_semaphore, #tpu.memory_space<semaphore_mem>> -> memref<1x!tpu.dma_semaphore, #tpu.memory_space<semaphore_mem>>
    %dma_wait3A_113 = tpu.memref_squeeze %dma_wait3A_112 : memref<1x!tpu.dma_semaphore, #tpu.memory_space<semaphore_mem>> -> memref<!tpu.dma_semaphore, #tpu.memory_space<semaphore_mem>>
    %dma_wait3A_114 = arith.constant 0 : i32
    %dma_wait3A_115 = arith.constant 0 : i32
    %dma_wait3A_116 = tpu.memref_slice %arg4[%dma_wait3A_114, %dma_wait3A_115] : memref<7x16384xf32, #tpu.memory_space<vmem>> -> memref<1x16384xf32, #tpu.memory_space<vmem>>
    %dma_wait3A_117 = arith.constant 0 : i32
    %dma_wait3A_118 = tpu.memref_slice %arg2[%add3A_4, %dma_wait3A_117] : memref<768x16384xf32, #tpu.memory_space<hbm>> -> memref<1x16384xf32, #tpu.memory_space<hbm>>
    tpu.wait_dma2 semaphore(%dma_wait3A_113 : memref<!tpu.dma_semaphore, #tpu.memory_space<semaphore_mem>>) src(%dma_wait3A_118 : memref<1x16384xf32, #tpu.memory_space<hbm>>) dst(%dma_wait3A_116 : memref<1x16384xf32, #tpu.memory_space<vmem>>)
    %add3A_119 = arith.constant 0 : i32
    %add3A_120 = arith.addi %mul3A_2, %add3A_119 : i32
    %dma_start3A_121 = arith.constant 0 : i32
    %dma_start3A_122 = arith.constant 0 : i32
    %dma_start3A_123 = arith.constant 0 : i32
    %dma_start3A_124 = tpu.memref_slice %arg4[%dma_start3A_122, %dma_start3A_123] : memref<7x16384xf32, #tpu.memory_space<vmem>> -> memref<1x16384xf32, #tpu.memory_space<vmem>>
    %dma_start3A_125 = arith.constant 0 : i32
    %dma_start3A_126 = tpu.memref_slice %arg3[%add3A_120, %dma_start3A_125] : memref<768x16384xf32, #tpu.memory_space<hbm>> -> memref<1x16384xf32, #tpu.memory_space<hbm>>
    %dma_start3A_127 = tpu.memref_slice %arg6[%dma_start3A_121] : memref<7x!tpu.dma_semaphore, #tpu.memory_space<semaphore_mem>> -> memref<1x!tpu.dma_semaphore, #tpu.memory_space<semaphore_mem>>
    %dma_start3A_128 = tpu.memref_squeeze %dma_start3A_127 : memref<1x!tpu.dma_semaphore, #tpu.memory_space<semaphore_mem>> -> memref<!tpu.dma_semaphore, #tpu.memory_space<semaphore_mem>>
    %dma_start3A_129 = arith.constant 0 : i32
    %dma_start3A_130 = tpu.memref_slice %arg3[%add3A_120, %dma_start3A_129] : memref<768x16384xf32, #tpu.memory_space<hbm>> -> memref<1x16384xf32, #tpu.memory_space<hbm>>
    %dma_start3A_131 = arith.constant 0 : i32
    %dma_start3A_132 = arith.constant 0 : i32
    %dma_start3A_133 = tpu.memref_slice %arg4[%dma_start3A_131, %dma_start3A_132] : memref<7x16384xf32, #tpu.memory_space<vmem>> -> memref<1x16384xf32, #tpu.memory_space<vmem>>
    tpu.enqueue_dma source(%dma_start3A_133 : memref<1x16384xf32, #tpu.memory_space<vmem>>) target(%dma_start3A_130 : memref<1x16384xf32, #tpu.memory_space<hbm>>) target_semaphore(%dma_start3A_128 : memref<!tpu.dma_semaphore, #tpu.memory_space<semaphore_mem>>)
    %dma_wait3A_134 = arith.constant 0 : i32
    %dma_wait3A_135 = arith.constant 0 : i32
    %dma_wait3A_136 = arith.constant 0 : i32
    %dma_wait3A_137 = tpu.memref_slice %arg4[%dma_wait3A_135, %dma_wait3A_136] : memref<7x16384xf32, #tpu.memory_space<vmem>> -> memref<1x16384xf32, #tpu.memory_space<vmem>>
    %dma_wait3A_138 = arith.constant 0 : i32
    %dma_wait3A_139 = tpu.memref_slice %arg3[%add3A_120, %dma_wait3A_138] : memref<768x16384xf32, #tpu.memory_space<hbm>> -> memref<1x16384xf32, #tpu.memory_space<hbm>>
    %dma_wait3A_140 = tpu.memref_slice %arg6[%dma_wait3A_134] : memref<7x!tpu.dma_semaphore, #tpu.memory_space<semaphore_mem>> -> memref<1x!tpu.dma_semaphore, #tpu.memory_space<semaphore_mem>>
    %dma_wait3A_141 = tpu.memref_squeeze %dma_wait3A_140 : memref<1x!tpu.dma_semaphore, #tpu.memory_space<semaphore_mem>> -> memref<!tpu.dma_semaphore, #tpu.memory_space<semaphore_mem>>
    %dma_wait3A_142 = arith.constant 0 : i32
    %dma_wait3A_143 = tpu.memref_slice %arg3[%add3A_120, %dma_wait3A_142] : memref<768x16384xf32, #tpu.memory_space<hbm>> -> memref<1x16384xf32, #tpu.memory_space<hbm>>
    %dma_wait3A_144 = arith.constant 0 : i32
    %dma_wait3A_145 = arith.constant 0 : i32
    %dma_wait3A_146 = tpu.memref_slice %arg4[%dma_wait3A_144, %dma_wait3A_145] : memref<7x16384xf32, #tpu.memory_space<vmem>> -> memref<1x16384xf32, #tpu.memory_space<vmem>>
    tpu.wait_dma2 semaphore(%dma_wait3A_141 : memref<!tpu.dma_semaphore, #tpu.memory_space<semaphore_mem>>) src(%dma_wait3A_146 : memref<1x16384xf32, #tpu.memory_space<vmem>>) dst(%dma_wait3A_143 : memref<1x16384xf32, #tpu.memory_space<hbm>>)
    %add3A_147 = arith.constant 7 : i32
    %add3A_148 = arith.addi %mul3A_2, %add3A_147 : i32
    %dma_start3A_149 = arith.constant 0 : i32
    %dma_start3A_150 = arith.constant 0 : i32
    %dma_start3A_151 = arith.constant 0 : i32
    %dma_start3A_152 = tpu.memref_slice %arg4[%dma_start3A_150, %dma_start3A_151] : memref<7x16384xf32, #tpu.memory_space<vmem>> -> memref<1x16384xf32, #tpu.memory_space<vmem>>
    %dma_start3A_153 = arith.constant 0 : i32
    %dma_start3A_154 = tpu.memref_slice %arg2[%add3A_148, %dma_start3A_153] : memref<768x16384xf32, #tpu.memory_space<hbm>> -> memref<1x16384xf32, #tpu.memory_space<hbm>>
    %dma_start3A_155 = tpu.memref_slice %arg5[%dma_start3A_149] : memref<7x!tpu.dma_semaphore, #tpu.memory_space<semaphore_mem>> -> memref<1x!tpu.dma_semaphore, #tpu.memory_space<semaphore_mem>>
    %dma_start3A_156 = tpu.memref_squeeze %dma_start3A_155 : memref<1x!tpu.dma_semaphore, #tpu.memory_space<semaphore_mem>> -> memref<!tpu.dma_semaphore, #tpu.memory_space<semaphore_mem>>
    %dma_start3A_157 = arith.constant 0 : i32
    %dma_start3A_158 = arith.constant 0 : i32
    %dma_start3A_159 = tpu.memref_slice %arg4[%dma_start3A_157, %dma_start3A_158] : memref<7x16384xf32, #tpu.memory_space<vmem>> -> memref<1x16384xf32, #tpu.memory_space<vmem>>
    %dma_start3A_160 = arith.constant 0 : i32
    %dma_start3A_161 = tpu.memref_slice %arg2[%add3A_148, %dma_start3A_160] : memref<768x16384xf32, #tpu.memory_space<hbm>> -> memref<1x16384xf32, #tpu.memory_space<hbm>>
    tpu.enqueue_dma source(%dma_start3A_161 : memref<1x16384xf32, #tpu.memory_space<hbm>>) target(%dma_start3A_159 : memref<1x16384xf32, #tpu.memory_space<vmem>>) target_semaphore(%dma_start3A_156 : memref<!tpu.dma_semaphore, #tpu.memory_space<semaphore_mem>>)
    %dma_wait3A_162 = arith.constant 1 : i32
    %dma_wait3A_163 = arith.constant 1 : i32
    %dma_wait3A_164 = arith.constant 0 : i32
    %dma_wait3A_165 = tpu.memref_slice %arg4[%dma_wait3A_163, %dma_wait3A_164] : memref<7x16384xf32, #tpu.memory_space<vmem>> -> memref<1x16384xf32, #tpu.memory_space<vmem>>
    %dma_wait3A_166 = arith.constant 0 : i32
    %dma_wait3A_167 = tpu.memref_slice %arg2[%add3A_18, %dma_wait3A_166] : memref<768x16384xf32, #tpu.memory_space<hbm>> -> memref<1x16384xf32, #tpu.memory_space<hbm>>
    %dma_wait3A_168 = tpu.memref_slice %arg5[%dma_wait3A_162] : memref<7x!tpu.dma_semaphore, #tpu.memory_space<semaphore_mem>> -> memref<1x!tpu.dma_semaphore, #tpu.memory_space<semaphore_mem>>
    %dma_wait3A_169 = tpu.memref_squeeze %dma_wait3A_168 : memref<1x!tpu.dma_semaphore, #tpu.memory_space<semaphore_mem>> -> memref<!tpu.dma_semaphore, #tpu.memory_space<semaphore_mem>>
    %dma_wait3A_170 = arith.constant 1 : i32
    %dma_wait3A_171 = arith.constant 0 : i32
    %dma_wait3A_172 = tpu.memref_slice %arg4[%dma_wait3A_170, %dma_wait3A_171] : memref<7x16384xf32, #tpu.memory_space<vmem>> -> memref<1x16384xf32, #tpu.memory_space<vmem>>
    %dma_wait3A_173 = arith.constant 0 : i32
    %dma_wait3A_174 = tpu.memref_slice %arg2[%add3A_18, %dma_wait3A_173] : memref<768x16384xf32, #tpu.memory_space<hbm>> -> memref<1x16384xf32, #tpu.memory_space<hbm>>
    tpu.wait_dma2 semaphore(%dma_wait3A_169 : memref<!tpu.dma_semaphore, #tpu.memory_space<semaphore_mem>>) src(%dma_wait3A_174 : memref<1x16384xf32, #tpu.memory_space<hbm>>) dst(%dma_wait3A_172 : memref<1x16384xf32, #tpu.memory_space<vmem>>)
    %add3A_175 = arith.constant 1 : i32
    %add3A_176 = arith.addi %mul3A_2, %add3A_175 : i32
    %dma_start3A_177 = arith.constant 1 : i32
    %dma_start3A_178 = arith.constant 1 : i32
    %dma_start3A_179 = arith.constant 0 : i32
    %dma_start3A_180 = tpu.memref_slice %arg4[%dma_start3A_178, %dma_start3A_179] : memref<7x16384xf32, #tpu.memory_space<vmem>> -> memref<1x16384xf32, #tpu.memory_space<vmem>>
    %dma_start3A_181 = arith.constant 0 : i32
    %dma_start3A_182 = tpu.memref_slice %arg3[%add3A_176, %dma_start3A_181] : memref<768x16384xf32, #tpu.memory_space<hbm>> -> memref<1x16384xf32, #tpu.memory_space<hbm>>
    %dma_start3A_183 = tpu.memref_slice %arg6[%dma_start3A_177] : memref<7x!tpu.dma_semaphore, #tpu.memory_space<semaphore_mem>> -> memref<1x!tpu.dma_semaphore, #tpu.memory_space<semaphore_mem>>
    %dma_start3A_184 = tpu.memref_squeeze %dma_start3A_183 : memref<1x!tpu.dma_semaphore, #tpu.memory_space<semaphore_mem>> -> memref<!tpu.dma_semaphore, #tpu.memory_space<semaphore_mem>>
    %dma_start3A_185 = arith.constant 0 : i32
    %dma_start3A_186 = tpu.memref_slice %arg3[%add3A_176, %dma_start3A_185] : memref<768x16384xf32, #tpu.memory_space<hbm>> -> memref<1x16384xf32, #tpu.memory_space<hbm>>
    %dma_start3A_187 = arith.constant 1 : i32
    %dma_start3A_188 = arith.constant 0 : i32
    %dma_start3A_189 = tpu.memref_slice %arg4[%dma_start3A_187, %dma_start3A_188] : memref<7x16384xf32, #tpu.memory_space<vmem>> -> memref<1x16384xf32, #tpu.memory_space<vmem>>
    tpu.enqueue_dma source(%dma_start3A_189 : memref<1x16384xf32, #tpu.memory_space<vmem>>) target(%dma_start3A_186 : memref<1x16384xf32, #tpu.memory_space<hbm>>) target_semaphore(%dma_start3A_184 : memref<!tpu.dma_semaphore, #tpu.memory_space<semaphore_mem>>)
    %dma_wait3A_190 = arith.constant 1 : i32
    %dma_wait3A_191 = arith.constant 1 : i32
    %dma_wait3A_192 = arith.constant 0 : i32
    %dma_wait3A_193 = tpu.memref_slice %arg4[%dma_wait3A_191, %dma_wait3A_192] : memref<7x16384xf32, #tpu.memory_space<vmem>> -> memref<1x16384xf32, #tpu.memory_space<vmem>>
    %dma_wait3A_194 = arith.constant 0 : i32
    %dma_wait3A_195 = tpu.memref_slice %arg3[%add3A_176, %dma_wait3A_194] : memref<768x16384xf32, #tpu.memory_space<hbm>> -> memref<1x16384xf32, #tpu.memory_space<hbm>>
    %dma_wait3A_196 = tpu.memref_slice %arg6[%dma_wait3A_190] : memref<7x!tpu.dma_semaphore, #tpu.memory_space<semaphore_mem>> -> memref<1x!tpu.dma_semaphore, #tpu.memory_space<semaphore_mem>>
    %dma_wait3A_197 = tpu.memref_squeeze %dma_wait3A_196 : memref<1x!tpu.dma_semaphore, #tpu.memory_space<semaphore_mem>> -> memref<!tpu.dma_semaphore, #tpu.memory_space<semaphore_mem>>
    %dma_wait3A_198 = arith.constant 0 : i32
    %dma_wait3A_199 = tpu.memref_slice %arg3[%add3A_176, %dma_wait3A_198] : memref<768x16384xf32, #tpu.memory_space<hbm>> -> memref<1x16384xf32, #tpu.memory_space<hbm>>
    %dma_wait3A_200 = arith.constant 1 : i32
    %dma_wait3A_201 = arith.constant 0 : i32
    %dma_wait3A_202 = tpu.memref_slice %arg4[%dma_wait3A_200, %dma_wait3A_201] : memref<7x16384xf32, #tpu.memory_space<vmem>> -> memref<1x16384xf32, #tpu.memory_space<vmem>>
    tpu.wait_dma2 semaphore(%dma_wait3A_197 : memref<!tpu.dma_semaphore, #tpu.memory_space<semaphore_mem>>) src(%dma_wait3A_202 : memref<1x16384xf32, #tpu.memory_space<vmem>>) dst(%dma_wait3A_199 : memref<1x16384xf32, #tpu.memory_space<hbm>>)
    %add3A_203 = arith.constant 8 : i32
    %add3A_204 = arith.addi %mul3A_2, %add3A_203 : i32
    %dma_start3A_205 = arith.constant 1 : i32
    %dma_start3A_206 = arith.constant 1 : i32
    %dma_start3A_207 = arith.constant 0 : i32
    %dma_start3A_208 = tpu.memref_slice %arg4[%dma_start3A_206, %dma_start3A_207] : memref<7x16384xf32, #tpu.memory_space<vmem>> -> memref<1x16384xf32, #tpu.memory_space<vmem>>
    %dma_start3A_209 = arith.constant 0 : i32
    %dma_start3A_210 = tpu.memref_slice %arg2[%add3A_204, %dma_start3A_209] : memref<768x16384xf32, #tpu.memory_space<hbm>> -> memref<1x16384xf32, #tpu.memory_space<hbm>>
    %dma_start3A_211 = tpu.memref_slice %arg5[%dma_start3A_205] : memref<7x!tpu.dma_semaphore, #tpu.memory_space<semaphore_mem>> -> memref<1x!tpu.dma_semaphore, #tpu.memory_space<semaphore_mem>>
    %dma_start3A_212 = tpu.memref_squeeze %dma_start3A_211 : memref<1x!tpu.dma_semaphore, #tpu.memory_space<semaphore_mem>> -> memref<!tpu.dma_semaphore, #tpu.memory_space<semaphore_mem>>
    %dma_start3A_213 = arith.constant 1 : i32
    %dma_start3A_214 = arith.constant 0 : i32
    %dma_start3A_215 = tpu.memref_slice %arg4[%dma_start3A_213, %dma_start3A_214] : memref<7x16384xf32, #tpu.memory_space<vmem>> -> memref<1x16384xf32, #tpu.memory_space<vmem>>
    %dma_start3A_216 = arith.constant 0 : i32
    %dma_start3A_217 = tpu.memref_slice %arg2[%add3A_204, %dma_start3A_216] : memref<768x16384xf32, #tpu.memory_space<hbm>> -> memref<1x16384xf32, #tpu.memory_space<hbm>>
    tpu.enqueue_dma source(%dma_start3A_217 : memref<1x16384xf32, #tpu.memory_space<hbm>>) target(%dma_start3A_215 : memref<1x16384xf32, #tpu.memory_space<vmem>>) target_semaphore(%dma_start3A_212 : memref<!tpu.dma_semaphore, #tpu.memory_space<semaphore_mem>>)
    %dma_wait3A_218 = arith.constant 2 : i32
    %dma_wait3A_219 = arith.constant 2 : i32
    %dma_wait3A_220 = arith.constant 0 : i32
    %dma_wait3A_221 = tpu.memref_slice %arg4[%dma_wait3A_219, %dma_wait3A_220] : memref<7x16384xf32, #tpu.memory_space<vmem>> -> memref<1x16384xf32, #tpu.memory_space<vmem>>
    %dma_wait3A_222 = arith.constant 0 : i32
    %dma_wait3A_223 = tpu.memref_slice %arg2[%add3A_33, %dma_wait3A_222] : memref<768x16384xf32, #tpu.memory_space<hbm>> -> memref<1x16384xf32, #tpu.memory_space<hbm>>
    %dma_wait3A_224 = tpu.memref_slice %arg5[%dma_wait3A_218] : memref<7x!tpu.dma_semaphore, #tpu.memory_space<semaphore_mem>> -> memref<1x!tpu.dma_semaphore, #tpu.memory_space<semaphore_mem>>
    %dma_wait3A_225 = tpu.memref_squeeze %dma_wait3A_224 : memref<1x!tpu.dma_semaphore, #tpu.memory_space<semaphore_mem>> -> memref<!tpu.dma_semaphore, #tpu.memory_space<semaphore_mem>>
    %dma_wait3A_226 = arith.constant 2 : i32
    %dma_wait3A_227 = arith.constant 0 : i32
    %dma_wait3A_228 = tpu.memref_slice %arg4[%dma_wait3A_226, %dma_wait3A_227] : memref<7x16384xf32, #tpu.memory_space<vmem>> -> memref<1x16384xf32, #tpu.memory_space<vmem>>
    %dma_wait3A_229 = arith.constant 0 : i32
    %dma_wait3A_230 = tpu.memref_slice %arg2[%add3A_33, %dma_wait3A_229] : memref<768x16384xf32, #tpu.memory_space<hbm>> -> memref<1x16384xf32, #tpu.memory_space<hbm>>
    tpu.wait_dma2 semaphore(%dma_wait3A_225 : memref<!tpu.dma_semaphore, #tpu.memory_space<semaphore_mem>>) src(%dma_wait3A_230 : memref<1x16384xf32, #tpu.memory_space<hbm>>) dst(%dma_wait3A_228 : memref<1x16384xf32, #tpu.memory_space<vmem>>)
    %add3A_231 = arith.constant 2 : i32
    %add3A_232 = arith.addi %mul3A_2, %add3A_231 : i32
    %dma_start3A_233 = arith.constant 2 : i32
    %dma_start3A_234 = arith.constant 2 : i32
    %dma_start3A_235 = arith.constant 0 : i32
    %dma_start3A_236 = tpu.memref_slice %arg4[%dma_start3A_234, %dma_start3A_235] : memref<7x16384xf32, #tpu.memory_space<vmem>> -> memref<1x16384xf32, #tpu.memory_space<vmem>>
    %dma_start3A_237 = arith.constant 0 : i32
    %dma_start3A_238 = tpu.memref_slice %arg3[%add3A_232, %dma_start3A_237] : memref<768x16384xf32, #tpu.memory_space<hbm>> -> memref<1x16384xf32, #tpu.memory_space<hbm>>
    %dma_start3A_239 = tpu.memref_slice %arg6[%dma_start3A_233] : memref<7x!tpu.dma_semaphore, #tpu.memory_space<semaphore_mem>> -> memref<1x!tpu.dma_semaphore, #tpu.memory_space<semaphore_mem>>
    %dma_start3A_240 = tpu.memref_squeeze %dma_start3A_239 : memref<1x!tpu.dma_semaphore, #tpu.memory_space<semaphore_mem>> -> memref<!tpu.dma_semaphore, #tpu.memory_space<semaphore_mem>>
    %dma_start3A_241 = arith.constant 0 : i32
    %dma_start3A_242 = tpu.memref_slice %arg3[%add3A_232, %dma_start3A_241] : memref<768x16384xf32, #tpu.memory_space<hbm>> -> memref<1x16384xf32, #tpu.memory_space<hbm>>
    %dma_start3A_243 = arith.constant 2 : i32
    %dma_start3A_244 = arith.constant 0 : i32
    %dma_start3A_245 = tpu.memref_slice %arg4[%dma_start3A_243, %dma_start3A_244] : memref<7x16384xf32, #tpu.memory_space<vmem>> -> memref<1x16384xf32, #tpu.memory_space<vmem>>
    tpu.enqueue_dma source(%dma_start3A_245 : memref<1x16384xf32, #tpu.memory_space<vmem>>) target(%dma_start3A_242 : memref<1x16384xf32, #tpu.memory_space<hbm>>) target_semaphore(%dma_start3A_240 : memref<!tpu.dma_semaphore, #tpu.memory_space<semaphore_mem>>)
    %dma_wait3A_246 = arith.constant 2 : i32
    %dma_wait3A_247 = arith.constant 2 : i32
    %dma_wait3A_248 = arith.constant 0 : i32
    %dma_wait3A_249 = tpu.memref_slice %arg4[%dma_wait3A_247, %dma_wait3A_248] : memref<7x16384xf32, #tpu.memory_space<vmem>> -> memref<1x16384xf32, #tpu.memory_space<vmem>>
    %dma_wait3A_250 = arith.constant 0 : i32
    %dma_wait3A_251 = tpu.memref_slice %arg3[%add3A_232, %dma_wait3A_250] : memref<768x16384xf32, #tpu.memory_space<hbm>> -> memref<1x16384xf32, #tpu.memory_space<hbm>>
    %dma_wait3A_252 = tpu.memref_slice %arg6[%dma_wait3A_246] : memref<7x!tpu.dma_semaphore, #tpu.memory_space<semaphore_mem>> -> memref<1x!tpu.dma_semaphore, #tpu.memory_space<semaphore_mem>>
    %dma_wait3A_253 = tpu.memref_squeeze %dma_wait3A_252 : memref<1x!tpu.dma_semaphore, #tpu.memory_space<semaphore_mem>> -> memref<!tpu.dma_semaphore, #tpu.memory_space<semaphore_mem>>
    %dma_wait3A_254 = arith.constant 0 : i32
    %dma_wait3A_255 = tpu.memref_slice %arg3[%add3A_232, %dma_wait3A_254] : memref<768x16384xf32, #tpu.memory_space<hbm>> -> memref<1x16384xf32, #tpu.memory_space<hbm>>
    %dma_wait3A_256 = arith.constant 2 : i32
    %dma_wait3A_257 = arith.constant 0 : i32
    %dma_wait3A_258 = tpu.memref_slice %arg4[%dma_wait3A_256, %dma_wait3A_257] : memref<7x16384xf32, #tpu.memory_space<vmem>> -> memref<1x16384xf32, #tpu.memory_space<vmem>>
    tpu.wait_dma2 semaphore(%dma_wait3A_253 : memref<!tpu.dma_semaphore, #tpu.memory_space<semaphore_mem>>) src(%dma_wait3A_258 : memref<1x16384xf32, #tpu.memory_space<vmem>>) dst(%dma_wait3A_255 : memref<1x16384xf32, #tpu.memory_space<hbm>>)
    %add3A_259 = arith.constant 9 : i32
    %add3A_260 = arith.addi %mul3A_2, %add3A_259 : i32
    %dma_start3A_261 = arith.constant 2 : i32
    %dma_start3A_262 = arith.constant 2 : i32
    %dma_start3A_263 = arith.constant 0 : i32
    %dma_start3A_264 = tpu.memref_slice %arg4[%dma_start3A_262, %dma_start3A_263] : memref<7x16384xf32, #tpu.memory_space<vmem>> -> memref<1x16384xf32, #tpu.memory_space<vmem>>
    %dma_start3A_265 = arith.constant 0 : i32
    %dma_start3A_266 = tpu.memref_slice %arg2[%add3A_260, %dma_start3A_265] : memref<768x16384xf32, #tpu.memory_space<hbm>> -> memref<1x16384xf32, #tpu.memory_space<hbm>>
    %dma_start3A_267 = tpu.memref_slice %arg5[%dma_start3A_261] : memref<7x!tpu.dma_semaphore, #tpu.memory_space<semaphore_mem>> -> memref<1x!tpu.dma_semaphore, #tpu.memory_space<semaphore_mem>>
    %dma_start3A_268 = tpu.memref_squeeze %dma_start3A_267 : memref<1x!tpu.dma_semaphore, #tpu.memory_space<semaphore_mem>> -> memref<!tpu.dma_semaphore, #tpu.memory_space<semaphore_mem>>
    %dma_start3A_269 = arith.constant 2 : i32
    %dma_start3A_270 = arith.constant 0 : i32
    %dma_start3A_271 = tpu.memref_slice %arg4[%dma_start3A_269, %dma_start3A_270] : memref<7x16384xf32, #tpu.memory_space<vmem>> -> memref<1x16384xf32, #tpu.memory_space<vmem>>
    %dma_start3A_272 = arith.constant 0 : i32
    %dma_start3A_273 = tpu.memref_slice %arg2[%add3A_260, %dma_start3A_272] : memref<768x16384xf32, #tpu.memory_space<hbm>> -> memref<1x16384xf32, #tpu.memory_space<hbm>>
    tpu.enqueue_dma source(%dma_start3A_273 : memref<1x16384xf32, #tpu.memory_space<hbm>>) target(%dma_start3A_271 : memref<1x16384xf32, #tpu.memory_space<vmem>>) target_semaphore(%dma_start3A_268 : memref<!tpu.dma_semaphore, #tpu.memory_space<semaphore_mem>>)
    %dma_wait3A_274 = arith.constant 3 : i32
    %dma_wait3A_275 = arith.constant 3 : i32
    %dma_wait3A_276 = arith.constant 0 : i32
    %dma_wait3A_277 = tpu.memref_slice %arg4[%dma_wait3A_275, %dma_wait3A_276] : memref<7x16384xf32, #tpu.memory_space<vmem>> -> memref<1x16384xf32, #tpu.memory_space<vmem>>
    %dma_wait3A_278 = arith.constant 0 : i32
    %dma_wait3A_279 = tpu.memref_slice %arg2[%add3A_48, %dma_wait3A_278] : memref<768x16384xf32, #tpu.memory_space<hbm>> -> memref<1x16384xf32, #tpu.memory_space<hbm>>
    %dma_wait3A_280 = tpu.memref_slice %arg5[%dma_wait3A_274] : memref<7x!tpu.dma_semaphore, #tpu.memory_space<semaphore_mem>> -> memref<1x!tpu.dma_semaphore, #tpu.memory_space<semaphore_mem>>
    %dma_wait3A_281 = tpu.memref_squeeze %dma_wait3A_280 : memref<1x!tpu.dma_semaphore, #tpu.memory_space<semaphore_mem>> -> memref<!tpu.dma_semaphore, #tpu.memory_space<semaphore_mem>>
    %dma_wait3A_282 = arith.constant 3 : i32
    %dma_wait3A_283 = arith.constant 0 : i32
    %dma_wait3A_284 = tpu.memref_slice %arg4[%dma_wait3A_282, %dma_wait3A_283] : memref<7x16384xf32, #tpu.memory_space<vmem>> -> memref<1x16384xf32, #tpu.memory_space<vmem>>
    %dma_wait3A_285 = arith.constant 0 : i32
    %dma_wait3A_286 = tpu.memref_slice %arg2[%add3A_48, %dma_wait3A_285] : memref<768x16384xf32, #tpu.memory_space<hbm>> -> memref<1x16384xf32, #tpu.memory_space<hbm>>
    tpu.wait_dma2 semaphore(%dma_wait3A_281 : memref<!tpu.dma_semaphore, #tpu.memory_space<semaphore_mem>>) src(%dma_wait3A_286 : memref<1x16384xf32, #tpu.memory_space<hbm>>) dst(%dma_wait3A_284 : memref<1x16384xf32, #tpu.memory_space<vmem>>)
    %add3A_287 = arith.constant 3 : i32
    %add3A_288 = arith.addi %mul3A_2, %add3A_287 : i32
    %dma_start3A_289 = arith.constant 3 : i32
    %dma_start3A_290 = arith.constant 3 : i32
    %dma_start3A_291 = arith.constant 0 : i32
    %dma_start3A_292 = tpu.memref_slice %arg4[%dma_start3A_290, %dma_start3A_291] : memref<7x16384xf32, #tpu.memory_space<vmem>> -> memref<1x16384xf32, #tpu.memory_space<vmem>>
    %dma_start3A_293 = arith.constant 0 : i32
    %dma_start3A_294 = tpu.memref_slice %arg3[%add3A_288, %dma_start3A_293] : memref<768x16384xf32, #tpu.memory_space<hbm>> -> memref<1x16384xf32, #tpu.memory_space<hbm>>
    %dma_start3A_295 = tpu.memref_slice %arg6[%dma_start3A_289] : memref<7x!tpu.dma_semaphore, #tpu.memory_space<semaphore_mem>> -> memref<1x!tpu.dma_semaphore, #tpu.memory_space<semaphore_mem>>
    %dma_start3A_296 = tpu.memref_squeeze %dma_start3A_295 : memref<1x!tpu.dma_semaphore, #tpu.memory_space<semaphore_mem>> -> memref<!tpu.dma_semaphore, #tpu.memory_space<semaphore_mem>>
    %dma_start3A_297 = arith.constant 0 : i32
    %dma_start3A_298 = tpu.memref_slice %arg3[%add3A_288, %dma_start3A_297] : memref<768x16384xf32, #tpu.memory_space<hbm>> -> memref<1x16384xf32, #tpu.memory_space<hbm>>
    %dma_start3A_299 = arith.constant 3 : i32
    %dma_start3A_300 = arith.constant 0 : i32
    %dma_start3A_301 = tpu.memref_slice %arg4[%dma_start3A_299, %dma_start3A_300] : memref<7x16384xf32, #tpu.memory_space<vmem>> -> memref<1x16384xf32, #tpu.memory_space<vmem>>
    tpu.enqueue_dma source(%dma_start3A_301 : memref<1x16384xf32, #tpu.memory_space<vmem>>) target(%dma_start3A_298 : memref<1x16384xf32, #tpu.memory_space<hbm>>) target_semaphore(%dma_start3A_296 : memref<!tpu.dma_semaphore, #tpu.memory_space<semaphore_mem>>)
    %dma_wait3A_302 = arith.constant 3 : i32
    %dma_wait3A_303 = arith.constant 3 : i32
    %dma_wait3A_304 = arith.constant 0 : i32
    %dma_wait3A_305 = tpu.memref_slice %arg4[%dma_wait3A_303, %dma_wait3A_304] : memref<7x16384xf32, #tpu.memory_space<vmem>> -> memref<1x16384xf32, #tpu.memory_space<vmem>>
    %dma_wait3A_306 = arith.constant 0 : i32
    %dma_wait3A_307 = tpu.memref_slice %arg3[%add3A_288, %dma_wait3A_306] : memref<768x16384xf32, #tpu.memory_space<hbm>> -> memref<1x16384xf32, #tpu.memory_space<hbm>>
    %dma_wait3A_308 = tpu.memref_slice %arg6[%dma_wait3A_302] : memref<7x!tpu.dma_semaphore, #tpu.memory_space<semaphore_mem>> -> memref<1x!tpu.dma_semaphore, #tpu.memory_space<semaphore_mem>>
    %dma_wait3A_309 = tpu.memref_squeeze %dma_wait3A_308 : memref<1x!tpu.dma_semaphore, #tpu.memory_space<semaphore_mem>> -> memref<!tpu.dma_semaphore, #tpu.memory_space<semaphore_mem>>
    %dma_wait3A_310 = arith.constant 0 : i32
    %dma_wait3A_311 = tpu.memref_slice %arg3[%add3A_288, %dma_wait3A_310] : memref<768x16384xf32, #tpu.memory_space<hbm>> -> memref<1x16384xf32, #tpu.memory_space<hbm>>
    %dma_wait3A_312 = arith.constant 3 : i32
    %dma_wait3A_313 = arith.constant 0 : i32
    %dma_wait3A_314 = tpu.memref_slice %arg4[%dma_wait3A_312, %dma_wait3A_313] : memref<7x16384xf32, #tpu.memory_space<vmem>> -> memref<1x16384xf32, #tpu.memory_space<vmem>>
    tpu.wait_dma2 semaphore(%dma_wait3A_309 : memref<!tpu.dma_semaphore, #tpu.memory_space<semaphore_mem>>) src(%dma_wait3A_314 : memref<1x16384xf32, #tpu.memory_space<vmem>>) dst(%dma_wait3A_311 : memref<1x16384xf32, #tpu.memory_space<hbm>>)
    %add3A_315 = arith.constant 10 : i32
    %add3A_316 = arith.addi %mul3A_2, %add3A_315 : i32
    %dma_start3A_317 = arith.constant 3 : i32
    %dma_start3A_318 = arith.constant 3 : i32
    %dma_start3A_319 = arith.constant 0 : i32
    %dma_start3A_320 = tpu.memref_slice %arg4[%dma_start3A_318, %dma_start3A_319] : memref<7x16384xf32, #tpu.memory_space<vmem>> -> memref<1x16384xf32, #tpu.memory_space<vmem>>
    %dma_start3A_321 = arith.constant 0 : i32
    %dma_start3A_322 = tpu.memref_slice %arg2[%add3A_316, %dma_start3A_321] : memref<768x16384xf32, #tpu.memory_space<hbm>> -> memref<1x16384xf32, #tpu.memory_space<hbm>>
    %dma_start3A_323 = tpu.memref_slice %arg5[%dma_start3A_317] : memref<7x!tpu.dma_semaphore, #tpu.memory_space<semaphore_mem>> -> memref<1x!tpu.dma_semaphore, #tpu.memory_space<semaphore_mem>>
    %dma_start3A_324 = tpu.memref_squeeze %dma_start3A_323 : memref<1x!tpu.dma_semaphore, #tpu.memory_space<semaphore_mem>> -> memref<!tpu.dma_semaphore, #tpu.memory_space<semaphore_mem>>
    %dma_start3A_325 = arith.constant 3 : i32
    %dma_start3A_326 = arith.constant 0 : i32
    %dma_start3A_327 = tpu.memref_slice %arg4[%dma_start3A_325, %dma_start3A_326] : memref<7x16384xf32, #tpu.memory_space<vmem>> -> memref<1x16384xf32, #tpu.memory_space<vmem>>
    %dma_start3A_328 = arith.constant 0 : i32
    %dma_start3A_329 = tpu.memref_slice %arg2[%add3A_316, %dma_start3A_328] : memref<768x16384xf32, #tpu.memory_space<hbm>> -> memref<1x16384xf32, #tpu.memory_space<hbm>>
    tpu.enqueue_dma source(%dma_start3A_329 : memref<1x16384xf32, #tpu.memory_space<hbm>>) target(%dma_start3A_327 : memref<1x16384xf32, #tpu.memory_space<vmem>>) target_semaphore(%dma_start3A_324 : memref<!tpu.dma_semaphore, #tpu.memory_space<semaphore_mem>>)
    %dma_wait3A_330 = arith.constant 4 : i32
    %dma_wait3A_331 = arith.constant 4 : i32
    %dma_wait3A_332 = arith.constant 0 : i32
    %dma_wait3A_333 = tpu.memref_slice %arg4[%dma_wait3A_331, %dma_wait3A_332] : memref<7x16384xf32, #tpu.memory_space<vmem>> -> memref<1x16384xf32, #tpu.memory_space<vmem>>
    %dma_wait3A_334 = arith.constant 0 : i32
    %dma_wait3A_335 = tpu.memref_slice %arg2[%add3A_63, %dma_wait3A_334] : memref<768x16384xf32, #tpu.memory_space<hbm>> -> memref<1x16384xf32, #tpu.memory_space<hbm>>
    %dma_wait3A_336 = tpu.memref_slice %arg5[%dma_wait3A_330] : memref<7x!tpu.dma_semaphore, #tpu.memory_space<semaphore_mem>> -> memref<1x!tpu.dma_semaphore, #tpu.memory_space<semaphore_mem>>
    %dma_wait3A_337 = tpu.memref_squeeze %dma_wait3A_336 : memref<1x!tpu.dma_semaphore, #tpu.memory_space<semaphore_mem>> -> memref<!tpu.dma_semaphore, #tpu.memory_space<semaphore_mem>>
    %dma_wait3A_338 = arith.constant 4 : i32
    %dma_wait3A_339 = arith.constant 0 : i32
    %dma_wait3A_340 = tpu.memref_slice %arg4[%dma_wait3A_338, %dma_wait3A_339] : memref<7x16384xf32, #tpu.memory_space<vmem>> -> memref<1x16384xf32, #tpu.memory_space<vmem>>
    %dma_wait3A_341 = arith.constant 0 : i32
    %dma_wait3A_342 = tpu.memref_slice %arg2[%add3A_63, %dma_wait3A_341] : memref<768x16384xf32, #tpu.memory_space<hbm>> -> memref<1x16384xf32, #tpu.memory_space<hbm>>
    tpu.wait_dma2 semaphore(%dma_wait3A_337 : memref<!tpu.dma_semaphore, #tpu.memory_space<semaphore_mem>>) src(%dma_wait3A_342 : memref<1x16384xf32, #tpu.memory_space<hbm>>) dst(%dma_wait3A_340 : memref<1x16384xf32, #tpu.memory_space<vmem>>)
    %add3A_343 = arith.constant 4 : i32
    %add3A_344 = arith.addi %mul3A_2, %add3A_343 : i32
    %dma_start3A_345 = arith.constant 4 : i32
    %dma_start3A_346 = arith.constant 4 : i32
    %dma_start3A_347 = arith.constant 0 : i32
    %dma_start3A_348 = tpu.memref_slice %arg4[%dma_start3A_346, %dma_start3A_347] : memref<7x16384xf32, #tpu.memory_space<vmem>> -> memref<1x16384xf32, #tpu.memory_space<vmem>>
    %dma_start3A_349 = arith.constant 0 : i32
    %dma_start3A_350 = tpu.memref_slice %arg3[%add3A_344, %dma_start3A_349] : memref<768x16384xf32, #tpu.memory_space<hbm>> -> memref<1x16384xf32, #tpu.memory_space<hbm>>
    %dma_start3A_351 = tpu.memref_slice %arg6[%dma_start3A_345] : memref<7x!tpu.dma_semaphore, #tpu.memory_space<semaphore_mem>> -> memref<1x!tpu.dma_semaphore, #tpu.memory_space<semaphore_mem>>
    %dma_start3A_352 = tpu.memref_squeeze %dma_start3A_351 : memref<1x!tpu.dma_semaphore, #tpu.memory_space<semaphore_mem>> -> memref<!tpu.dma_semaphore, #tpu.memory_space<semaphore_mem>>
    %dma_start3A_353 = arith.constant 0 : i32
    %dma_start3A_354 = tpu.memref_slice %arg3[%add3A_344, %dma_start3A_353] : memref<768x16384xf32, #tpu.memory_space<hbm>> -> memref<1x16384xf32, #tpu.memory_space<hbm>>
    %dma_start3A_355 = arith.constant 4 : i32
    %dma_start3A_356 = arith.constant 0 : i32
    %dma_start3A_357 = tpu.memref_slice %arg4[%dma_start3A_355, %dma_start3A_356] : memref<7x16384xf32, #tpu.memory_space<vmem>> -> memref<1x16384xf32, #tpu.memory_space<vmem>>
    tpu.enqueue_dma source(%dma_start3A_357 : memref<1x16384xf32, #tpu.memory_space<vmem>>) target(%dma_start3A_354 : memref<1x16384xf32, #tpu.memory_space<hbm>>) target_semaphore(%dma_start3A_352 : memref<!tpu.dma_semaphore, #tpu.memory_space<semaphore_mem>>)
    %dma_wait3A_358 = arith.constant 4 : i32
    %dma_wait3A_359 = arith.constant 4 : i32
    %dma_wait3A_360 = arith.constant 0 : i32
    %dma_wait3A_361 = tpu.memref_slice %arg4[%dma_wait3A_359, %dma_wait3A_360] : memref<7x16384xf32, #tpu.memory_space<vmem>> -> memref<1x16384xf32, #tpu.memory_space<vmem>>
    %dma_wait3A_362 = arith.constant 0 : i32
    %dma_wait3A_363 = tpu.memref_slice %arg3[%add3A_344, %dma_wait3A_362] : memref<768x16384xf32, #tpu.memory_space<hbm>> -> memref<1x16384xf32, #tpu.memory_space<hbm>>
    %dma_wait3A_364 = tpu.memref_slice %arg6[%dma_wait3A_358] : memref<7x!tpu.dma_semaphore, #tpu.memory_space<semaphore_mem>> -> memref<1x!tpu.dma_semaphore, #tpu.memory_space<semaphore_mem>>
    %dma_wait3A_365 = tpu.memref_squeeze %dma_wait3A_364 : memref<1x!tpu.dma_semaphore, #tpu.memory_space<semaphore_mem>> -> memref<!tpu.dma_semaphore, #tpu.memory_space<semaphore_mem>>
    %dma_wait3A_366 = arith.constant 0 : i32
    %dma_wait3A_367 = tpu.memref_slice %arg3[%add3A_344, %dma_wait3A_366] : memref<768x16384xf32, #tpu.memory_space<hbm>> -> memref<1x16384xf32, #tpu.memory_space<hbm>>
    %dma_wait3A_368 = arith.constant 4 : i32
    %dma_wait3A_369 = arith.constant 0 : i32
    %dma_wait3A_370 = tpu.memref_slice %arg4[%dma_wait3A_368, %dma_wait3A_369] : memref<7x16384xf32, #tpu.memory_space<vmem>> -> memref<1x16384xf32, #tpu.memory_space<vmem>>
    tpu.wait_dma2 semaphore(%dma_wait3A_365 : memref<!tpu.dma_semaphore, #tpu.memory_space<semaphore_mem>>) src(%dma_wait3A_370 : memref<1x16384xf32, #tpu.memory_space<vmem>>) dst(%dma_wait3A_367 : memref<1x16384xf32, #tpu.memory_space<hbm>>)
    %add3A_371 = arith.constant 11 : i32
    %add3A_372 = arith.addi %mul3A_2, %add3A_371 : i32
    %dma_start3A_373 = arith.constant 4 : i32
    %dma_start3A_374 = arith.constant 4 : i32
    %dma_start3A_375 = arith.constant 0 : i32
    %dma_start3A_376 = tpu.memref_slice %arg4[%dma_start3A_374, %dma_start3A_375] : memref<7x16384xf32, #tpu.memory_space<vmem>> -> memref<1x16384xf32, #tpu.memory_space<vmem>>
    %dma_start3A_377 = arith.constant 0 : i32
    %dma_start3A_378 = tpu.memref_slice %arg2[%add3A_372, %dma_start3A_377] : memref<768x16384xf32, #tpu.memory_space<hbm>> -> memref<1x16384xf32, #tpu.memory_space<hbm>>
    %dma_start3A_379 = tpu.memref_slice %arg5[%dma_start3A_373] : memref<7x!tpu.dma_semaphore, #tpu.memory_space<semaphore_mem>> -> memref<1x!tpu.dma_semaphore, #tpu.memory_space<semaphore_mem>>
    %dma_start3A_380 = tpu.memref_squeeze %dma_start3A_379 : memref<1x!tpu.dma_semaphore, #tpu.memory_space<semaphore_mem>> -> memref<!tpu.dma_semaphore, #tpu.memory_space<semaphore_mem>>
    %dma_start3A_381 = arith.constant 4 : i32
    %dma_start3A_382 = arith.constant 0 : i32
    %dma_start3A_383 = tpu.memref_slice %arg4[%dma_start3A_381, %dma_start3A_382] : memref<7x16384xf32, #tpu.memory_space<vmem>> -> memref<1x16384xf32, #tpu.memory_space<vmem>>
    %dma_start3A_384 = arith.constant 0 : i32
    %dma_start3A_385 = tpu.memref_slice %arg2[%add3A_372, %dma_start3A_384] : memref<768x16384xf32, #tpu.memory_space<hbm>> -> memref<1x16384xf32, #tpu.memory_space<hbm>>
    tpu.enqueue_dma source(%dma_start3A_385 : memref<1x16384xf32, #tpu.memory_space<hbm>>) target(%dma_start3A_383 : memref<1x16384xf32, #tpu.memory_space<vmem>>) target_semaphore(%dma_start3A_380 : memref<!tpu.dma_semaphore, #tpu.memory_space<semaphore_mem>>)
    %dma_wait3A_386 = arith.constant 5 : i32
    %dma_wait3A_387 = arith.constant 5 : i32
    %dma_wait3A_388 = arith.constant 0 : i32
    %dma_wait3A_389 = tpu.memref_slice %arg4[%dma_wait3A_387, %dma_wait3A_388] : memref<7x16384xf32, #tpu.memory_space<vmem>> -> memref<1x16384xf32, #tpu.memory_space<vmem>>
    %dma_wait3A_390 = arith.constant 0 : i32
    %dma_wait3A_391 = tpu.memref_slice %arg2[%add3A_78, %dma_wait3A_390] : memref<768x16384xf32, #tpu.memory_space<hbm>> -> memref<1x16384xf32, #tpu.memory_space<hbm>>
    %dma_wait3A_392 = tpu.memref_slice %arg5[%dma_wait3A_386] : memref<7x!tpu.dma_semaphore, #tpu.memory_space<semaphore_mem>> -> memref<1x!tpu.dma_semaphore, #tpu.memory_space<semaphore_mem>>
    %dma_wait3A_393 = tpu.memref_squeeze %dma_wait3A_392 : memref<1x!tpu.dma_semaphore, #tpu.memory_space<semaphore_mem>> -> memref<!tpu.dma_semaphore, #tpu.memory_space<semaphore_mem>>
    %dma_wait3A_394 = arith.constant 5 : i32
    %dma_wait3A_395 = arith.constant 0 : i32
    %dma_wait3A_396 = tpu.memref_slice %arg4[%dma_wait3A_394, %dma_wait3A_395] : memref<7x16384xf32, #tpu.memory_space<vmem>> -> memref<1x16384xf32, #tpu.memory_space<vmem>>
    %dma_wait3A_397 = arith.constant 0 : i32
    %dma_wait3A_398 = tpu.memref_slice %arg2[%add3A_78, %dma_wait3A_397] : memref<768x16384xf32, #tpu.memory_space<hbm>> -> memref<1x16384xf32, #tpu.memory_space<hbm>>
    tpu.wait_dma2 semaphore(%dma_wait3A_393 : memref<!tpu.dma_semaphore, #tpu.memory_space<semaphore_mem>>) src(%dma_wait3A_398 : memref<1x16384xf32, #tpu.memory_space<hbm>>) dst(%dma_wait3A_396 : memref<1x16384xf32, #tpu.memory_space<vmem>>)
    %add3A_399 = arith.constant 5 : i32
    %add3A_400 = arith.addi %mul3A_2, %add3A_399 : i32
    %dma_start3A_401 = arith.constant 5 : i32
    %dma_start3A_402 = arith.constant 5 : i32
    %dma_start3A_403 = arith.constant 0 : i32
    %dma_start3A_404 = tpu.memref_slice %arg4[%dma_start3A_402, %dma_start3A_403] : memref<7x16384xf32, #tpu.memory_space<vmem>> -> memref<1x16384xf32, #tpu.memory_space<vmem>>
    %dma_start3A_405 = arith.constant 0 : i32
    %dma_start3A_406 = tpu.memref_slice %arg3[%add3A_400, %dma_start3A_405] : memref<768x16384xf32, #tpu.memory_space<hbm>> -> memref<1x16384xf32, #tpu.memory_space<hbm>>
    %dma_start3A_407 = tpu.memref_slice %arg6[%dma_start3A_401] : memref<7x!tpu.dma_semaphore, #tpu.memory_space<semaphore_mem>> -> memref<1x!tpu.dma_semaphore, #tpu.memory_space<semaphore_mem>>
    %dma_start3A_408 = tpu.memref_squeeze %dma_start3A_407 : memref<1x!tpu.dma_semaphore, #tpu.memory_space<semaphore_mem>> -> memref<!tpu.dma_semaphore, #tpu.memory_space<semaphore_mem>>
    %dma_start3A_409 = arith.constant 0 : i32
    %dma_start3A_410 = tpu.memref_slice %arg3[%add3A_400, %dma_start3A_409] : memref<768x16384xf32, #tpu.memory_space<hbm>> -> memref<1x16384xf32, #tpu.memory_space<hbm>>
    %dma_start3A_411 = arith.constant 5 : i32
    %dma_start3A_412 = arith.constant 0 : i32
    %dma_start3A_413 = tpu.memref_slice %arg4[%dma_start3A_411, %dma_start3A_412] : memref<7x16384xf32, #tpu.memory_space<vmem>> -> memref<1x16384xf32, #tpu.memory_space<vmem>>
    tpu.enqueue_dma source(%dma_start3A_413 : memref<1x16384xf32, #tpu.memory_space<vmem>>) target(%dma_start3A_410 : memref<1x16384xf32, #tpu.memory_space<hbm>>) target_semaphore(%dma_start3A_408 : memref<!tpu.dma_semaphore, #tpu.memory_space<semaphore_mem>>)
    %dma_wait3A_414 = arith.constant 5 : i32
    %dma_wait3A_415 = arith.constant 5 : i32
    %dma_wait3A_416 = arith.constant 0 : i32
    %dma_wait3A_417 = tpu.memref_slice %arg4[%dma_wait3A_415, %dma_wait3A_416] : memref<7x16384xf32, #tpu.memory_space<vmem>> -> memref<1x16384xf32, #tpu.memory_space<vmem>>
    %dma_wait3A_418 = arith.constant 0 : i32
    %dma_wait3A_419 = tpu.memref_slice %arg3[%add3A_400, %dma_wait3A_418] : memref<768x16384xf32, #tpu.memory_space<hbm>> -> memref<1x16384xf32, #tpu.memory_space<hbm>>
    %dma_wait3A_420 = tpu.memref_slice %arg6[%dma_wait3A_414] : memref<7x!tpu.dma_semaphore, #tpu.memory_space<semaphore_mem>> -> memref<1x!tpu.dma_semaphore, #tpu.memory_space<semaphore_mem>>
    %dma_wait3A_421 = tpu.memref_squeeze %dma_wait3A_420 : memref<1x!tpu.dma_semaphore, #tpu.memory_space<semaphore_mem>> -> memref<!tpu.dma_semaphore, #tpu.memory_space<semaphore_mem>>
    %dma_wait3A_422 = arith.constant 0 : i32
    %dma_wait3A_423 = tpu.memref_slice %arg3[%add3A_400, %dma_wait3A_422] : memref<768x16384xf32, #tpu.memory_space<hbm>> -> memref<1x16384xf32, #tpu.memory_space<hbm>>
    %dma_wait3A_424 = arith.constant 5 : i32
    %dma_wait3A_425 = arith.constant 0 : i32
    %dma_wait3A_426 = tpu.memref_slice %arg4[%dma_wait3A_424, %dma_wait3A_425] : memref<7x16384xf32, #tpu.memory_space<vmem>> -> memref<1x16384xf32, #tpu.memory_space<vmem>>
    tpu.wait_dma2 semaphore(%dma_wait3A_421 : memref<!tpu.dma_semaphore, #tpu.memory_space<semaphore_mem>>) src(%dma_wait3A_426 : memref<1x16384xf32, #tpu.memory_space<vmem>>) dst(%dma_wait3A_423 : memref<1x16384xf32, #tpu.memory_space<hbm>>)
    %add3A_427 = arith.constant 12 : i32
    %add3A_428 = arith.addi %mul3A_2, %add3A_427 : i32
    %dma_start3A_429 = arith.constant 5 : i32
    %dma_start3A_430 = arith.constant 5 : i32
    %dma_start3A_431 = arith.constant 0 : i32
    %dma_start3A_432 = tpu.memref_slice %arg4[%dma_start3A_430, %dma_start3A_431] : memref<7x16384xf32, #tpu.memory_space<vmem>> -> memref<1x16384xf32, #tpu.memory_space<vmem>>
    %dma_start3A_433 = arith.constant 0 : i32
    %dma_start3A_434 = tpu.memref_slice %arg2[%add3A_428, %dma_start3A_433] : memref<768x16384xf32, #tpu.memory_space<hbm>> -> memref<1x16384xf32, #tpu.memory_space<hbm>>
    %dma_start3A_435 = tpu.memref_slice %arg5[%dma_start3A_429] : memref<7x!tpu.dma_semaphore, #tpu.memory_space<semaphore_mem>> -> memref<1x!tpu.dma_semaphore, #tpu.memory_space<semaphore_mem>>
    %dma_start3A_436 = tpu.memref_squeeze %dma_start3A_435 : memref<1x!tpu.dma_semaphore, #tpu.memory_space<semaphore_mem>> -> memref<!tpu.dma_semaphore, #tpu.memory_space<semaphore_mem>>
    %dma_start3A_437 = arith.constant 5 : i32
    %dma_start3A_438 = arith.constant 0 : i32
    %dma_start3A_439 = tpu.memref_slice %arg4[%dma_start3A_437, %dma_start3A_438] : memref<7x16384xf32, #tpu.memory_space<vmem>> -> memref<1x16384xf32, #tpu.memory_space<vmem>>
    %dma_start3A_440 = arith.constant 0 : i32
    %dma_start3A_441 = tpu.memref_slice %arg2[%add3A_428, %dma_start3A_440] : memref<768x16384xf32, #tpu.memory_space<hbm>> -> memref<1x16384xf32, #tpu.memory_space<hbm>>
    tpu.enqueue_dma source(%dma_start3A_441 : memref<1x16384xf32, #tpu.memory_space<hbm>>) target(%dma_start3A_439 : memref<1x16384xf32, #tpu.memory_space<vmem>>) target_semaphore(%dma_start3A_436 : memref<!tpu.dma_semaphore, #tpu.memory_space<semaphore_mem>>)
    %dma_wait3A_442 = arith.constant 6 : i32
    %dma_wait3A_443 = arith.constant 6 : i32
    %dma_wait3A_444 = arith.constant 0 : i32
    %dma_wait3A_445 = tpu.memref_slice %arg4[%dma_wait3A_443, %dma_wait3A_444] : memref<7x16384xf32, #tpu.memory_space<vmem>> -> memref<1x16384xf32, #tpu.memory_space<vmem>>
    %dma_wait3A_446 = arith.constant 0 : i32
    %dma_wait3A_447 = tpu.memref_slice %arg2[%add3A_93, %dma_wait3A_446] : memref<768x16384xf32, #tpu.memory_space<hbm>> -> memref<1x16384xf32, #tpu.memory_space<hbm>>
    %dma_wait3A_448 = tpu.memref_slice %arg5[%dma_wait3A_442] : memref<7x!tpu.dma_semaphore, #tpu.memory_space<semaphore_mem>> -> memref<1x!tpu.dma_semaphore, #tpu.memory_space<semaphore_mem>>
    %dma_wait3A_449 = tpu.memref_squeeze %dma_wait3A_448 : memref<1x!tpu.dma_semaphore, #tpu.memory_space<semaphore_mem>> -> memref<!tpu.dma_semaphore, #tpu.memory_space<semaphore_mem>>
    %dma_wait3A_450 = arith.constant 6 : i32
    %dma_wait3A_451 = arith.constant 0 : i32
    %dma_wait3A_452 = tpu.memref_slice %arg4[%dma_wait3A_450, %dma_wait3A_451] : memref<7x16384xf32, #tpu.memory_space<vmem>> -> memref<1x16384xf32, #tpu.memory_space<vmem>>
    %dma_wait3A_453 = arith.constant 0 : i32
    %dma_wait3A_454 = tpu.memref_slice %arg2[%add3A_93, %dma_wait3A_453] : memref<768x16384xf32, #tpu.memory_space<hbm>> -> memref<1x16384xf32, #tpu.memory_space<hbm>>
    tpu.wait_dma2 semaphore(%dma_wait3A_449 : memref<!tpu.dma_semaphore, #tpu.memory_space<semaphore_mem>>) src(%dma_wait3A_454 : memref<1x16384xf32, #tpu.memory_space<hbm>>) dst(%dma_wait3A_452 : memref<1x16384xf32, #tpu.memory_space<vmem>>)
    %add3A_455 = arith.constant 6 : i32
    %add3A_456 = arith.addi %mul3A_2, %add3A_455 : i32
    %dma_start3A_457 = arith.constant 6 : i32
    %dma_start3A_458 = arith.constant 6 : i32
    %dma_start3A_459 = arith.constant 0 : i32
    %dma_start3A_460 = tpu.memref_slice %arg4[%dma_start3A_458, %dma_start3A_459] : memref<7x16384xf32, #tpu.memory_space<vmem>> -> memref<1x16384xf32, #tpu.memory_space<vmem>>
    %dma_start3A_461 = arith.constant 0 : i32
    %dma_start3A_462 = tpu.memref_slice %arg3[%add3A_456, %dma_start3A_461] : memref<768x16384xf32, #tpu.memory_space<hbm>> -> memref<1x16384xf32, #tpu.memory_space<hbm>>
    %dma_start3A_463 = tpu.memref_slice %arg6[%dma_start3A_457] : memref<7x!tpu.dma_semaphore, #tpu.memory_space<semaphore_mem>> -> memref<1x!tpu.dma_semaphore, #tpu.memory_space<semaphore_mem>>
    %dma_start3A_464 = tpu.memref_squeeze %dma_start3A_463 : memref<1x!tpu.dma_semaphore, #tpu.memory_space<semaphore_mem>> -> memref<!tpu.dma_semaphore, #tpu.memory_space<semaphore_mem>>
    %dma_start3A_465 = arith.constant 0 : i32
    %dma_start3A_466 = tpu.memref_slice %arg3[%add3A_456, %dma_start3A_465] : memref<768x16384xf32, #tpu.memory_space<hbm>> -> memref<1x16384xf32, #tpu.memory_space<hbm>>
    %dma_start3A_467 = arith.constant 6 : i32
    %dma_start3A_468 = arith.constant 0 : i32
    %dma_start3A_469 = tpu.memref_slice %arg4[%dma_start3A_467, %dma_start3A_468] : memref<7x16384xf32, #tpu.memory_space<vmem>> -> memref<1x16384xf32, #tpu.memory_space<vmem>>
    tpu.enqueue_dma source(%dma_start3A_469 : memref<1x16384xf32, #tpu.memory_space<vmem>>) target(%dma_start3A_466 : memref<1x16384xf32, #tpu.memory_space<hbm>>) target_semaphore(%dma_start3A_464 : memref<!tpu.dma_semaphore, #tpu.memory_space<semaphore_mem>>)
    %dma_wait3A_470 = arith.constant 6 : i32
    %dma_wait3A_471 = arith.constant 6 : i32
    %dma_wait3A_472 = arith.constant 0 : i32
    %dma_wait3A_473 = tpu.memref_slice %arg4[%dma_wait3A_471, %dma_wait3A_472] : memref<7x16384xf32, #tpu.memory_space<vmem>> -> memref<1x16384xf32, #tpu.memory_space<vmem>>
    %dma_wait3A_474 = arith.constant 0 : i32
    %dma_wait3A_475 = tpu.memref_slice %arg3[%add3A_456, %dma_wait3A_474] : memref<768x16384xf32, #tpu.memory_space<hbm>> -> memref<1x16384xf32, #tpu.memory_space<hbm>>
    %dma_wait3A_476 = tpu.memref_slice %arg6[%dma_wait3A_470] : memref<7x!tpu.dma_semaphore, #tpu.memory_space<semaphore_mem>> -> memref<1x!tpu.dma_semaphore, #tpu.memory_space<semaphore_mem>>
    %dma_wait3A_477 = tpu.memref_squeeze %dma_wait3A_476 : memref<1x!tpu.dma_semaphore, #tpu.memory_space<semaphore_mem>> -> memref<!tpu.dma_semaphore, #tpu.memory_space<semaphore_mem>>
    %dma_wait3A_478 = arith.constant 0 : i32
    %dma_wait3A_479 = tpu.memref_slice %arg3[%add3A_456, %dma_wait3A_478] : memref<768x16384xf32, #tpu.memory_space<hbm>> -> memref<1x16384xf32, #tpu.memory_space<hbm>>
    %dma_wait3A_480 = arith.constant 6 : i32
    %dma_wait3A_481 = arith.constant 0 : i32
    %dma_wait3A_482 = tpu.memref_slice %arg4[%dma_wait3A_480, %dma_wait3A_481] : memref<7x16384xf32, #tpu.memory_space<vmem>> -> memref<1x16384xf32, #tpu.memory_space<vmem>>
    tpu.wait_dma2 semaphore(%dma_wait3A_477 : memref<!tpu.dma_semaphore, #tpu.memory_space<semaphore_mem>>) src(%dma_wait3A_482 : memref<1x16384xf32, #tpu.memory_space<vmem>>) dst(%dma_wait3A_479 : memref<1x16384xf32, #tpu.memory_space<hbm>>)
    %add3A_483 = arith.constant 13 : i32
    %add3A_484 = arith.addi %mul3A_2, %add3A_483 : i32
    %dma_start3A_485 = arith.constant 6 : i32
    %dma_start3A_486 = arith.constant 6 : i32
    %dma_start3A_487 = arith.constant 0 : i32
    %dma_start3A_488 = tpu.memref_slice %arg4[%dma_start3A_486, %dma_start3A_487] : memref<7x16384xf32, #tpu.memory_space<vmem>> -> memref<1x16384xf32, #tpu.memory_space<vmem>>
    %dma_start3A_489 = arith.constant 0 : i32
    %dma_start3A_490 = tpu.memref_slice %arg2[%add3A_484, %dma_start3A_489] : memref<768x16384xf32, #tpu.memory_space<hbm>> -> memref<1x16384xf32, #tpu.memory_space<hbm>>
    %dma_start3A_491 = tpu.memref_slice %arg5[%dma_start3A_485] : memref<7x!tpu.dma_semaphore, #tpu.memory_space<semaphore_mem>> -> memref<1x!tpu.dma_semaphore, #tpu.memory_space<semaphore_mem>>
    %dma_start3A_492 = tpu.memref_squeeze %dma_start3A_491 : memref<1x!tpu.dma_semaphore, #tpu.memory_space<semaphore_mem>> -> memref<!tpu.dma_semaphore, #tpu.memory_space<semaphore_mem>>
    %dma_start3A_493 = arith.constant 6 : i32
    %dma_start3A_494 = arith.constant 0 : i32
    %dma_start3A_495 = tpu.memref_slice %arg4[%dma_start3A_493, %dma_start3A_494] : memref<7x16384xf32, #tpu.memory_space<vmem>> -> memref<1x16384xf32, #tpu.memory_space<vmem>>
    %dma_start3A_496 = arith.constant 0 : i32
    %dma_start3A_497 = tpu.memref_slice %arg2[%add3A_484, %dma_start3A_496] : memref<768x16384xf32, #tpu.memory_space<hbm>> -> memref<1x16384xf32, #tpu.memory_space<hbm>>
    tpu.enqueue_dma source(%dma_start3A_497 : memref<1x16384xf32, #tpu.memory_space<hbm>>) target(%dma_start3A_495 : memref<1x16384xf32, #tpu.memory_space<vmem>>) target_semaphore(%dma_start3A_492 : memref<!tpu.dma_semaphore, #tpu.memory_space<semaphore_mem>>)
    %dma_wait3A_498 = arith.constant 0 : i32
    %dma_wait3A_499 = arith.constant 0 : i32
    %dma_wait3A_500 = arith.constant 0 : i32
    %dma_wait3A_501 = tpu.memref_slice %arg4[%dma_wait3A_499, %dma_wait3A_500] : memref<7x16384xf32, #tpu.memory_space<vmem>> -> memref<1x16384xf32, #tpu.memory_space<vmem>>
    %dma_wait3A_502 = arith.constant 0 : i32
    %dma_wait3A_503 = tpu.memref_slice %arg2[%add3A_148, %dma_wait3A_502] : memref<768x16384xf32, #tpu.memory_space<hbm>> -> memref<1x16384xf32, #tpu.memory_space<hbm>>
    %dma_wait3A_504 = tpu.memref_slice %arg5[%dma_wait3A_498] : memref<7x!tpu.dma_semaphore, #tpu.memory_space<semaphore_mem>> -> memref<1x!tpu.dma_semaphore, #tpu.memory_space<semaphore_mem>>
    %dma_wait3A_505 = tpu.memref_squeeze %dma_wait3A_504 : memref<1x!tpu.dma_semaphore, #tpu.memory_space<semaphore_mem>> -> memref<!tpu.dma_semaphore, #tpu.memory_space<semaphore_mem>>
    %dma_wait3A_506 = arith.constant 0 : i32
    %dma_wait3A_507 = arith.constant 0 : i32
    %dma_wait3A_508 = tpu.memref_slice %arg4[%dma_wait3A_506, %dma_wait3A_507] : memref<7x16384xf32, #tpu.memory_space<vmem>> -> memref<1x16384xf32, #tpu.memory_space<vmem>>
    %dma_wait3A_509 = arith.constant 0 : i32
    %dma_wait3A_510 = tpu.memref_slice %arg2[%add3A_148, %dma_wait3A_509] : memref<768x16384xf32, #tpu.memory_space<hbm>> -> memref<1x16384xf32, #tpu.memory_space<hbm>>
    tpu.wait_dma2 semaphore(%dma_wait3A_505 : memref<!tpu.dma_semaphore, #tpu.memory_space<semaphore_mem>>) src(%dma_wait3A_510 : memref<1x16384xf32, #tpu.memory_space<hbm>>) dst(%dma_wait3A_508 : memref<1x16384xf32, #tpu.memory_space<vmem>>)
    %add3A_511 = arith.constant 7 : i32
    %add3A_512 = arith.addi %mul3A_2, %add3A_511 : i32
    %dma_start3A_513 = arith.constant 0 : i32
    %dma_start3A_514 = arith.constant 0 : i32
    %dma_start3A_515 = arith.constant 0 : i32
    %dma_start3A_516 = tpu.memref_slice %arg4[%dma_start3A_514, %dma_start3A_515] : memref<7x16384xf32, #tpu.memory_space<vmem>> -> memref<1x16384xf32, #tpu.memory_space<vmem>>
    %dma_start3A_517 = arith.constant 0 : i32
    %dma_start3A_518 = tpu.memref_slice %arg3[%add3A_512, %dma_start3A_517] : memref<768x16384xf32, #tpu.memory_space<hbm>> -> memref<1x16384xf32, #tpu.memory_space<hbm>>
    %dma_start3A_519 = tpu.memref_slice %arg6[%dma_start3A_513] : memref<7x!tpu.dma_semaphore, #tpu.memory_space<semaphore_mem>> -> memref<1x!tpu.dma_semaphore, #tpu.memory_space<semaphore_mem>>
    %dma_start3A_520 = tpu.memref_squeeze %dma_start3A_519 : memref<1x!tpu.dma_semaphore, #tpu.memory_space<semaphore_mem>> -> memref<!tpu.dma_semaphore, #tpu.memory_space<semaphore_mem>>
    %dma_start3A_521 = arith.constant 0 : i32
    %dma_start3A_522 = tpu.memref_slice %arg3[%add3A_512, %dma_start3A_521] : memref<768x16384xf32, #tpu.memory_space<hbm>> -> memref<1x16384xf32, #tpu.memory_space<hbm>>
    %dma_start3A_523 = arith.constant 0 : i32
    %dma_start3A_524 = arith.constant 0 : i32
    %dma_start3A_525 = tpu.memref_slice %arg4[%dma_start3A_523, %dma_start3A_524] : memref<7x16384xf32, #tpu.memory_space<vmem>> -> memref<1x16384xf32, #tpu.memory_space<vmem>>
    tpu.enqueue_dma source(%dma_start3A_525 : memref<1x16384xf32, #tpu.memory_space<vmem>>) target(%dma_start3A_522 : memref<1x16384xf32, #tpu.memory_space<hbm>>) target_semaphore(%dma_start3A_520 : memref<!tpu.dma_semaphore, #tpu.memory_space<semaphore_mem>>)
    %dma_wait3A_526 = arith.constant 0 : i32
    %dma_wait3A_527 = arith.constant 0 : i32
    %dma_wait3A_528 = arith.constant 0 : i32
    %dma_wait3A_529 = tpu.memref_slice %arg4[%dma_wait3A_527, %dma_wait3A_528] : memref<7x16384xf32, #tpu.memory_space<vmem>> -> memref<1x16384xf32, #tpu.memory_space<vmem>>
    %dma_wait3A_530 = arith.constant 0 : i32
    %dma_wait3A_531 = tpu.memref_slice %arg3[%add3A_512, %dma_wait3A_530] : memref<768x16384xf32, #tpu.memory_space<hbm>> -> memref<1x16384xf32, #tpu.memory_space<hbm>>
    %dma_wait3A_532 = tpu.memref_slice %arg6[%dma_wait3A_526] : memref<7x!tpu.dma_semaphore, #tpu.memory_space<semaphore_mem>> -> memref<1x!tpu.dma_semaphore, #tpu.memory_space<semaphore_mem>>
    %dma_wait3A_533 = tpu.memref_squeeze %dma_wait3A_532 : memref<1x!tpu.dma_semaphore, #tpu.memory_space<semaphore_mem>> -> memref<!tpu.dma_semaphore, #tpu.memory_space<semaphore_mem>>
    %dma_wait3A_534 = arith.constant 0 : i32
    %dma_wait3A_535 = tpu.memref_slice %arg3[%add3A_512, %dma_wait3A_534] : memref<768x16384xf32, #tpu.memory_space<hbm>> -> memref<1x16384xf32, #tpu.memory_space<hbm>>
    %dma_wait3A_536 = arith.constant 0 : i32
    %dma_wait3A_537 = arith.constant 0 : i32
    %dma_wait3A_538 = tpu.memref_slice %arg4[%dma_wait3A_536, %dma_wait3A_537] : memref<7x16384xf32, #tpu.memory_space<vmem>> -> memref<1x16384xf32, #tpu.memory_space<vmem>>
    tpu.wait_dma2 semaphore(%dma_wait3A_533 : memref<!tpu.dma_semaphore, #tpu.memory_space<semaphore_mem>>) src(%dma_wait3A_538 : memref<1x16384xf32, #tpu.memory_space<vmem>>) dst(%dma_wait3A_535 : memref<1x16384xf32, #tpu.memory_space<hbm>>)
    %add3A_539 = arith.constant 14 : i32
    %add3A_540 = arith.addi %mul3A_2, %add3A_539 : i32
    %dma_start3A_541 = arith.constant 0 : i32
    %dma_start3A_542 = arith.constant 0 : i32
    %dma_start3A_543 = arith.constant 0 : i32
    %dma_start3A_544 = tpu.memref_slice %arg4[%dma_start3A_542, %dma_start3A_543] : memref<7x16384xf32, #tpu.memory_space<vmem>> -> memref<1x16384xf32, #tpu.memory_space<vmem>>
    %dma_start3A_545 = arith.constant 0 : i32
    %dma_start3A_546 = tpu.memref_slice %arg2[%add3A_540, %dma_start3A_545] : memref<768x16384xf32, #tpu.memory_space<hbm>> -> memref<1x16384xf32, #tpu.memory_space<hbm>>
    %dma_start3A_547 = tpu.memref_slice %arg5[%dma_start3A_541] : memref<7x!tpu.dma_semaphore, #tpu.memory_space<semaphore_mem>> -> memref<1x!tpu.dma_semaphore, #tpu.memory_space<semaphore_mem>>
    %dma_start3A_548 = tpu.memref_squeeze %dma_start3A_547 : memref<1x!tpu.dma_semaphore, #tpu.memory_space<semaphore_mem>> -> memref<!tpu.dma_semaphore, #tpu.memory_space<semaphore_mem>>
    %dma_start3A_549 = arith.constant 0 : i32
    %dma_start3A_550 = arith.constant 0 : i32
    %dma_start3A_551 = tpu.memref_slice %arg4[%dma_start3A_549, %dma_start3A_550] : memref<7x16384xf32, #tpu.memory_space<vmem>> -> memref<1x16384xf32, #tpu.memory_space<vmem>>
    %dma_start3A_552 = arith.constant 0 : i32
    %dma_start3A_553 = tpu.memref_slice %arg2[%add3A_540, %dma_start3A_552] : memref<768x16384xf32, #tpu.memory_space<hbm>> -> memref<1x16384xf32, #tpu.memory_space<hbm>>
    tpu.enqueue_dma source(%dma_start3A_553 : memref<1x16384xf32, #tpu.memory_space<hbm>>) target(%dma_start3A_551 : memref<1x16384xf32, #tpu.memory_space<vmem>>) target_semaphore(%dma_start3A_548 : memref<!tpu.dma_semaphore, #tpu.memory_space<semaphore_mem>>)
    %dma_wait3A_554 = arith.constant 1 : i32
    %dma_wait3A_555 = arith.constant 1 : i32
    %dma_wait3A_556 = arith.constant 0 : i32
    %dma_wait3A_557 = tpu.memref_slice %arg4[%dma_wait3A_555, %dma_wait3A_556] : memref<7x16384xf32, #tpu.memory_space<vmem>> -> memref<1x16384xf32, #tpu.memory_space<vmem>>
    %dma_wait3A_558 = arith.constant 0 : i32
    %dma_wait3A_559 = tpu.memref_slice %arg2[%add3A_204, %dma_wait3A_558] : memref<768x16384xf32, #tpu.memory_space<hbm>> -> memref<1x16384xf32, #tpu.memory_space<hbm>>
    %dma_wait3A_560 = tpu.memref_slice %arg5[%dma_wait3A_554] : memref<7x!tpu.dma_semaphore, #tpu.memory_space<semaphore_mem>> -> memref<1x!tpu.dma_semaphore, #tpu.memory_space<semaphore_mem>>
    %dma_wait3A_561 = tpu.memref_squeeze %dma_wait3A_560 : memref<1x!tpu.dma_semaphore, #tpu.memory_space<semaphore_mem>> -> memref<!tpu.dma_semaphore, #tpu.memory_space<semaphore_mem>>
    %dma_wait3A_562 = arith.constant 1 : i32
    %dma_wait3A_563 = arith.constant 0 : i32
    %dma_wait3A_564 = tpu.memref_slice %arg4[%dma_wait3A_562, %dma_wait3A_563] : memref<7x16384xf32, #tpu.memory_space<vmem>> -> memref<1x16384xf32, #tpu.memory_space<vmem>>
    %dma_wait3A_565 = arith.constant 0 : i32
    %dma_wait3A_566 = tpu.memref_slice %arg2[%add3A_204, %dma_wait3A_565] : memref<768x16384xf32, #tpu.memory_space<hbm>> -> memref<1x16384xf32, #tpu.memory_space<hbm>>
    tpu.wait_dma2 semaphore(%dma_wait3A_561 : memref<!tpu.dma_semaphore, #tpu.memory_space<semaphore_mem>>) src(%dma_wait3A_566 : memref<1x16384xf32, #tpu.memory_space<hbm>>) dst(%dma_wait3A_564 : memref<1x16384xf32, #tpu.memory_space<vmem>>)
    %add3A_567 = arith.constant 8 : i32
    %add3A_568 = arith.addi %mul3A_2, %add3A_567 : i32
    %dma_start3A_569 = arith.constant 1 : i32
    %dma_start3A_570 = arith.constant 1 : i32
    %dma_start3A_571 = arith.constant 0 : i32
    %dma_start3A_572 = tpu.memref_slice %arg4[%dma_start3A_570, %dma_start3A_571] : memref<7x16384xf32, #tpu.memory_space<vmem>> -> memref<1x16384xf32, #tpu.memory_space<vmem>>
    %dma_start3A_573 = arith.constant 0 : i32
    %dma_start3A_574 = tpu.memref_slice %arg3[%add3A_568, %dma_start3A_573] : memref<768x16384xf32, #tpu.memory_space<hbm>> -> memref<1x16384xf32, #tpu.memory_space<hbm>>
    %dma_start3A_575 = tpu.memref_slice %arg6[%dma_start3A_569] : memref<7x!tpu.dma_semaphore, #tpu.memory_space<semaphore_mem>> -> memref<1x!tpu.dma_semaphore, #tpu.memory_space<semaphore_mem>>
    %dma_start3A_576 = tpu.memref_squeeze %dma_start3A_575 : memref<1x!tpu.dma_semaphore, #tpu.memory_space<semaphore_mem>> -> memref<!tpu.dma_semaphore, #tpu.memory_space<semaphore_mem>>
    %dma_start3A_577 = arith.constant 0 : i32
    %dma_start3A_578 = tpu.memref_slice %arg3[%add3A_568, %dma_start3A_577] : memref<768x16384xf32, #tpu.memory_space<hbm>> -> memref<1x16384xf32, #tpu.memory_space<hbm>>
    %dma_start3A_579 = arith.constant 1 : i32
    %dma_start3A_580 = arith.constant 0 : i32
    %dma_start3A_581 = tpu.memref_slice %arg4[%dma_start3A_579, %dma_start3A_580] : memref<7x16384xf32, #tpu.memory_space<vmem>> -> memref<1x16384xf32, #tpu.memory_space<vmem>>
    tpu.enqueue_dma source(%dma_start3A_581 : memref<1x16384xf32, #tpu.memory_space<vmem>>) target(%dma_start3A_578 : memref<1x16384xf32, #tpu.memory_space<hbm>>) target_semaphore(%dma_start3A_576 : memref<!tpu.dma_semaphore, #tpu.memory_space<semaphore_mem>>)
    %dma_wait3A_582 = arith.constant 1 : i32
    %dma_wait3A_583 = arith.constant 1 : i32
    %dma_wait3A_584 = arith.constant 0 : i32
    %dma_wait3A_585 = tpu.memref_slice %arg4[%dma_wait3A_583, %dma_wait3A_584] : memref<7x16384xf32, #tpu.memory_space<vmem>> -> memref<1x16384xf32, #tpu.memory_space<vmem>>
    %dma_wait3A_586 = arith.constant 0 : i32
    %dma_wait3A_587 = tpu.memref_slice %arg3[%add3A_568, %dma_wait3A_586] : memref<768x16384xf32, #tpu.memory_space<hbm>> -> memref<1x16384xf32, #tpu.memory_space<hbm>>
    %dma_wait3A_588 = tpu.memref_slice %arg6[%dma_wait3A_582] : memref<7x!tpu.dma_semaphore, #tpu.memory_space<semaphore_mem>> -> memref<1x!tpu.dma_semaphore, #tpu.memory_space<semaphore_mem>>
    %dma_wait3A_589 = tpu.memref_squeeze %dma_wait3A_588 : memref<1x!tpu.dma_semaphore, #tpu.memory_space<semaphore_mem>> -> memref<!tpu.dma_semaphore, #tpu.memory_space<semaphore_mem>>
    %dma_wait3A_590 = arith.constant 0 : i32
    %dma_wait3A_591 = tpu.memref_slice %arg3[%add3A_568, %dma_wait3A_590] : memref<768x16384xf32, #tpu.memory_space<hbm>> -> memref<1x16384xf32, #tpu.memory_space<hbm>>
    %dma_wait3A_592 = arith.constant 1 : i32
    %dma_wait3A_593 = arith.constant 0 : i32
    %dma_wait3A_594 = tpu.memref_slice %arg4[%dma_wait3A_592, %dma_wait3A_593] : memref<7x16384xf32, #tpu.memory_space<vmem>> -> memref<1x16384xf32, #tpu.memory_space<vmem>>
    tpu.wait_dma2 semaphore(%dma_wait3A_589 : memref<!tpu.dma_semaphore, #tpu.memory_space<semaphore_mem>>) src(%dma_wait3A_594 : memref<1x16384xf32, #tpu.memory_space<vmem>>) dst(%dma_wait3A_591 : memref<1x16384xf32, #tpu.memory_space<hbm>>)
    %add3A_595 = arith.constant 15 : i32
    %add3A_596 = arith.addi %mul3A_2, %add3A_595 : i32
    %dma_start3A_597 = arith.constant 1 : i32
    %dma_start3A_598 = arith.constant 1 : i32
    %dma_start3A_599 = arith.constant 0 : i32
    %dma_start3A_600 = tpu.memref_slice %arg4[%dma_start3A_598, %dma_start3A_599] : memref<7x16384xf32, #tpu.memory_space<vmem>> -> memref<1x16384xf32, #tpu.memory_space<vmem>>
    %dma_start3A_601 = arith.constant 0 : i32
    %dma_start3A_602 = tpu.memref_slice %arg2[%add3A_596, %dma_start3A_601] : memref<768x16384xf32, #tpu.memory_space<hbm>> -> memref<1x16384xf32, #tpu.memory_space<hbm>>
    %dma_start3A_603 = tpu.memref_slice %arg5[%dma_start3A_597] : memref<7x!tpu.dma_semaphore, #tpu.memory_space<semaphore_mem>> -> memref<1x!tpu.dma_semaphore, #tpu.memory_space<semaphore_mem>>
    %dma_start3A_604 = tpu.memref_squeeze %dma_start3A_603 : memref<1x!tpu.dma_semaphore, #tpu.memory_space<semaphore_mem>> -> memref<!tpu.dma_semaphore, #tpu.memory_space<semaphore_mem>>
    %dma_start3A_605 = arith.constant 1 : i32
    %dma_start3A_606 = arith.constant 0 : i32
    %dma_start3A_607 = tpu.memref_slice %arg4[%dma_start3A_605, %dma_start3A_606] : memref<7x16384xf32, #tpu.memory_space<vmem>> -> memref<1x16384xf32, #tpu.memory_space<vmem>>
    %dma_start3A_608 = arith.constant 0 : i32
    %dma_start3A_609 = tpu.memref_slice %arg2[%add3A_596, %dma_start3A_608] : memref<768x16384xf32, #tpu.memory_space<hbm>> -> memref<1x16384xf32, #tpu.memory_space<hbm>>
    tpu.enqueue_dma source(%dma_start3A_609 : memref<1x16384xf32, #tpu.memory_space<hbm>>) target(%dma_start3A_607 : memref<1x16384xf32, #tpu.memory_space<vmem>>) target_semaphore(%dma_start3A_604 : memref<!tpu.dma_semaphore, #tpu.memory_space<semaphore_mem>>)
    %dma_wait3A_610 = arith.constant 2 : i32
    %dma_wait3A_611 = arith.constant 2 : i32
    %dma_wait3A_612 = arith.constant 0 : i32
    %dma_wait3A_613 = tpu.memref_slice %arg4[%dma_wait3A_611, %dma_wait3A_612] : memref<7x16384xf32, #tpu.memory_space<vmem>> -> memref<1x16384xf32, #tpu.memory_space<vmem>>
    %dma_wait3A_614 = arith.constant 0 : i32
    %dma_wait3A_615 = tpu.memref_slice %arg2[%add3A_260, %dma_wait3A_614] : memref<768x16384xf32, #tpu.memory_space<hbm>> -> memref<1x16384xf32, #tpu.memory_space<hbm>>
    %dma_wait3A_616 = tpu.memref_slice %arg5[%dma_wait3A_610] : memref<7x!tpu.dma_semaphore, #tpu.memory_space<semaphore_mem>> -> memref<1x!tpu.dma_semaphore, #tpu.memory_space<semaphore_mem>>
    %dma_wait3A_617 = tpu.memref_squeeze %dma_wait3A_616 : memref<1x!tpu.dma_semaphore, #tpu.memory_space<semaphore_mem>> -> memref<!tpu.dma_semaphore, #tpu.memory_space<semaphore_mem>>
    %dma_wait3A_618 = arith.constant 2 : i32
    %dma_wait3A_619 = arith.constant 0 : i32
    %dma_wait3A_620 = tpu.memref_slice %arg4[%dma_wait3A_618, %dma_wait3A_619] : memref<7x16384xf32, #tpu.memory_space<vmem>> -> memref<1x16384xf32, #tpu.memory_space<vmem>>
    %dma_wait3A_621 = arith.constant 0 : i32
    %dma_wait3A_622 = tpu.memref_slice %arg2[%add3A_260, %dma_wait3A_621] : memref<768x16384xf32, #tpu.memory_space<hbm>> -> memref<1x16384xf32, #tpu.memory_space<hbm>>
    tpu.wait_dma2 semaphore(%dma_wait3A_617 : memref<!tpu.dma_semaphore, #tpu.memory_space<semaphore_mem>>) src(%dma_wait3A_622 : memref<1x16384xf32, #tpu.memory_space<hbm>>) dst(%dma_wait3A_620 : memref<1x16384xf32, #tpu.memory_space<vmem>>)
    %add3A_623 = arith.constant 9 : i32
    %add3A_624 = arith.addi %mul3A_2, %add3A_623 : i32
    %dma_start3A_625 = arith.constant 2 : i32
    %dma_start3A_626 = arith.constant 2 : i32
    %dma_start3A_627 = arith.constant 0 : i32
    %dma_start3A_628 = tpu.memref_slice %arg4[%dma_start3A_626, %dma_start3A_627] : memref<7x16384xf32, #tpu.memory_space<vmem>> -> memref<1x16384xf32, #tpu.memory_space<vmem>>
    %dma_start3A_629 = arith.constant 0 : i32
    %dma_start3A_630 = tpu.memref_slice %arg3[%add3A_624, %dma_start3A_629] : memref<768x16384xf32, #tpu.memory_space<hbm>> -> memref<1x16384xf32, #tpu.memory_space<hbm>>
    %dma_start3A_631 = tpu.memref_slice %arg6[%dma_start3A_625] : memref<7x!tpu.dma_semaphore, #tpu.memory_space<semaphore_mem>> -> memref<1x!tpu.dma_semaphore, #tpu.memory_space<semaphore_mem>>
    %dma_start3A_632 = tpu.memref_squeeze %dma_start3A_631 : memref<1x!tpu.dma_semaphore, #tpu.memory_space<semaphore_mem>> -> memref<!tpu.dma_semaphore, #tpu.memory_space<semaphore_mem>>
    %dma_start3A_633 = arith.constant 0 : i32
    %dma_start3A_634 = tpu.memref_slice %arg3[%add3A_624, %dma_start3A_633] : memref<768x16384xf32, #tpu.memory_space<hbm>> -> memref<1x16384xf32, #tpu.memory_space<hbm>>
    %dma_start3A_635 = arith.constant 2 : i32
    %dma_start3A_636 = arith.constant 0 : i32
    %dma_start3A_637 = tpu.memref_slice %arg4[%dma_start3A_635, %dma_start3A_636] : memref<7x16384xf32, #tpu.memory_space<vmem>> -> memref<1x16384xf32, #tpu.memory_space<vmem>>
    tpu.enqueue_dma source(%dma_start3A_637 : memref<1x16384xf32, #tpu.memory_space<vmem>>) target(%dma_start3A_634 : memref<1x16384xf32, #tpu.memory_space<hbm>>) target_semaphore(%dma_start3A_632 : memref<!tpu.dma_semaphore, #tpu.memory_space<semaphore_mem>>)
    %dma_wait3A_638 = arith.constant 2 : i32
    %dma_wait3A_639 = arith.constant 2 : i32
    %dma_wait3A_640 = arith.constant 0 : i32
    %dma_wait3A_641 = tpu.memref_slice %arg4[%dma_wait3A_639, %dma_wait3A_640] : memref<7x16384xf32, #tpu.memory_space<vmem>> -> memref<1x16384xf32, #tpu.memory_space<vmem>>
    %dma_wait3A_642 = arith.constant 0 : i32
    %dma_wait3A_643 = tpu.memref_slice %arg3[%add3A_624, %dma_wait3A_642] : memref<768x16384xf32, #tpu.memory_space<hbm>> -> memref<1x16384xf32, #tpu.memory_space<hbm>>
    %dma_wait3A_644 = tpu.memref_slice %arg6[%dma_wait3A_638] : memref<7x!tpu.dma_semaphore, #tpu.memory_space<semaphore_mem>> -> memref<1x!tpu.dma_semaphore, #tpu.memory_space<semaphore_mem>>
    %dma_wait3A_645 = tpu.memref_squeeze %dma_wait3A_644 : memref<1x!tpu.dma_semaphore, #tpu.memory_space<semaphore_mem>> -> memref<!tpu.dma_semaphore, #tpu.memory_space<semaphore_mem>>
    %dma_wait3A_646 = arith.constant 0 : i32
    %dma_wait3A_647 = tpu.memref_slice %arg3[%add3A_624, %dma_wait3A_646] : memref<768x16384xf32, #tpu.memory_space<hbm>> -> memref<1x16384xf32, #tpu.memory_space<hbm>>
    %dma_wait3A_648 = arith.constant 2 : i32
    %dma_wait3A_649 = arith.constant 0 : i32
    %dma_wait3A_650 = tpu.memref_slice %arg4[%dma_wait3A_648, %dma_wait3A_649] : memref<7x16384xf32, #tpu.memory_space<vmem>> -> memref<1x16384xf32, #tpu.memory_space<vmem>>
    tpu.wait_dma2 semaphore(%dma_wait3A_645 : memref<!tpu.dma_semaphore, #tpu.memory_space<semaphore_mem>>) src(%dma_wait3A_650 : memref<1x16384xf32, #tpu.memory_space<vmem>>) dst(%dma_wait3A_647 : memref<1x16384xf32, #tpu.memory_space<hbm>>)
    %add3A_651 = arith.constant 16 : i32
    %add3A_652 = arith.addi %mul3A_2, %add3A_651 : i32
    %dma_start3A_653 = arith.constant 2 : i32
    %dma_start3A_654 = arith.constant 2 : i32
    %dma_start3A_655 = arith.constant 0 : i32
    %dma_start3A_656 = tpu.memref_slice %arg4[%dma_start3A_654, %dma_start3A_655] : memref<7x16384xf32, #tpu.memory_space<vmem>> -> memref<1x16384xf32, #tpu.memory_space<vmem>>
    %dma_start3A_657 = arith.constant 0 : i32
    %dma_start3A_658 = tpu.memref_slice %arg2[%add3A_652, %dma_start3A_657] : memref<768x16384xf32, #tpu.memory_space<hbm>> -> memref<1x16384xf32, #tpu.memory_space<hbm>>
    %dma_start3A_659 = tpu.memref_slice %arg5[%dma_start3A_653] : memref<7x!tpu.dma_semaphore, #tpu.memory_space<semaphore_mem>> -> memref<1x!tpu.dma_semaphore, #tpu.memory_space<semaphore_mem>>
    %dma_start3A_660 = tpu.memref_squeeze %dma_start3A_659 : memref<1x!tpu.dma_semaphore, #tpu.memory_space<semaphore_mem>> -> memref<!tpu.dma_semaphore, #tpu.memory_space<semaphore_mem>>
    %dma_start3A_661 = arith.constant 2 : i32
    %dma_start3A_662 = arith.constant 0 : i32
    %dma_start3A_663 = tpu.memref_slice %arg4[%dma_start3A_661, %dma_start3A_662] : memref<7x16384xf32, #tpu.memory_space<vmem>> -> memref<1x16384xf32, #tpu.memory_space<vmem>>
    %dma_start3A_664 = arith.constant 0 : i32
    %dma_start3A_665 = tpu.memref_slice %arg2[%add3A_652, %dma_start3A_664] : memref<768x16384xf32, #tpu.memory_space<hbm>> -> memref<1x16384xf32, #tpu.memory_space<hbm>>
    tpu.enqueue_dma source(%dma_start3A_665 : memref<1x16384xf32, #tpu.memory_space<hbm>>) target(%dma_start3A_663 : memref<1x16384xf32, #tpu.memory_space<vmem>>) target_semaphore(%dma_start3A_660 : memref<!tpu.dma_semaphore, #tpu.memory_space<semaphore_mem>>)
    %dma_wait3A_666 = arith.constant 3 : i32
    %dma_wait3A_667 = arith.constant 3 : i32
    %dma_wait3A_668 = arith.constant 0 : i32
    %dma_wait3A_669 = tpu.memref_slice %arg4[%dma_wait3A_667, %dma_wait3A_668] : memref<7x16384xf32, #tpu.memory_space<vmem>> -> memref<1x16384xf32, #tpu.memory_space<vmem>>
    %dma_wait3A_670 = arith.constant 0 : i32
    %dma_wait3A_671 = tpu.memref_slice %arg2[%add3A_316, %dma_wait3A_670] : memref<768x16384xf32, #tpu.memory_space<hbm>> -> memref<1x16384xf32, #tpu.memory_space<hbm>>
    %dma_wait3A_672 = tpu.memref_slice %arg5[%dma_wait3A_666] : memref<7x!tpu.dma_semaphore, #tpu.memory_space<semaphore_mem>> -> memref<1x!tpu.dma_semaphore, #tpu.memory_space<semaphore_mem>>
    %dma_wait3A_673 = tpu.memref_squeeze %dma_wait3A_672 : memref<1x!tpu.dma_semaphore, #tpu.memory_space<semaphore_mem>> -> memref<!tpu.dma_semaphore, #tpu.memory_space<semaphore_mem>>
    %dma_wait3A_674 = arith.constant 3 : i32
    %dma_wait3A_675 = arith.constant 0 : i32
    %dma_wait3A_676 = tpu.memref_slice %arg4[%dma_wait3A_674, %dma_wait3A_675] : memref<7x16384xf32, #tpu.memory_space<vmem>> -> memref<1x16384xf32, #tpu.memory_space<vmem>>
    %dma_wait3A_677 = arith.constant 0 : i32
    %dma_wait3A_678 = tpu.memref_slice %arg2[%add3A_316, %dma_wait3A_677] : memref<768x16384xf32, #tpu.memory_space<hbm>> -> memref<1x16384xf32, #tpu.memory_space<hbm>>
    tpu.wait_dma2 semaphore(%dma_wait3A_673 : memref<!tpu.dma_semaphore, #tpu.memory_space<semaphore_mem>>) src(%dma_wait3A_678 : memref<1x16384xf32, #tpu.memory_space<hbm>>) dst(%dma_wait3A_676 : memref<1x16384xf32, #tpu.memory_space<vmem>>)
    %add3A_679 = arith.constant 10 : i32
    %add3A_680 = arith.addi %mul3A_2, %add3A_679 : i32
    %dma_start3A_681 = arith.constant 3 : i32
    %dma_start3A_682 = arith.constant 3 : i32
    %dma_start3A_683 = arith.constant 0 : i32
    %dma_start3A_684 = tpu.memref_slice %arg4[%dma_start3A_682, %dma_start3A_683] : memref<7x16384xf32, #tpu.memory_space<vmem>> -> memref<1x16384xf32, #tpu.memory_space<vmem>>
    %dma_start3A_685 = arith.constant 0 : i32
    %dma_start3A_686 = tpu.memref_slice %arg3[%add3A_680, %dma_start3A_685] : memref<768x16384xf32, #tpu.memory_space<hbm>> -> memref<1x16384xf32, #tpu.memory_space<hbm>>
    %dma_start3A_687 = tpu.memref_slice %arg6[%dma_start3A_681] : memref<7x!tpu.dma_semaphore, #tpu.memory_space<semaphore_mem>> -> memref<1x!tpu.dma_semaphore, #tpu.memory_space<semaphore_mem>>
    %dma_start3A_688 = tpu.memref_squeeze %dma_start3A_687 : memref<1x!tpu.dma_semaphore, #tpu.memory_space<semaphore_mem>> -> memref<!tpu.dma_semaphore, #tpu.memory_space<semaphore_mem>>
    %dma_start3A_689 = arith.constant 0 : i32
    %dma_start3A_690 = tpu.memref_slice %arg3[%add3A_680, %dma_start3A_689] : memref<768x16384xf32, #tpu.memory_space<hbm>> -> memref<1x16384xf32, #tpu.memory_space<hbm>>
    %dma_start3A_691 = arith.constant 3 : i32
    %dma_start3A_692 = arith.constant 0 : i32
    %dma_start3A_693 = tpu.memref_slice %arg4[%dma_start3A_691, %dma_start3A_692] : memref<7x16384xf32, #tpu.memory_space<vmem>> -> memref<1x16384xf32, #tpu.memory_space<vmem>>
    tpu.enqueue_dma source(%dma_start3A_693 : memref<1x16384xf32, #tpu.memory_space<vmem>>) target(%dma_start3A_690 : memref<1x16384xf32, #tpu.memory_space<hbm>>) target_semaphore(%dma_start3A_688 : memref<!tpu.dma_semaphore, #tpu.memory_space<semaphore_mem>>)
    %dma_wait3A_694 = arith.constant 3 : i32
    %dma_wait3A_695 = arith.constant 3 : i32
    %dma_wait3A_696 = arith.constant 0 : i32
    %dma_wait3A_697 = tpu.memref_slice %arg4[%dma_wait3A_695, %dma_wait3A_696] : memref<7x16384xf32, #tpu.memory_space<vmem>> -> memref<1x16384xf32, #tpu.memory_space<vmem>>
    %dma_wait3A_698 = arith.constant 0 : i32
    %dma_wait3A_699 = tpu.memref_slice %arg3[%add3A_680, %dma_wait3A_698] : memref<768x16384xf32, #tpu.memory_space<hbm>> -> memref<1x16384xf32, #tpu.memory_space<hbm>>
    %dma_wait3A_700 = tpu.memref_slice %arg6[%dma_wait3A_694] : memref<7x!tpu.dma_semaphore, #tpu.memory_space<semaphore_mem>> -> memref<1x!tpu.dma_semaphore, #tpu.memory_space<semaphore_mem>>
    %dma_wait3A_701 = tpu.memref_squeeze %dma_wait3A_700 : memref<1x!tpu.dma_semaphore, #tpu.memory_space<semaphore_mem>> -> memref<!tpu.dma_semaphore, #tpu.memory_space<semaphore_mem>>
    %dma_wait3A_702 = arith.constant 0 : i32
    %dma_wait3A_703 = tpu.memref_slice %arg3[%add3A_680, %dma_wait3A_702] : memref<768x16384xf32, #tpu.memory_space<hbm>> -> memref<1x16384xf32, #tpu.memory_space<hbm>>
    %dma_wait3A_704 = arith.constant 3 : i32
    %dma_wait3A_705 = arith.constant 0 : i32
    %dma_wait3A_706 = tpu.memref_slice %arg4[%dma_wait3A_704, %dma_wait3A_705] : memref<7x16384xf32, #tpu.memory_space<vmem>> -> memref<1x16384xf32, #tpu.memory_space<vmem>>
    tpu.wait_dma2 semaphore(%dma_wait3A_701 : memref<!tpu.dma_semaphore, #tpu.memory_space<semaphore_mem>>) src(%dma_wait3A_706 : memref<1x16384xf32, #tpu.memory_space<vmem>>) dst(%dma_wait3A_703 : memref<1x16384xf32, #tpu.memory_space<hbm>>)
    %add3A_707 = arith.constant 17 : i32
    %add3A_708 = arith.addi %mul3A_2, %add3A_707 : i32
    %dma_start3A_709 = arith.constant 3 : i32
    %dma_start3A_710 = arith.constant 3 : i32
    %dma_start3A_711 = arith.constant 0 : i32
    %dma_start3A_712 = tpu.memref_slice %arg4[%dma_start3A_710, %dma_start3A_711] : memref<7x16384xf32, #tpu.memory_space<vmem>> -> memref<1x16384xf32, #tpu.memory_space<vmem>>
    %dma_start3A_713 = arith.constant 0 : i32
    %dma_start3A_714 = tpu.memref_slice %arg2[%add3A_708, %dma_start3A_713] : memref<768x16384xf32, #tpu.memory_space<hbm>> -> memref<1x16384xf32, #tpu.memory_space<hbm>>
    %dma_start3A_715 = tpu.memref_slice %arg5[%dma_start3A_709] : memref<7x!tpu.dma_semaphore, #tpu.memory_space<semaphore_mem>> -> memref<1x!tpu.dma_semaphore, #tpu.memory_space<semaphore_mem>>
    %dma_start3A_716 = tpu.memref_squeeze %dma_start3A_715 : memref<1x!tpu.dma_semaphore, #tpu.memory_space<semaphore_mem>> -> memref<!tpu.dma_semaphore, #tpu.memory_space<semaphore_mem>>
    %dma_start3A_717 = arith.constant 3 : i32
    %dma_start3A_718 = arith.constant 0 : i32
    %dma_start3A_719 = tpu.memref_slice %arg4[%dma_start3A_717, %dma_start3A_718] : memref<7x16384xf32, #tpu.memory_space<vmem>> -> memref<1x16384xf32, #tpu.memory_space<vmem>>
    %dma_start3A_720 = arith.constant 0 : i32
    %dma_start3A_721 = tpu.memref_slice %arg2[%add3A_708, %dma_start3A_720] : memref<768x16384xf32, #tpu.memory_space<hbm>> -> memref<1x16384xf32, #tpu.memory_space<hbm>>
    tpu.enqueue_dma source(%dma_start3A_721 : memref<1x16384xf32, #tpu.memory_space<hbm>>) target(%dma_start3A_719 : memref<1x16384xf32, #tpu.memory_space<vmem>>) target_semaphore(%dma_start3A_716 : memref<!tpu.dma_semaphore, #tpu.memory_space<semaphore_mem>>)
    %dma_wait3A_722 = arith.constant 4 : i32
    %dma_wait3A_723 = arith.constant 4 : i32
    %dma_wait3A_724 = arith.constant 0 : i32
    %dma_wait3A_725 = tpu.memref_slice %arg4[%dma_wait3A_723, %dma_wait3A_724] : memref<7x16384xf32, #tpu.memory_space<vmem>> -> memref<1x16384xf32, #tpu.memory_space<vmem>>
    %dma_wait3A_726 = arith.constant 0 : i32
    %dma_wait3A_727 = tpu.memref_slice %arg2[%add3A_372, %dma_wait3A_726] : memref<768x16384xf32, #tpu.memory_space<hbm>> -> memref<1x16384xf32, #tpu.memory_space<hbm>>
    %dma_wait3A_728 = tpu.memref_slice %arg5[%dma_wait3A_722] : memref<7x!tpu.dma_semaphore, #tpu.memory_space<semaphore_mem>> -> memref<1x!tpu.dma_semaphore, #tpu.memory_space<semaphore_mem>>
    %dma_wait3A_729 = tpu.memref_squeeze %dma_wait3A_728 : memref<1x!tpu.dma_semaphore, #tpu.memory_space<semaphore_mem>> -> memref<!tpu.dma_semaphore, #tpu.memory_space<semaphore_mem>>
    %dma_wait3A_730 = arith.constant 4 : i32
    %dma_wait3A_731 = arith.constant 0 : i32
    %dma_wait3A_732 = tpu.memref_slice %arg4[%dma_wait3A_730, %dma_wait3A_731] : memref<7x16384xf32, #tpu.memory_space<vmem>> -> memref<1x16384xf32, #tpu.memory_space<vmem>>
    %dma_wait3A_733 = arith.constant 0 : i32
    %dma_wait3A_734 = tpu.memref_slice %arg2[%add3A_372, %dma_wait3A_733] : memref<768x16384xf32, #tpu.memory_space<hbm>> -> memref<1x16384xf32, #tpu.memory_space<hbm>>
    tpu.wait_dma2 semaphore(%dma_wait3A_729 : memref<!tpu.dma_semaphore, #tpu.memory_space<semaphore_mem>>) src(%dma_wait3A_734 : memref<1x16384xf32, #tpu.memory_space<hbm>>) dst(%dma_wait3A_732 : memref<1x16384xf32, #tpu.memory_space<vmem>>)
    %add3A_735 = arith.constant 11 : i32
    %add3A_736 = arith.addi %mul3A_2, %add3A_735 : i32
    %dma_start3A_737 = arith.constant 4 : i32
    %dma_start3A_738 = arith.constant 4 : i32
    %dma_start3A_739 = arith.constant 0 : i32
    %dma_start3A_740 = tpu.memref_slice %arg4[%dma_start3A_738, %dma_start3A_739] : memref<7x16384xf32, #tpu.memory_space<vmem>> -> memref<1x16384xf32, #tpu.memory_space<vmem>>
    %dma_start3A_741 = arith.constant 0 : i32
    %dma_start3A_742 = tpu.memref_slice %arg3[%add3A_736, %dma_start3A_741] : memref<768x16384xf32, #tpu.memory_space<hbm>> -> memref<1x16384xf32, #tpu.memory_space<hbm>>
    %dma_start3A_743 = tpu.memref_slice %arg6[%dma_start3A_737] : memref<7x!tpu.dma_semaphore, #tpu.memory_space<semaphore_mem>> -> memref<1x!tpu.dma_semaphore, #tpu.memory_space<semaphore_mem>>
    %dma_start3A_744 = tpu.memref_squeeze %dma_start3A_743 : memref<1x!tpu.dma_semaphore, #tpu.memory_space<semaphore_mem>> -> memref<!tpu.dma_semaphore, #tpu.memory_space<semaphore_mem>>
    %dma_start3A_745 = arith.constant 0 : i32
    %dma_start3A_746 = tpu.memref_slice %arg3[%add3A_736, %dma_start3A_745] : memref<768x16384xf32, #tpu.memory_space<hbm>> -> memref<1x16384xf32, #tpu.memory_space<hbm>>
    %dma_start3A_747 = arith.constant 4 : i32
    %dma_start3A_748 = arith.constant 0 : i32
    %dma_start3A_749 = tpu.memref_slice %arg4[%dma_start3A_747, %dma_start3A_748] : memref<7x16384xf32, #tpu.memory_space<vmem>> -> memref<1x16384xf32, #tpu.memory_space<vmem>>
    tpu.enqueue_dma source(%dma_start3A_749 : memref<1x16384xf32, #tpu.memory_space<vmem>>) target(%dma_start3A_746 : memref<1x16384xf32, #tpu.memory_space<hbm>>) target_semaphore(%dma_start3A_744 : memref<!tpu.dma_semaphore, #tpu.memory_space<semaphore_mem>>)
    %dma_wait3A_750 = arith.constant 4 : i32
    %dma_wait3A_751 = arith.constant 4 : i32
    %dma_wait3A_752 = arith.constant 0 : i32
    %dma_wait3A_753 = tpu.memref_slice %arg4[%dma_wait3A_751, %dma_wait3A_752] : memref<7x16384xf32, #tpu.memory_space<vmem>> -> memref<1x16384xf32, #tpu.memory_space<vmem>>
    %dma_wait3A_754 = arith.constant 0 : i32
    %dma_wait3A_755 = tpu.memref_slice %arg3[%add3A_736, %dma_wait3A_754] : memref<768x16384xf32, #tpu.memory_space<hbm>> -> memref<1x16384xf32, #tpu.memory_space<hbm>>
    %dma_wait3A_756 = tpu.memref_slice %arg6[%dma_wait3A_750] : memref<7x!tpu.dma_semaphore, #tpu.memory_space<semaphore_mem>> -> memref<1x!tpu.dma_semaphore, #tpu.memory_space<semaphore_mem>>
    %dma_wait3A_757 = tpu.memref_squeeze %dma_wait3A_756 : memref<1x!tpu.dma_semaphore, #tpu.memory_space<semaphore_mem>> -> memref<!tpu.dma_semaphore, #tpu.memory_space<semaphore_mem>>
    %dma_wait3A_758 = arith.constant 0 : i32
    %dma_wait3A_759 = tpu.memref_slice %arg3[%add3A_736, %dma_wait3A_758] : memref<768x16384xf32, #tpu.memory_space<hbm>> -> memref<1x16384xf32, #tpu.memory_space<hbm>>
    %dma_wait3A_760 = arith.constant 4 : i32
    %dma_wait3A_761 = arith.constant 0 : i32
    %dma_wait3A_762 = tpu.memref_slice %arg4[%dma_wait3A_760, %dma_wait3A_761] : memref<7x16384xf32, #tpu.memory_space<vmem>> -> memref<1x16384xf32, #tpu.memory_space<vmem>>
    tpu.wait_dma2 semaphore(%dma_wait3A_757 : memref<!tpu.dma_semaphore, #tpu.memory_space<semaphore_mem>>) src(%dma_wait3A_762 : memref<1x16384xf32, #tpu.memory_space<vmem>>) dst(%dma_wait3A_759 : memref<1x16384xf32, #tpu.memory_space<hbm>>)
    %add3A_763 = arith.constant 18 : i32
    %add3A_764 = arith.addi %mul3A_2, %add3A_763 : i32
    %dma_start3A_765 = arith.constant 4 : i32
    %dma_start3A_766 = arith.constant 4 : i32
    %dma_start3A_767 = arith.constant 0 : i32
    %dma_start3A_768 = tpu.memref_slice %arg4[%dma_start3A_766, %dma_start3A_767] : memref<7x16384xf32, #tpu.memory_space<vmem>> -> memref<1x16384xf32, #tpu.memory_space<vmem>>
    %dma_start3A_769 = arith.constant 0 : i32
    %dma_start3A_770 = tpu.memref_slice %arg2[%add3A_764, %dma_start3A_769] : memref<768x16384xf32, #tpu.memory_space<hbm>> -> memref<1x16384xf32, #tpu.memory_space<hbm>>
    %dma_start3A_771 = tpu.memref_slice %arg5[%dma_start3A_765] : memref<7x!tpu.dma_semaphore, #tpu.memory_space<semaphore_mem>> -> memref<1x!tpu.dma_semaphore, #tpu.memory_space<semaphore_mem>>
    %dma_start3A_772 = tpu.memref_squeeze %dma_start3A_771 : memref<1x!tpu.dma_semaphore, #tpu.memory_space<semaphore_mem>> -> memref<!tpu.dma_semaphore, #tpu.memory_space<semaphore_mem>>
    %dma_start3A_773 = arith.constant 4 : i32
    %dma_start3A_774 = arith.constant 0 : i32
    %dma_start3A_775 = tpu.memref_slice %arg4[%dma_start3A_773, %dma_start3A_774] : memref<7x16384xf32, #tpu.memory_space<vmem>> -> memref<1x16384xf32, #tpu.memory_space<vmem>>
    %dma_start3A_776 = arith.constant 0 : i32
    %dma_start3A_777 = tpu.memref_slice %arg2[%add3A_764, %dma_start3A_776] : memref<768x16384xf32, #tpu.memory_space<hbm>> -> memref<1x16384xf32, #tpu.memory_space<hbm>>
    tpu.enqueue_dma source(%dma_start3A_777 : memref<1x16384xf32, #tpu.memory_space<hbm>>) target(%dma_start3A_775 : memref<1x16384xf32, #tpu.memory_space<vmem>>) target_semaphore(%dma_start3A_772 : memref<!tpu.dma_semaphore, #tpu.memory_space<semaphore_mem>>)
    %dma_wait3A_778 = arith.constant 5 : i32
    %dma_wait3A_779 = arith.constant 5 : i32
    %dma_wait3A_780 = arith.constant 0 : i32
    %dma_wait3A_781 = tpu.memref_slice %arg4[%dma_wait3A_779, %dma_wait3A_780] : memref<7x16384xf32, #tpu.memory_space<vmem>> -> memref<1x16384xf32, #tpu.memory_space<vmem>>
    %dma_wait3A_782 = arith.constant 0 : i32
    %dma_wait3A_783 = tpu.memref_slice %arg2[%add3A_428, %dma_wait3A_782] : memref<768x16384xf32, #tpu.memory_space<hbm>> -> memref<1x16384xf32, #tpu.memory_space<hbm>>
    %dma_wait3A_784 = tpu.memref_slice %arg5[%dma_wait3A_778] : memref<7x!tpu.dma_semaphore, #tpu.memory_space<semaphore_mem>> -> memref<1x!tpu.dma_semaphore, #tpu.memory_space<semaphore_mem>>
    %dma_wait3A_785 = tpu.memref_squeeze %dma_wait3A_784 : memref<1x!tpu.dma_semaphore, #tpu.memory_space<semaphore_mem>> -> memref<!tpu.dma_semaphore, #tpu.memory_space<semaphore_mem>>
    %dma_wait3A_786 = arith.constant 5 : i32
    %dma_wait3A_787 = arith.constant 0 : i32
    %dma_wait3A_788 = tpu.memref_slice %arg4[%dma_wait3A_786, %dma_wait3A_787] : memref<7x16384xf32, #tpu.memory_space<vmem>> -> memref<1x16384xf32, #tpu.memory_space<vmem>>
    %dma_wait3A_789 = arith.constant 0 : i32
    %dma_wait3A_790 = tpu.memref_slice %arg2[%add3A_428, %dma_wait3A_789] : memref<768x16384xf32, #tpu.memory_space<hbm>> -> memref<1x16384xf32, #tpu.memory_space<hbm>>
    tpu.wait_dma2 semaphore(%dma_wait3A_785 : memref<!tpu.dma_semaphore, #tpu.memory_space<semaphore_mem>>) src(%dma_wait3A_790 : memref<1x16384xf32, #tpu.memory_space<hbm>>) dst(%dma_wait3A_788 : memref<1x16384xf32, #tpu.memory_space<vmem>>)
    %add3A_791 = arith.constant 12 : i32
    %add3A_792 = arith.addi %mul3A_2, %add3A_791 : i32
    %dma_start3A_793 = arith.constant 5 : i32
    %dma_start3A_794 = arith.constant 5 : i32
    %dma_start3A_795 = arith.constant 0 : i32
    %dma_start3A_796 = tpu.memref_slice %arg4[%dma_start3A_794, %dma_start3A_795] : memref<7x16384xf32, #tpu.memory_space<vmem>> -> memref<1x16384xf32, #tpu.memory_space<vmem>>
    %dma_start3A_797 = arith.constant 0 : i32
    %dma_start3A_798 = tpu.memref_slice %arg3[%add3A_792, %dma_start3A_797] : memref<768x16384xf32, #tpu.memory_space<hbm>> -> memref<1x16384xf32, #tpu.memory_space<hbm>>
    %dma_start3A_799 = tpu.memref_slice %arg6[%dma_start3A_793] : memref<7x!tpu.dma_semaphore, #tpu.memory_space<semaphore_mem>> -> memref<1x!tpu.dma_semaphore, #tpu.memory_space<semaphore_mem>>
    %dma_start3A_800 = tpu.memref_squeeze %dma_start3A_799 : memref<1x!tpu.dma_semaphore, #tpu.memory_space<semaphore_mem>> -> memref<!tpu.dma_semaphore, #tpu.memory_space<semaphore_mem>>
    %dma_start3A_801 = arith.constant 0 : i32
    %dma_start3A_802 = tpu.memref_slice %arg3[%add3A_792, %dma_start3A_801] : memref<768x16384xf32, #tpu.memory_space<hbm>> -> memref<1x16384xf32, #tpu.memory_space<hbm>>
    %dma_start3A_803 = arith.constant 5 : i32
    %dma_start3A_804 = arith.constant 0 : i32
    %dma_start3A_805 = tpu.memref_slice %arg4[%dma_start3A_803, %dma_start3A_804] : memref<7x16384xf32, #tpu.memory_space<vmem>> -> memref<1x16384xf32, #tpu.memory_space<vmem>>
    tpu.enqueue_dma source(%dma_start3A_805 : memref<1x16384xf32, #tpu.memory_space<vmem>>) target(%dma_start3A_802 : memref<1x16384xf32, #tpu.memory_space<hbm>>) target_semaphore(%dma_start3A_800 : memref<!tpu.dma_semaphore, #tpu.memory_space<semaphore_mem>>)
    %dma_wait3A_806 = arith.constant 5 : i32
    %dma_wait3A_807 = arith.constant 5 : i32
    %dma_wait3A_808 = arith.constant 0 : i32
    %dma_wait3A_809 = tpu.memref_slice %arg4[%dma_wait3A_807, %dma_wait3A_808] : memref<7x16384xf32, #tpu.memory_space<vmem>> -> memref<1x16384xf32, #tpu.memory_space<vmem>>
    %dma_wait3A_810 = arith.constant 0 : i32
    %dma_wait3A_811 = tpu.memref_slice %arg3[%add3A_792, %dma_wait3A_810] : memref<768x16384xf32, #tpu.memory_space<hbm>> -> memref<1x16384xf32, #tpu.memory_space<hbm>>
    %dma_wait3A_812 = tpu.memref_slice %arg6[%dma_wait3A_806] : memref<7x!tpu.dma_semaphore, #tpu.memory_space<semaphore_mem>> -> memref<1x!tpu.dma_semaphore, #tpu.memory_space<semaphore_mem>>
    %dma_wait3A_813 = tpu.memref_squeeze %dma_wait3A_812 : memref<1x!tpu.dma_semaphore, #tpu.memory_space<semaphore_mem>> -> memref<!tpu.dma_semaphore, #tpu.memory_space<semaphore_mem>>
    %dma_wait3A_814 = arith.constant 0 : i32
    %dma_wait3A_815 = tpu.memref_slice %arg3[%add3A_792, %dma_wait3A_814] : memref<768x16384xf32, #tpu.memory_space<hbm>> -> memref<1x16384xf32, #tpu.memory_space<hbm>>
    %dma_wait3A_816 = arith.constant 5 : i32
    %dma_wait3A_817 = arith.constant 0 : i32
    %dma_wait3A_818 = tpu.memref_slice %arg4[%dma_wait3A_816, %dma_wait3A_817] : memref<7x16384xf32, #tpu.memory_space<vmem>> -> memref<1x16384xf32, #tpu.memory_space<vmem>>
    tpu.wait_dma2 semaphore(%dma_wait3A_813 : memref<!tpu.dma_semaphore, #tpu.memory_space<semaphore_mem>>) src(%dma_wait3A_818 : memref<1x16384xf32, #tpu.memory_space<vmem>>) dst(%dma_wait3A_815 : memref<1x16384xf32, #tpu.memory_space<hbm>>)
    %add3A_819 = arith.constant 19 : i32
    %add3A_820 = arith.addi %mul3A_2, %add3A_819 : i32
    %dma_start3A_821 = arith.constant 5 : i32
    %dma_start3A_822 = arith.constant 5 : i32
    %dma_start3A_823 = arith.constant 0 : i32
    %dma_start3A_824 = tpu.memref_slice %arg4[%dma_start3A_822, %dma_start3A_823] : memref<7x16384xf32, #tpu.memory_space<vmem>> -> memref<1x16384xf32, #tpu.memory_space<vmem>>
    %dma_start3A_825 = arith.constant 0 : i32
    %dma_start3A_826 = tpu.memref_slice %arg2[%add3A_820, %dma_start3A_825] : memref<768x16384xf32, #tpu.memory_space<hbm>> -> memref<1x16384xf32, #tpu.memory_space<hbm>>
    %dma_start3A_827 = tpu.memref_slice %arg5[%dma_start3A_821] : memref<7x!tpu.dma_semaphore, #tpu.memory_space<semaphore_mem>> -> memref<1x!tpu.dma_semaphore, #tpu.memory_space<semaphore_mem>>
    %dma_start3A_828 = tpu.memref_squeeze %dma_start3A_827 : memref<1x!tpu.dma_semaphore, #tpu.memory_space<semaphore_mem>> -> memref<!tpu.dma_semaphore, #tpu.memory_space<semaphore_mem>>
    %dma_start3A_829 = arith.constant 5 : i32
    %dma_start3A_830 = arith.constant 0 : i32
    %dma_start3A_831 = tpu.memref_slice %arg4[%dma_start3A_829, %dma_start3A_830] : memref<7x16384xf32, #tpu.memory_space<vmem>> -> memref<1x16384xf32, #tpu.memory_space<vmem>>
    %dma_start3A_832 = arith.constant 0 : i32
    %dma_start3A_833 = tpu.memref_slice %arg2[%add3A_820, %dma_start3A_832] : memref<768x16384xf32, #tpu.memory_space<hbm>> -> memref<1x16384xf32, #tpu.memory_space<hbm>>
    tpu.enqueue_dma source(%dma_start3A_833 : memref<1x16384xf32, #tpu.memory_space<hbm>>) target(%dma_start3A_831 : memref<1x16384xf32, #tpu.memory_space<vmem>>) target_semaphore(%dma_start3A_828 : memref<!tpu.dma_semaphore, #tpu.memory_space<semaphore_mem>>)
    %dma_wait3A_834 = arith.constant 6 : i32
    %dma_wait3A_835 = arith.constant 6 : i32
    %dma_wait3A_836 = arith.constant 0 : i32
    %dma_wait3A_837 = tpu.memref_slice %arg4[%dma_wait3A_835, %dma_wait3A_836] : memref<7x16384xf32, #tpu.memory_space<vmem>> -> memref<1x16384xf32, #tpu.memory_space<vmem>>
    %dma_wait3A_838 = arith.constant 0 : i32
    %dma_wait3A_839 = tpu.memref_slice %arg2[%add3A_484, %dma_wait3A_838] : memref<768x16384xf32, #tpu.memory_space<hbm>> -> memref<1x16384xf32, #tpu.memory_space<hbm>>
    %dma_wait3A_840 = tpu.memref_slice %arg5[%dma_wait3A_834] : memref<7x!tpu.dma_semaphore, #tpu.memory_space<semaphore_mem>> -> memref<1x!tpu.dma_semaphore, #tpu.memory_space<semaphore_mem>>
    %dma_wait3A_841 = tpu.memref_squeeze %dma_wait3A_840 : memref<1x!tpu.dma_semaphore, #tpu.memory_space<semaphore_mem>> -> memref<!tpu.dma_semaphore, #tpu.memory_space<semaphore_mem>>
    %dma_wait3A_842 = arith.constant 6 : i32
    %dma_wait3A_843 = arith.constant 0 : i32
    %dma_wait3A_844 = tpu.memref_slice %arg4[%dma_wait3A_842, %dma_wait3A_843] : memref<7x16384xf32, #tpu.memory_space<vmem>> -> memref<1x16384xf32, #tpu.memory_space<vmem>>
    %dma_wait3A_845 = arith.constant 0 : i32
    %dma_wait3A_846 = tpu.memref_slice %arg2[%add3A_484, %dma_wait3A_845] : memref<768x16384xf32, #tpu.memory_space<hbm>> -> memref<1x16384xf32, #tpu.memory_space<hbm>>
    tpu.wait_dma2 semaphore(%dma_wait3A_841 : memref<!tpu.dma_semaphore, #tpu.memory_space<semaphore_mem>>) src(%dma_wait3A_846 : memref<1x16384xf32, #tpu.memory_space<hbm>>) dst(%dma_wait3A_844 : memref<1x16384xf32, #tpu.memory_space<vmem>>)
    %add3A_847 = arith.constant 13 : i32
    %add3A_848 = arith.addi %mul3A_2, %add3A_847 : i32
    %dma_start3A_849 = arith.constant 6 : i32
    %dma_start3A_850 = arith.constant 6 : i32
    %dma_start3A_851 = arith.constant 0 : i32
    %dma_start3A_852 = tpu.memref_slice %arg4[%dma_start3A_850, %dma_start3A_851] : memref<7x16384xf32, #tpu.memory_space<vmem>> -> memref<1x16384xf32, #tpu.memory_space<vmem>>
    %dma_start3A_853 = arith.constant 0 : i32
    %dma_start3A_854 = tpu.memref_slice %arg3[%add3A_848, %dma_start3A_853] : memref<768x16384xf32, #tpu.memory_space<hbm>> -> memref<1x16384xf32, #tpu.memory_space<hbm>>
    %dma_start3A_855 = tpu.memref_slice %arg6[%dma_start3A_849] : memref<7x!tpu.dma_semaphore, #tpu.memory_space<semaphore_mem>> -> memref<1x!tpu.dma_semaphore, #tpu.memory_space<semaphore_mem>>
    %dma_start3A_856 = tpu.memref_squeeze %dma_start3A_855 : memref<1x!tpu.dma_semaphore, #tpu.memory_space<semaphore_mem>> -> memref<!tpu.dma_semaphore, #tpu.memory_space<semaphore_mem>>
    %dma_start3A_857 = arith.constant 0 : i32
    %dma_start3A_858 = tpu.memref_slice %arg3[%add3A_848, %dma_start3A_857] : memref<768x16384xf32, #tpu.memory_space<hbm>> -> memref<1x16384xf32, #tpu.memory_space<hbm>>
    %dma_start3A_859 = arith.constant 6 : i32
    %dma_start3A_860 = arith.constant 0 : i32
    %dma_start3A_861 = tpu.memref_slice %arg4[%dma_start3A_859, %dma_start3A_860] : memref<7x16384xf32, #tpu.memory_space<vmem>> -> memref<1x16384xf32, #tpu.memory_space<vmem>>
    tpu.enqueue_dma source(%dma_start3A_861 : memref<1x16384xf32, #tpu.memory_space<vmem>>) target(%dma_start3A_858 : memref<1x16384xf32, #tpu.memory_space<hbm>>) target_semaphore(%dma_start3A_856 : memref<!tpu.dma_semaphore, #tpu.memory_space<semaphore_mem>>)
    %dma_wait3A_862 = arith.constant 6 : i32
    %dma_wait3A_863 = arith.constant 6 : i32
    %dma_wait3A_864 = arith.constant 0 : i32
    %dma_wait3A_865 = tpu.memref_slice %arg4[%dma_wait3A_863, %dma_wait3A_864] : memref<7x16384xf32, #tpu.memory_space<vmem>> -> memref<1x16384xf32, #tpu.memory_space<vmem>>
    %dma_wait3A_866 = arith.constant 0 : i32
    %dma_wait3A_867 = tpu.memref_slice %arg3[%add3A_848, %dma_wait3A_866] : memref<768x16384xf32, #tpu.memory_space<hbm>> -> memref<1x16384xf32, #tpu.memory_space<hbm>>
    %dma_wait3A_868 = tpu.memref_slice %arg6[%dma_wait3A_862] : memref<7x!tpu.dma_semaphore, #tpu.memory_space<semaphore_mem>> -> memref<1x!tpu.dma_semaphore, #tpu.memory_space<semaphore_mem>>
    %dma_wait3A_869 = tpu.memref_squeeze %dma_wait3A_868 : memref<1x!tpu.dma_semaphore, #tpu.memory_space<semaphore_mem>> -> memref<!tpu.dma_semaphore, #tpu.memory_space<semaphore_mem>>
    %dma_wait3A_870 = arith.constant 0 : i32
    %dma_wait3A_871 = tpu.memref_slice %arg3[%add3A_848, %dma_wait3A_870] : memref<768x16384xf32, #tpu.memory_space<hbm>> -> memref<1x16384xf32, #tpu.memory_space<hbm>>
    %dma_wait3A_872 = arith.constant 6 : i32
    %dma_wait3A_873 = arith.constant 0 : i32
    %dma_wait3A_874 = tpu.memref_slice %arg4[%dma_wait3A_872, %dma_wait3A_873] : memref<7x16384xf32, #tpu.memory_space<vmem>> -> memref<1x16384xf32, #tpu.memory_space<vmem>>
    tpu.wait_dma2 semaphore(%dma_wait3A_869 : memref<!tpu.dma_semaphore, #tpu.memory_space<semaphore_mem>>) src(%dma_wait3A_874 : memref<1x16384xf32, #tpu.memory_space<vmem>>) dst(%dma_wait3A_871 : memref<1x16384xf32, #tpu.memory_space<hbm>>)
    %add3A_875 = arith.constant 20 : i32
    %add3A_876 = arith.addi %mul3A_2, %add3A_875 : i32
    %dma_start3A_877 = arith.constant 6 : i32
    %dma_start3A_878 = arith.constant 6 : i32
    %dma_start3A_879 = arith.constant 0 : i32
    %dma_start3A_880 = tpu.memref_slice %arg4[%dma_start3A_878, %dma_start3A_879] : memref<7x16384xf32, #tpu.memory_space<vmem>> -> memref<1x16384xf32, #tpu.memory_space<vmem>>
    %dma_start3A_881 = arith.constant 0 : i32
    %dma_start3A_882 = tpu.memref_slice %arg2[%add3A_876, %dma_start3A_881] : memref<768x16384xf32, #tpu.memory_space<hbm>> -> memref<1x16384xf32, #tpu.memory_space<hbm>>
    %dma_start3A_883 = tpu.memref_slice %arg5[%dma_start3A_877] : memref<7x!tpu.dma_semaphore, #tpu.memory_space<semaphore_mem>> -> memref<1x!tpu.dma_semaphore, #tpu.memory_space<semaphore_mem>>
    %dma_start3A_884 = tpu.memref_squeeze %dma_start3A_883 : memref<1x!tpu.dma_semaphore, #tpu.memory_space<semaphore_mem>> -> memref<!tpu.dma_semaphore, #tpu.memory_space<semaphore_mem>>
    %dma_start3A_885 = arith.constant 6 : i32
    %dma_start3A_886 = arith.constant 0 : i32
    %dma_start3A_887 = tpu.memref_slice %arg4[%dma_start3A_885, %dma_start3A_886] : memref<7x16384xf32, #tpu.memory_space<vmem>> -> memref<1x16384xf32, #tpu.memory_space<vmem>>
    %dma_start3A_888 = arith.constant 0 : i32
    %dma_start3A_889 = tpu.memref_slice %arg2[%add3A_876, %dma_start3A_888] : memref<768x16384xf32, #tpu.memory_space<hbm>> -> memref<1x16384xf32, #tpu.memory_space<hbm>>
    tpu.enqueue_dma source(%dma_start3A_889 : memref<1x16384xf32, #tpu.memory_space<hbm>>) target(%dma_start3A_887 : memref<1x16384xf32, #tpu.memory_space<vmem>>) target_semaphore(%dma_start3A_884 : memref<!tpu.dma_semaphore, #tpu.memory_space<semaphore_mem>>)
    %dma_wait3A_890 = arith.constant 0 : i32
    %dma_wait3A_891 = arith.constant 0 : i32
    %dma_wait3A_892 = arith.constant 0 : i32
    %dma_wait3A_893 = tpu.memref_slice %arg4[%dma_wait3A_891, %dma_wait3A_892] : memref<7x16384xf32, #tpu.memory_space<vmem>> -> memref<1x16384xf32, #tpu.memory_space<vmem>>
    %dma_wait3A_894 = arith.constant 0 : i32
    %dma_wait3A_895 = tpu.memref_slice %arg2[%add3A_540, %dma_wait3A_894] : memref<768x16384xf32, #tpu.memory_space<hbm>> -> memref<1x16384xf32, #tpu.memory_space<hbm>>
    %dma_wait3A_896 = tpu.memref_slice %arg5[%dma_wait3A_890] : memref<7x!tpu.dma_semaphore, #tpu.memory_space<semaphore_mem>> -> memref<1x!tpu.dma_semaphore, #tpu.memory_space<semaphore_mem>>
    %dma_wait3A_897 = tpu.memref_squeeze %dma_wait3A_896 : memref<1x!tpu.dma_semaphore, #tpu.memory_space<semaphore_mem>> -> memref<!tpu.dma_semaphore, #tpu.memory_space<semaphore_mem>>
    %dma_wait3A_898 = arith.constant 0 : i32
    %dma_wait3A_899 = arith.constant 0 : i32
    %dma_wait3A_900 = tpu.memref_slice %arg4[%dma_wait3A_898, %dma_wait3A_899] : memref<7x16384xf32, #tpu.memory_space<vmem>> -> memref<1x16384xf32, #tpu.memory_space<vmem>>
    %dma_wait3A_901 = arith.constant 0 : i32
    %dma_wait3A_902 = tpu.memref_slice %arg2[%add3A_540, %dma_wait3A_901] : memref<768x16384xf32, #tpu.memory_space<hbm>> -> memref<1x16384xf32, #tpu.memory_space<hbm>>
    tpu.wait_dma2 semaphore(%dma_wait3A_897 : memref<!tpu.dma_semaphore, #tpu.memory_space<semaphore_mem>>) src(%dma_wait3A_902 : memref<1x16384xf32, #tpu.memory_space<hbm>>) dst(%dma_wait3A_900 : memref<1x16384xf32, #tpu.memory_space<vmem>>)
    %add3A_903 = arith.constant 14 : i32
    %add3A_904 = arith.addi %mul3A_2, %add3A_903 : i32
    %dma_start3A_905 = arith.constant 0 : i32
    %dma_start3A_906 = arith.constant 0 : i32
    %dma_start3A_907 = arith.constant 0 : i32
    %dma_start3A_908 = tpu.memref_slice %arg4[%dma_start3A_906, %dma_start3A_907] : memref<7x16384xf32, #tpu.memory_space<vmem>> -> memref<1x16384xf32, #tpu.memory_space<vmem>>
    %dma_start3A_909 = arith.constant 0 : i32
    %dma_start3A_910 = tpu.memref_slice %arg3[%add3A_904, %dma_start3A_909] : memref<768x16384xf32, #tpu.memory_space<hbm>> -> memref<1x16384xf32, #tpu.memory_space<hbm>>
    %dma_start3A_911 = tpu.memref_slice %arg6[%dma_start3A_905] : memref<7x!tpu.dma_semaphore, #tpu.memory_space<semaphore_mem>> -> memref<1x!tpu.dma_semaphore, #tpu.memory_space<semaphore_mem>>
    %dma_start3A_912 = tpu.memref_squeeze %dma_start3A_911 : memref<1x!tpu.dma_semaphore, #tpu.memory_space<semaphore_mem>> -> memref<!tpu.dma_semaphore, #tpu.memory_space<semaphore_mem>>
    %dma_start3A_913 = arith.constant 0 : i32
    %dma_start3A_914 = tpu.memref_slice %arg3[%add3A_904, %dma_start3A_913] : memref<768x16384xf32, #tpu.memory_space<hbm>> -> memref<1x16384xf32, #tpu.memory_space<hbm>>
    %dma_start3A_915 = arith.constant 0 : i32
    %dma_start3A_916 = arith.constant 0 : i32
    %dma_start3A_917 = tpu.memref_slice %arg4[%dma_start3A_915, %dma_start3A_916] : memref<7x16384xf32, #tpu.memory_space<vmem>> -> memref<1x16384xf32, #tpu.memory_space<vmem>>
    tpu.enqueue_dma source(%dma_start3A_917 : memref<1x16384xf32, #tpu.memory_space<vmem>>) target(%dma_start3A_914 : memref<1x16384xf32, #tpu.memory_space<hbm>>) target_semaphore(%dma_start3A_912 : memref<!tpu.dma_semaphore, #tpu.memory_space<semaphore_mem>>)
    %dma_wait3A_918 = arith.constant 0 : i32
    %dma_wait3A_919 = arith.constant 0 : i32
    %dma_wait3A_920 = arith.constant 0 : i32
    %dma_wait3A_921 = tpu.memref_slice %arg4[%dma_wait3A_919, %dma_wait3A_920] : memref<7x16384xf32, #tpu.memory_space<vmem>> -> memref<1x16384xf32, #tpu.memory_space<vmem>>
    %dma_wait3A_922 = arith.constant 0 : i32
    %dma_wait3A_923 = tpu.memref_slice %arg3[%add3A_904, %dma_wait3A_922] : memref<768x16384xf32, #tpu.memory_space<hbm>> -> memref<1x16384xf32, #tpu.memory_space<hbm>>
    %dma_wait3A_924 = tpu.memref_slice %arg6[%dma_wait3A_918] : memref<7x!tpu.dma_semaphore, #tpu.memory_space<semaphore_mem>> -> memref<1x!tpu.dma_semaphore, #tpu.memory_space<semaphore_mem>>
    %dma_wait3A_925 = tpu.memref_squeeze %dma_wait3A_924 : memref<1x!tpu.dma_semaphore, #tpu.memory_space<semaphore_mem>> -> memref<!tpu.dma_semaphore, #tpu.memory_space<semaphore_mem>>
    %dma_wait3A_926 = arith.constant 0 : i32
    %dma_wait3A_927 = tpu.memref_slice %arg3[%add3A_904, %dma_wait3A_926] : memref<768x16384xf32, #tpu.memory_space<hbm>> -> memref<1x16384xf32, #tpu.memory_space<hbm>>
    %dma_wait3A_928 = arith.constant 0 : i32
    %dma_wait3A_929 = arith.constant 0 : i32
    %dma_wait3A_930 = tpu.memref_slice %arg4[%dma_wait3A_928, %dma_wait3A_929] : memref<7x16384xf32, #tpu.memory_space<vmem>> -> memref<1x16384xf32, #tpu.memory_space<vmem>>
    tpu.wait_dma2 semaphore(%dma_wait3A_925 : memref<!tpu.dma_semaphore, #tpu.memory_space<semaphore_mem>>) src(%dma_wait3A_930 : memref<1x16384xf32, #tpu.memory_space<vmem>>) dst(%dma_wait3A_927 : memref<1x16384xf32, #tpu.memory_space<hbm>>)
    %add3A_931 = arith.constant 21 : i32
    %add3A_932 = arith.addi %mul3A_2, %add3A_931 : i32
    %dma_start3A_933 = arith.constant 0 : i32
    %dma_start3A_934 = arith.constant 0 : i32
    %dma_start3A_935 = arith.constant 0 : i32
    %dma_start3A_936 = tpu.memref_slice %arg4[%dma_start3A_934, %dma_start3A_935] : memref<7x16384xf32, #tpu.memory_space<vmem>> -> memref<1x16384xf32, #tpu.memory_space<vmem>>
    %dma_start3A_937 = arith.constant 0 : i32
    %dma_start3A_938 = tpu.memref_slice %arg2[%add3A_932, %dma_start3A_937] : memref<768x16384xf32, #tpu.memory_space<hbm>> -> memref<1x16384xf32, #tpu.memory_space<hbm>>
    %dma_start3A_939 = tpu.memref_slice %arg5[%dma_start3A_933] : memref<7x!tpu.dma_semaphore, #tpu.memory_space<semaphore_mem>> -> memref<1x!tpu.dma_semaphore, #tpu.memory_space<semaphore_mem>>
    %dma_start3A_940 = tpu.memref_squeeze %dma_start3A_939 : memref<1x!tpu.dma_semaphore, #tpu.memory_space<semaphore_mem>> -> memref<!tpu.dma_semaphore, #tpu.memory_space<semaphore_mem>>
    %dma_start3A_941 = arith.constant 0 : i32
    %dma_start3A_942 = arith.constant 0 : i32
    %dma_start3A_943 = tpu.memref_slice %arg4[%dma_start3A_941, %dma_start3A_942] : memref<7x16384xf32, #tpu.memory_space<vmem>> -> memref<1x16384xf32, #tpu.memory_space<vmem>>
    %dma_start3A_944 = arith.constant 0 : i32
    %dma_start3A_945 = tpu.memref_slice %arg2[%add3A_932, %dma_start3A_944] : memref<768x16384xf32, #tpu.memory_space<hbm>> -> memref<1x16384xf32, #tpu.memory_space<hbm>>
    tpu.enqueue_dma source(%dma_start3A_945 : memref<1x16384xf32, #tpu.memory_space<hbm>>) target(%dma_start3A_943 : memref<1x16384xf32, #tpu.memory_space<vmem>>) target_semaphore(%dma_start3A_940 : memref<!tpu.dma_semaphore, #tpu.memory_space<semaphore_mem>>)
    %dma_wait3A_946 = arith.constant 1 : i32
    %dma_wait3A_947 = arith.constant 1 : i32
    %dma_wait3A_948 = arith.constant 0 : i32
    %dma_wait3A_949 = tpu.memref_slice %arg4[%dma_wait3A_947, %dma_wait3A_948] : memref<7x16384xf32, #tpu.memory_space<vmem>> -> memref<1x16384xf32, #tpu.memory_space<vmem>>
    %dma_wait3A_950 = arith.constant 0 : i32
    %dma_wait3A_951 = tpu.memref_slice %arg2[%add3A_596, %dma_wait3A_950] : memref<768x16384xf32, #tpu.memory_space<hbm>> -> memref<1x16384xf32, #tpu.memory_space<hbm>>
    %dma_wait3A_952 = tpu.memref_slice %arg5[%dma_wait3A_946] : memref<7x!tpu.dma_semaphore, #tpu.memory_space<semaphore_mem>> -> memref<1x!tpu.dma_semaphore, #tpu.memory_space<semaphore_mem>>
    %dma_wait3A_953 = tpu.memref_squeeze %dma_wait3A_952 : memref<1x!tpu.dma_semaphore, #tpu.memory_space<semaphore_mem>> -> memref<!tpu.dma_semaphore, #tpu.memory_space<semaphore_mem>>
    %dma_wait3A_954 = arith.constant 1 : i32
    %dma_wait3A_955 = arith.constant 0 : i32
    %dma_wait3A_956 = tpu.memref_slice %arg4[%dma_wait3A_954, %dma_wait3A_955] : memref<7x16384xf32, #tpu.memory_space<vmem>> -> memref<1x16384xf32, #tpu.memory_space<vmem>>
    %dma_wait3A_957 = arith.constant 0 : i32
    %dma_wait3A_958 = tpu.memref_slice %arg2[%add3A_596, %dma_wait3A_957] : memref<768x16384xf32, #tpu.memory_space<hbm>> -> memref<1x16384xf32, #tpu.memory_space<hbm>>
    tpu.wait_dma2 semaphore(%dma_wait3A_953 : memref<!tpu.dma_semaphore, #tpu.memory_space<semaphore_mem>>) src(%dma_wait3A_958 : memref<1x16384xf32, #tpu.memory_space<hbm>>) dst(%dma_wait3A_956 : memref<1x16384xf32, #tpu.memory_space<vmem>>)
    %add3A_959 = arith.constant 15 : i32
    %add3A_960 = arith.addi %mul3A_2, %add3A_959 : i32
    %dma_start3A_961 = arith.constant 1 : i32
    %dma_start3A_962 = arith.constant 1 : i32
    %dma_start3A_963 = arith.constant 0 : i32
    %dma_start3A_964 = tpu.memref_slice %arg4[%dma_start3A_962, %dma_start3A_963] : memref<7x16384xf32, #tpu.memory_space<vmem>> -> memref<1x16384xf32, #tpu.memory_space<vmem>>
    %dma_start3A_965 = arith.constant 0 : i32
    %dma_start3A_966 = tpu.memref_slice %arg3[%add3A_960, %dma_start3A_965] : memref<768x16384xf32, #tpu.memory_space<hbm>> -> memref<1x16384xf32, #tpu.memory_space<hbm>>
    %dma_start3A_967 = tpu.memref_slice %arg6[%dma_start3A_961] : memref<7x!tpu.dma_semaphore, #tpu.memory_space<semaphore_mem>> -> memref<1x!tpu.dma_semaphore, #tpu.memory_space<semaphore_mem>>
    %dma_start3A_968 = tpu.memref_squeeze %dma_start3A_967 : memref<1x!tpu.dma_semaphore, #tpu.memory_space<semaphore_mem>> -> memref<!tpu.dma_semaphore, #tpu.memory_space<semaphore_mem>>
    %dma_start3A_969 = arith.constant 0 : i32
    %dma_start3A_970 = tpu.memref_slice %arg3[%add3A_960, %dma_start3A_969] : memref<768x16384xf32, #tpu.memory_space<hbm>> -> memref<1x16384xf32, #tpu.memory_space<hbm>>
    %dma_start3A_971 = arith.constant 1 : i32
    %dma_start3A_972 = arith.constant 0 : i32
    %dma_start3A_973 = tpu.memref_slice %arg4[%dma_start3A_971, %dma_start3A_972] : memref<7x16384xf32, #tpu.memory_space<vmem>> -> memref<1x16384xf32, #tpu.memory_space<vmem>>
    tpu.enqueue_dma source(%dma_start3A_973 : memref<1x16384xf32, #tpu.memory_space<vmem>>) target(%dma_start3A_970 : memref<1x16384xf32, #tpu.memory_space<hbm>>) target_semaphore(%dma_start3A_968 : memref<!tpu.dma_semaphore, #tpu.memory_space<semaphore_mem>>)
    %dma_wait3A_974 = arith.constant 1 : i32
    %dma_wait3A_975 = arith.constant 1 : i32
    %dma_wait3A_976 = arith.constant 0 : i32
    %dma_wait3A_977 = tpu.memref_slice %arg4[%dma_wait3A_975, %dma_wait3A_976] : memref<7x16384xf32, #tpu.memory_space<vmem>> -> memref<1x16384xf32, #tpu.memory_space<vmem>>
    %dma_wait3A_978 = arith.constant 0 : i32
    %dma_wait3A_979 = tpu.memref_slice %arg3[%add3A_960, %dma_wait3A_978] : memref<768x16384xf32, #tpu.memory_space<hbm>> -> memref<1x16384xf32, #tpu.memory_space<hbm>>
    %dma_wait3A_980 = tpu.memref_slice %arg6[%dma_wait3A_974] : memref<7x!tpu.dma_semaphore, #tpu.memory_space<semaphore_mem>> -> memref<1x!tpu.dma_semaphore, #tpu.memory_space<semaphore_mem>>
    %dma_wait3A_981 = tpu.memref_squeeze %dma_wait3A_980 : memref<1x!tpu.dma_semaphore, #tpu.memory_space<semaphore_mem>> -> memref<!tpu.dma_semaphore, #tpu.memory_space<semaphore_mem>>
    %dma_wait3A_982 = arith.constant 0 : i32
    %dma_wait3A_983 = tpu.memref_slice %arg3[%add3A_960, %dma_wait3A_982] : memref<768x16384xf32, #tpu.memory_space<hbm>> -> memref<1x16384xf32, #tpu.memory_space<hbm>>
    %dma_wait3A_984 = arith.constant 1 : i32
    %dma_wait3A_985 = arith.constant 0 : i32
    %dma_wait3A_986 = tpu.memref_slice %arg4[%dma_wait3A_984, %dma_wait3A_985] : memref<7x16384xf32, #tpu.memory_space<vmem>> -> memref<1x16384xf32, #tpu.memory_space<vmem>>
    tpu.wait_dma2 semaphore(%dma_wait3A_981 : memref<!tpu.dma_semaphore, #tpu.memory_space<semaphore_mem>>) src(%dma_wait3A_986 : memref<1x16384xf32, #tpu.memory_space<vmem>>) dst(%dma_wait3A_983 : memref<1x16384xf32, #tpu.memory_space<hbm>>)
    %add3A_987 = arith.constant 22 : i32
    %add3A_988 = arith.addi %mul3A_2, %add3A_987 : i32
    %dma_start3A_989 = arith.constant 1 : i32
    %dma_start3A_990 = arith.constant 1 : i32
    %dma_start3A_991 = arith.constant 0 : i32
    %dma_start3A_992 = tpu.memref_slice %arg4[%dma_start3A_990, %dma_start3A_991] : memref<7x16384xf32, #tpu.memory_space<vmem>> -> memref<1x16384xf32, #tpu.memory_space<vmem>>
    %dma_start3A_993 = arith.constant 0 : i32
    %dma_start3A_994 = tpu.memref_slice %arg2[%add3A_988, %dma_start3A_993] : memref<768x16384xf32, #tpu.memory_space<hbm>> -> memref<1x16384xf32, #tpu.memory_space<hbm>>
    %dma_start3A_995 = tpu.memref_slice %arg5[%dma_start3A_989] : memref<7x!tpu.dma_semaphore, #tpu.memory_space<semaphore_mem>> -> memref<1x!tpu.dma_semaphore, #tpu.memory_space<semaphore_mem>>
    %dma_start3A_996 = tpu.memref_squeeze %dma_start3A_995 : memref<1x!tpu.dma_semaphore, #tpu.memory_space<semaphore_mem>> -> memref<!tpu.dma_semaphore, #tpu.memory_space<semaphore_mem>>
    %dma_start3A_997 = arith.constant 1 : i32
    %dma_start3A_998 = arith.constant 0 : i32
    %dma_start3A_999 = tpu.memref_slice %arg4[%dma_start3A_997, %dma_start3A_998] : memref<7x16384xf32, #tpu.memory_space<vmem>> -> memref<1x16384xf32, #tpu.memory_space<vmem>>
    %dma_start3A_1000 = arith.constant 0 : i32
    %dma_start3A_1001 = tpu.memref_slice %arg2[%add3A_988, %dma_start3A_1000] : memref<768x16384xf32, #tpu.memory_space<hbm>> -> memref<1x16384xf32, #tpu.memory_space<hbm>>
    tpu.enqueue_dma source(%dma_start3A_1001 : memref<1x16384xf32, #tpu.memory_space<hbm>>) target(%dma_start3A_999 : memref<1x16384xf32, #tpu.memory_space<vmem>>) target_semaphore(%dma_start3A_996 : memref<!tpu.dma_semaphore, #tpu.memory_space<semaphore_mem>>)
    %dma_wait3A_1002 = arith.constant 2 : i32
    %dma_wait3A_1003 = arith.constant 2 : i32
    %dma_wait3A_1004 = arith.constant 0 : i32
    %dma_wait3A_1005 = tpu.memref_slice %arg4[%dma_wait3A_1003, %dma_wait3A_1004] : memref<7x16384xf32, #tpu.memory_space<vmem>> -> memref<1x16384xf32, #tpu.memory_space<vmem>>
    %dma_wait3A_1006 = arith.constant 0 : i32
    %dma_wait3A_1007 = tpu.memref_slice %arg2[%add3A_652, %dma_wait3A_1006] : memref<768x16384xf32, #tpu.memory_space<hbm>> -> memref<1x16384xf32, #tpu.memory_space<hbm>>
    %dma_wait3A_1008 = tpu.memref_slice %arg5[%dma_wait3A_1002] : memref<7x!tpu.dma_semaphore, #tpu.memory_space<semaphore_mem>> -> memref<1x!tpu.dma_semaphore, #tpu.memory_space<semaphore_mem>>
    %dma_wait3A_1009 = tpu.memref_squeeze %dma_wait3A_1008 : memref<1x!tpu.dma_semaphore, #tpu.memory_space<semaphore_mem>> -> memref<!tpu.dma_semaphore, #tpu.memory_space<semaphore_mem>>
    %dma_wait3A_1010 = arith.constant 2 : i32
    %dma_wait3A_1011 = arith.constant 0 : i32
    %dma_wait3A_1012 = tpu.memref_slice %arg4[%dma_wait3A_1010, %dma_wait3A_1011] : memref<7x16384xf32, #tpu.memory_space<vmem>> -> memref<1x16384xf32, #tpu.memory_space<vmem>>
    %dma_wait3A_1013 = arith.constant 0 : i32
    %dma_wait3A_1014 = tpu.memref_slice %arg2[%add3A_652, %dma_wait3A_1013] : memref<768x16384xf32, #tpu.memory_space<hbm>> -> memref<1x16384xf32, #tpu.memory_space<hbm>>
    tpu.wait_dma2 semaphore(%dma_wait3A_1009 : memref<!tpu.dma_semaphore, #tpu.memory_space<semaphore_mem>>) src(%dma_wait3A_1014 : memref<1x16384xf32, #tpu.memory_space<hbm>>) dst(%dma_wait3A_1012 : memref<1x16384xf32, #tpu.memory_space<vmem>>)
    %add3A_1015 = arith.constant 16 : i32
    %add3A_1016 = arith.addi %mul3A_2, %add3A_1015 : i32
    %dma_start3A_1017 = arith.constant 2 : i32
    %dma_start3A_1018 = arith.constant 2 : i32
    %dma_start3A_1019 = arith.constant 0 : i32
    %dma_start3A_1020 = tpu.memref_slice %arg4[%dma_start3A_1018, %dma_start3A_1019] : memref<7x16384xf32, #tpu.memory_space<vmem>> -> memref<1x16384xf32, #tpu.memory_space<vmem>>
    %dma_start3A_1021 = arith.constant 0 : i32
    %dma_start3A_1022 = tpu.memref_slice %arg3[%add3A_1016, %dma_start3A_1021] : memref<768x16384xf32, #tpu.memory_space<hbm>> -> memref<1x16384xf32, #tpu.memory_space<hbm>>
    %dma_start3A_1023 = tpu.memref_slice %arg6[%dma_start3A_1017] : memref<7x!tpu.dma_semaphore, #tpu.memory_space<semaphore_mem>> -> memref<1x!tpu.dma_semaphore, #tpu.memory_space<semaphore_mem>>
    %dma_start3A_1024 = tpu.memref_squeeze %dma_start3A_1023 : memref<1x!tpu.dma_semaphore, #tpu.memory_space<semaphore_mem>> -> memref<!tpu.dma_semaphore, #tpu.memory_space<semaphore_mem>>
    %dma_start3A_1025 = arith.constant 0 : i32
    %dma_start3A_1026 = tpu.memref_slice %arg3[%add3A_1016, %dma_start3A_1025] : memref<768x16384xf32, #tpu.memory_space<hbm>> -> memref<1x16384xf32, #tpu.memory_space<hbm>>
    %dma_start3A_1027 = arith.constant 2 : i32
    %dma_start3A_1028 = arith.constant 0 : i32
    %dma_start3A_1029 = tpu.memref_slice %arg4[%dma_start3A_1027, %dma_start3A_1028] : memref<7x16384xf32, #tpu.memory_space<vmem>> -> memref<1x16384xf32, #tpu.memory_space<vmem>>
    tpu.enqueue_dma source(%dma_start3A_1029 : memref<1x16384xf32, #tpu.memory_space<vmem>>) target(%dma_start3A_1026 : memref<1x16384xf32, #tpu.memory_space<hbm>>) target_semaphore(%dma_start3A_1024 : memref<!tpu.dma_semaphore, #tpu.memory_space<semaphore_mem>>)
    %dma_wait3A_1030 = arith.constant 2 : i32
    %dma_wait3A_1031 = arith.constant 2 : i32
    %dma_wait3A_1032 = arith.constant 0 : i32
    %dma_wait3A_1033 = tpu.memref_slice %arg4[%dma_wait3A_1031, %dma_wait3A_1032] : memref<7x16384xf32, #tpu.memory_space<vmem>> -> memref<1x16384xf32, #tpu.memory_space<vmem>>
    %dma_wait3A_1034 = arith.constant 0 : i32
    %dma_wait3A_1035 = tpu.memref_slice %arg3[%add3A_1016, %dma_wait3A_1034] : memref<768x16384xf32, #tpu.memory_space<hbm>> -> memref<1x16384xf32, #tpu.memory_space<hbm>>
    %dma_wait3A_1036 = tpu.memref_slice %arg6[%dma_wait3A_1030] : memref<7x!tpu.dma_semaphore, #tpu.memory_space<semaphore_mem>> -> memref<1x!tpu.dma_semaphore, #tpu.memory_space<semaphore_mem>>
    %dma_wait3A_1037 = tpu.memref_squeeze %dma_wait3A_1036 : memref<1x!tpu.dma_semaphore, #tpu.memory_space<semaphore_mem>> -> memref<!tpu.dma_semaphore, #tpu.memory_space<semaphore_mem>>
    %dma_wait3A_1038 = arith.constant 0 : i32
    %dma_wait3A_1039 = tpu.memref_slice %arg3[%add3A_1016, %dma_wait3A_1038] : memref<768x16384xf32, #tpu.memory_space<hbm>> -> memref<1x16384xf32, #tpu.memory_space<hbm>>
    %dma_wait3A_1040 = arith.constant 2 : i32
    %dma_wait3A_1041 = arith.constant 0 : i32
    %dma_wait3A_1042 = tpu.memref_slice %arg4[%dma_wait3A_1040, %dma_wait3A_1041] : memref<7x16384xf32, #tpu.memory_space<vmem>> -> memref<1x16384xf32, #tpu.memory_space<vmem>>
    tpu.wait_dma2 semaphore(%dma_wait3A_1037 : memref<!tpu.dma_semaphore, #tpu.memory_space<semaphore_mem>>) src(%dma_wait3A_1042 : memref<1x16384xf32, #tpu.memory_space<vmem>>) dst(%dma_wait3A_1039 : memref<1x16384xf32, #tpu.memory_space<hbm>>)
    %add3A_1043 = arith.constant 23 : i32
    %add3A_1044 = arith.addi %mul3A_2, %add3A_1043 : i32
    %dma_start3A_1045 = arith.constant 2 : i32
    %dma_start3A_1046 = arith.constant 2 : i32
    %dma_start3A_1047 = arith.constant 0 : i32
    %dma_start3A_1048 = tpu.memref_slice %arg4[%dma_start3A_1046, %dma_start3A_1047] : memref<7x16384xf32, #tpu.memory_space<vmem>> -> memref<1x16384xf32, #tpu.memory_space<vmem>>
    %dma_start3A_1049 = arith.constant 0 : i32
    %dma_start3A_1050 = tpu.memref_slice %arg2[%add3A_1044, %dma_start3A_1049] : memref<768x16384xf32, #tpu.memory_space<hbm>> -> memref<1x16384xf32, #tpu.memory_space<hbm>>
    %dma_start3A_1051 = tpu.memref_slice %arg5[%dma_start3A_1045] : memref<7x!tpu.dma_semaphore, #tpu.memory_space<semaphore_mem>> -> memref<1x!tpu.dma_semaphore, #tpu.memory_space<semaphore_mem>>
    %dma_start3A_1052 = tpu.memref_squeeze %dma_start3A_1051 : memref<1x!tpu.dma_semaphore, #tpu.memory_space<semaphore_mem>> -> memref<!tpu.dma_semaphore, #tpu.memory_space<semaphore_mem>>
    %dma_start3A_1053 = arith.constant 2 : i32
    %dma_start3A_1054 = arith.constant 0 : i32
    %dma_start3A_1055 = tpu.memref_slice %arg4[%dma_start3A_1053, %dma_start3A_1054] : memref<7x16384xf32, #tpu.memory_space<vmem>> -> memref<1x16384xf32, #tpu.memory_space<vmem>>
    %dma_start3A_1056 = arith.constant 0 : i32
    %dma_start3A_1057 = tpu.memref_slice %arg2[%add3A_1044, %dma_start3A_1056] : memref<768x16384xf32, #tpu.memory_space<hbm>> -> memref<1x16384xf32, #tpu.memory_space<hbm>>
    tpu.enqueue_dma source(%dma_start3A_1057 : memref<1x16384xf32, #tpu.memory_space<hbm>>) target(%dma_start3A_1055 : memref<1x16384xf32, #tpu.memory_space<vmem>>) target_semaphore(%dma_start3A_1052 : memref<!tpu.dma_semaphore, #tpu.memory_space<semaphore_mem>>)
    %dma_wait3A_1058 = arith.constant 3 : i32
    %dma_wait3A_1059 = arith.constant 3 : i32
    %dma_wait3A_1060 = arith.constant 0 : i32
    %dma_wait3A_1061 = tpu.memref_slice %arg4[%dma_wait3A_1059, %dma_wait3A_1060] : memref<7x16384xf32, #tpu.memory_space<vmem>> -> memref<1x16384xf32, #tpu.memory_space<vmem>>
    %dma_wait3A_1062 = arith.constant 0 : i32
    %dma_wait3A_1063 = tpu.memref_slice %arg2[%add3A_708, %dma_wait3A_1062] : memref<768x16384xf32, #tpu.memory_space<hbm>> -> memref<1x16384xf32, #tpu.memory_space<hbm>>
    %dma_wait3A_1064 = tpu.memref_slice %arg5[%dma_wait3A_1058] : memref<7x!tpu.dma_semaphore, #tpu.memory_space<semaphore_mem>> -> memref<1x!tpu.dma_semaphore, #tpu.memory_space<semaphore_mem>>
    %dma_wait3A_1065 = tpu.memref_squeeze %dma_wait3A_1064 : memref<1x!tpu.dma_semaphore, #tpu.memory_space<semaphore_mem>> -> memref<!tpu.dma_semaphore, #tpu.memory_space<semaphore_mem>>
    %dma_wait3A_1066 = arith.constant 3 : i32
    %dma_wait3A_1067 = arith.constant 0 : i32
    %dma_wait3A_1068 = tpu.memref_slice %arg4[%dma_wait3A_1066, %dma_wait3A_1067] : memref<7x16384xf32, #tpu.memory_space<vmem>> -> memref<1x16384xf32, #tpu.memory_space<vmem>>
    %dma_wait3A_1069 = arith.constant 0 : i32
    %dma_wait3A_1070 = tpu.memref_slice %arg2[%add3A_708, %dma_wait3A_1069] : memref<768x16384xf32, #tpu.memory_space<hbm>> -> memref<1x16384xf32, #tpu.memory_space<hbm>>
    tpu.wait_dma2 semaphore(%dma_wait3A_1065 : memref<!tpu.dma_semaphore, #tpu.memory_space<semaphore_mem>>) src(%dma_wait3A_1070 : memref<1x16384xf32, #tpu.memory_space<hbm>>) dst(%dma_wait3A_1068 : memref<1x16384xf32, #tpu.memory_space<vmem>>)
    %add3A_1071 = arith.constant 17 : i32
    %add3A_1072 = arith.addi %mul3A_2, %add3A_1071 : i32
    %dma_start3A_1073 = arith.constant 3 : i32
    %dma_start3A_1074 = arith.constant 3 : i32
    %dma_start3A_1075 = arith.constant 0 : i32
    %dma_start3A_1076 = tpu.memref_slice %arg4[%dma_start3A_1074, %dma_start3A_1075] : memref<7x16384xf32, #tpu.memory_space<vmem>> -> memref<1x16384xf32, #tpu.memory_space<vmem>>
    %dma_start3A_1077 = arith.constant 0 : i32
    %dma_start3A_1078 = tpu.memref_slice %arg3[%add3A_1072, %dma_start3A_1077] : memref<768x16384xf32, #tpu.memory_space<hbm>> -> memref<1x16384xf32, #tpu.memory_space<hbm>>
    %dma_start3A_1079 = tpu.memref_slice %arg6[%dma_start3A_1073] : memref<7x!tpu.dma_semaphore, #tpu.memory_space<semaphore_mem>> -> memref<1x!tpu.dma_semaphore, #tpu.memory_space<semaphore_mem>>
    %dma_start3A_1080 = tpu.memref_squeeze %dma_start3A_1079 : memref<1x!tpu.dma_semaphore, #tpu.memory_space<semaphore_mem>> -> memref<!tpu.dma_semaphore, #tpu.memory_space<semaphore_mem>>
    %dma_start3A_1081 = arith.constant 0 : i32
    %dma_start3A_1082 = tpu.memref_slice %arg3[%add3A_1072, %dma_start3A_1081] : memref<768x16384xf32, #tpu.memory_space<hbm>> -> memref<1x16384xf32, #tpu.memory_space<hbm>>
    %dma_start3A_1083 = arith.constant 3 : i32
    %dma_start3A_1084 = arith.constant 0 : i32
    %dma_start3A_1085 = tpu.memref_slice %arg4[%dma_start3A_1083, %dma_start3A_1084] : memref<7x16384xf32, #tpu.memory_space<vmem>> -> memref<1x16384xf32, #tpu.memory_space<vmem>>
    tpu.enqueue_dma source(%dma_start3A_1085 : memref<1x16384xf32, #tpu.memory_space<vmem>>) target(%dma_start3A_1082 : memref<1x16384xf32, #tpu.memory_space<hbm>>) target_semaphore(%dma_start3A_1080 : memref<!tpu.dma_semaphore, #tpu.memory_space<semaphore_mem>>)
    %dma_wait3A_1086 = arith.constant 4 : i32
    %dma_wait3A_1087 = arith.constant 4 : i32
    %dma_wait3A_1088 = arith.constant 0 : i32
    %dma_wait3A_1089 = tpu.memref_slice %arg4[%dma_wait3A_1087, %dma_wait3A_1088] : memref<7x16384xf32, #tpu.memory_space<vmem>> -> memref<1x16384xf32, #tpu.memory_space<vmem>>
    %dma_wait3A_1090 = arith.constant 0 : i32
    %dma_wait3A_1091 = tpu.memref_slice %arg2[%add3A_764, %dma_wait3A_1090] : memref<768x16384xf32, #tpu.memory_space<hbm>> -> memref<1x16384xf32, #tpu.memory_space<hbm>>
    %dma_wait3A_1092 = tpu.memref_slice %arg5[%dma_wait3A_1086] : memref<7x!tpu.dma_semaphore, #tpu.memory_space<semaphore_mem>> -> memref<1x!tpu.dma_semaphore, #tpu.memory_space<semaphore_mem>>
    %dma_wait3A_1093 = tpu.memref_squeeze %dma_wait3A_1092 : memref<1x!tpu.dma_semaphore, #tpu.memory_space<semaphore_mem>> -> memref<!tpu.dma_semaphore, #tpu.memory_space<semaphore_mem>>
    %dma_wait3A_1094 = arith.constant 4 : i32
    %dma_wait3A_1095 = arith.constant 0 : i32
    %dma_wait3A_1096 = tpu.memref_slice %arg4[%dma_wait3A_1094, %dma_wait3A_1095] : memref<7x16384xf32, #tpu.memory_space<vmem>> -> memref<1x16384xf32, #tpu.memory_space<vmem>>
    %dma_wait3A_1097 = arith.constant 0 : i32
    %dma_wait3A_1098 = tpu.memref_slice %arg2[%add3A_764, %dma_wait3A_1097] : memref<768x16384xf32, #tpu.memory_space<hbm>> -> memref<1x16384xf32, #tpu.memory_space<hbm>>
    tpu.wait_dma2 semaphore(%dma_wait3A_1093 : memref<!tpu.dma_semaphore, #tpu.memory_space<semaphore_mem>>) src(%dma_wait3A_1098 : memref<1x16384xf32, #tpu.memory_space<hbm>>) dst(%dma_wait3A_1096 : memref<1x16384xf32, #tpu.memory_space<vmem>>)
    %add3A_1099 = arith.constant 18 : i32
    %add3A_1100 = arith.addi %mul3A_2, %add3A_1099 : i32
    %dma_start3A_1101 = arith.constant 4 : i32
    %dma_start3A_1102 = arith.constant 4 : i32
    %dma_start3A_1103 = arith.constant 0 : i32
    %dma_start3A_1104 = tpu.memref_slice %arg4[%dma_start3A_1102, %dma_start3A_1103] : memref<7x16384xf32, #tpu.memory_space<vmem>> -> memref<1x16384xf32, #tpu.memory_space<vmem>>
    %dma_start3A_1105 = arith.constant 0 : i32
    %dma_start3A_1106 = tpu.memref_slice %arg3[%add3A_1100, %dma_start3A_1105] : memref<768x16384xf32, #tpu.memory_space<hbm>> -> memref<1x16384xf32, #tpu.memory_space<hbm>>
    %dma_start3A_1107 = tpu.memref_slice %arg6[%dma_start3A_1101] : memref<7x!tpu.dma_semaphore, #tpu.memory_space<semaphore_mem>> -> memref<1x!tpu.dma_semaphore, #tpu.memory_space<semaphore_mem>>
    %dma_start3A_1108 = tpu.memref_squeeze %dma_start3A_1107 : memref<1x!tpu.dma_semaphore, #tpu.memory_space<semaphore_mem>> -> memref<!tpu.dma_semaphore, #tpu.memory_space<semaphore_mem>>
    %dma_start3A_1109 = arith.constant 0 : i32
    %dma_start3A_1110 = tpu.memref_slice %arg3[%add3A_1100, %dma_start3A_1109] : memref<768x16384xf32, #tpu.memory_space<hbm>> -> memref<1x16384xf32, #tpu.memory_space<hbm>>
    %dma_start3A_1111 = arith.constant 4 : i32
    %dma_start3A_1112 = arith.constant 0 : i32
    %dma_start3A_1113 = tpu.memref_slice %arg4[%dma_start3A_1111, %dma_start3A_1112] : memref<7x16384xf32, #tpu.memory_space<vmem>> -> memref<1x16384xf32, #tpu.memory_space<vmem>>
    tpu.enqueue_dma source(%dma_start3A_1113 : memref<1x16384xf32, #tpu.memory_space<vmem>>) target(%dma_start3A_1110 : memref<1x16384xf32, #tpu.memory_space<hbm>>) target_semaphore(%dma_start3A_1108 : memref<!tpu.dma_semaphore, #tpu.memory_space<semaphore_mem>>)
    %dma_wait3A_1114 = arith.constant 5 : i32
    %dma_wait3A_1115 = arith.constant 5 : i32
    %dma_wait3A_1116 = arith.constant 0 : i32
    %dma_wait3A_1117 = tpu.memref_slice %arg4[%dma_wait3A_1115, %dma_wait3A_1116] : memref<7x16384xf32, #tpu.memory_space<vmem>> -> memref<1x16384xf32, #tpu.memory_space<vmem>>
    %dma_wait3A_1118 = arith.constant 0 : i32
    %dma_wait3A_1119 = tpu.memref_slice %arg2[%add3A_820, %dma_wait3A_1118] : memref<768x16384xf32, #tpu.memory_space<hbm>> -> memref<1x16384xf32, #tpu.memory_space<hbm>>
    %dma_wait3A_1120 = tpu.memref_slice %arg5[%dma_wait3A_1114] : memref<7x!tpu.dma_semaphore, #tpu.memory_space<semaphore_mem>> -> memref<1x!tpu.dma_semaphore, #tpu.memory_space<semaphore_mem>>
    %dma_wait3A_1121 = tpu.memref_squeeze %dma_wait3A_1120 : memref<1x!tpu.dma_semaphore, #tpu.memory_space<semaphore_mem>> -> memref<!tpu.dma_semaphore, #tpu.memory_space<semaphore_mem>>
    %dma_wait3A_1122 = arith.constant 5 : i32
    %dma_wait3A_1123 = arith.constant 0 : i32
    %dma_wait3A_1124 = tpu.memref_slice %arg4[%dma_wait3A_1122, %dma_wait3A_1123] : memref<7x16384xf32, #tpu.memory_space<vmem>> -> memref<1x16384xf32, #tpu.memory_space<vmem>>
    %dma_wait3A_1125 = arith.constant 0 : i32
    %dma_wait3A_1126 = tpu.memref_slice %arg2[%add3A_820, %dma_wait3A_1125] : memref<768x16384xf32, #tpu.memory_space<hbm>> -> memref<1x16384xf32, #tpu.memory_space<hbm>>
    tpu.wait_dma2 semaphore(%dma_wait3A_1121 : memref<!tpu.dma_semaphore, #tpu.memory_space<semaphore_mem>>) src(%dma_wait3A_1126 : memref<1x16384xf32, #tpu.memory_space<hbm>>) dst(%dma_wait3A_1124 : memref<1x16384xf32, #tpu.memory_space<vmem>>)
    %add3A_1127 = arith.constant 19 : i32
    %add3A_1128 = arith.addi %mul3A_2, %add3A_1127 : i32
    %dma_start3A_1129 = arith.constant 5 : i32
    %dma_start3A_1130 = arith.constant 5 : i32
    %dma_start3A_1131 = arith.constant 0 : i32
    %dma_start3A_1132 = tpu.memref_slice %arg4[%dma_start3A_1130, %dma_start3A_1131] : memref<7x16384xf32, #tpu.memory_space<vmem>> -> memref<1x16384xf32, #tpu.memory_space<vmem>>
    %dma_start3A_1133 = arith.constant 0 : i32
    %dma_start3A_1134 = tpu.memref_slice %arg3[%add3A_1128, %dma_start3A_1133] : memref<768x16384xf32, #tpu.memory_space<hbm>> -> memref<1x16384xf32, #tpu.memory_space<hbm>>
    %dma_start3A_1135 = tpu.memref_slice %arg6[%dma_start3A_1129] : memref<7x!tpu.dma_semaphore, #tpu.memory_space<semaphore_mem>> -> memref<1x!tpu.dma_semaphore, #tpu.memory_space<semaphore_mem>>
    %dma_start3A_1136 = tpu.memref_squeeze %dma_start3A_1135 : memref<1x!tpu.dma_semaphore, #tpu.memory_space<semaphore_mem>> -> memref<!tpu.dma_semaphore, #tpu.memory_space<semaphore_mem>>
    %dma_start3A_1137 = arith.constant 0 : i32
    %dma_start3A_1138 = tpu.memref_slice %arg3[%add3A_1128, %dma_start3A_1137] : memref<768x16384xf32, #tpu.memory_space<hbm>> -> memref<1x16384xf32, #tpu.memory_space<hbm>>
    %dma_start3A_1139 = arith.constant 5 : i32
    %dma_start3A_1140 = arith.constant 0 : i32
    %dma_start3A_1141 = tpu.memref_slice %arg4[%dma_start3A_1139, %dma_start3A_1140] : memref<7x16384xf32, #tpu.memory_space<vmem>> -> memref<1x16384xf32, #tpu.memory_space<vmem>>
    tpu.enqueue_dma source(%dma_start3A_1141 : memref<1x16384xf32, #tpu.memory_space<vmem>>) target(%dma_start3A_1138 : memref<1x16384xf32, #tpu.memory_space<hbm>>) target_semaphore(%dma_start3A_1136 : memref<!tpu.dma_semaphore, #tpu.memory_space<semaphore_mem>>)
    %dma_wait3A_1142 = arith.constant 6 : i32
    %dma_wait3A_1143 = arith.constant 6 : i32
    %dma_wait3A_1144 = arith.constant 0 : i32
    %dma_wait3A_1145 = tpu.memref_slice %arg4[%dma_wait3A_1143, %dma_wait3A_1144] : memref<7x16384xf32, #tpu.memory_space<vmem>> -> memref<1x16384xf32, #tpu.memory_space<vmem>>
    %dma_wait3A_1146 = arith.constant 0 : i32
    %dma_wait3A_1147 = tpu.memref_slice %arg2[%add3A_876, %dma_wait3A_1146] : memref<768x16384xf32, #tpu.memory_space<hbm>> -> memref<1x16384xf32, #tpu.memory_space<hbm>>
    %dma_wait3A_1148 = tpu.memref_slice %arg5[%dma_wait3A_1142] : memref<7x!tpu.dma_semaphore, #tpu.memory_space<semaphore_mem>> -> memref<1x!tpu.dma_semaphore, #tpu.memory_space<semaphore_mem>>
    %dma_wait3A_1149 = tpu.memref_squeeze %dma_wait3A_1148 : memref<1x!tpu.dma_semaphore, #tpu.memory_space<semaphore_mem>> -> memref<!tpu.dma_semaphore, #tpu.memory_space<semaphore_mem>>
    %dma_wait3A_1150 = arith.constant 6 : i32
    %dma_wait3A_1151 = arith.constant 0 : i32
    %dma_wait3A_1152 = tpu.memref_slice %arg4[%dma_wait3A_1150, %dma_wait3A_1151] : memref<7x16384xf32, #tpu.memory_space<vmem>> -> memref<1x16384xf32, #tpu.memory_space<vmem>>
    %dma_wait3A_1153 = arith.constant 0 : i32
    %dma_wait3A_1154 = tpu.memref_slice %arg2[%add3A_876, %dma_wait3A_1153] : memref<768x16384xf32, #tpu.memory_space<hbm>> -> memref<1x16384xf32, #tpu.memory_space<hbm>>
    tpu.wait_dma2 semaphore(%dma_wait3A_1149 : memref<!tpu.dma_semaphore, #tpu.memory_space<semaphore_mem>>) src(%dma_wait3A_1154 : memref<1x16384xf32, #tpu.memory_space<hbm>>) dst(%dma_wait3A_1152 : memref<1x16384xf32, #tpu.memory_space<vmem>>)
    %add3A_1155 = arith.constant 20 : i32
    %add3A_1156 = arith.addi %mul3A_2, %add3A_1155 : i32
    %dma_start3A_1157 = arith.constant 6 : i32
    %dma_start3A_1158 = arith.constant 6 : i32
    %dma_start3A_1159 = arith.constant 0 : i32
    %dma_start3A_1160 = tpu.memref_slice %arg4[%dma_start3A_1158, %dma_start3A_1159] : memref<7x16384xf32, #tpu.memory_space<vmem>> -> memref<1x16384xf32, #tpu.memory_space<vmem>>
    %dma_start3A_1161 = arith.constant 0 : i32
    %dma_start3A_1162 = tpu.memref_slice %arg3[%add3A_1156, %dma_start3A_1161] : memref<768x16384xf32, #tpu.memory_space<hbm>> -> memref<1x16384xf32, #tpu.memory_space<hbm>>
    %dma_start3A_1163 = tpu.memref_slice %arg6[%dma_start3A_1157] : memref<7x!tpu.dma_semaphore, #tpu.memory_space<semaphore_mem>> -> memref<1x!tpu.dma_semaphore, #tpu.memory_space<semaphore_mem>>
    %dma_start3A_1164 = tpu.memref_squeeze %dma_start3A_1163 : memref<1x!tpu.dma_semaphore, #tpu.memory_space<semaphore_mem>> -> memref<!tpu.dma_semaphore, #tpu.memory_space<semaphore_mem>>
    %dma_start3A_1165 = arith.constant 0 : i32
    %dma_start3A_1166 = tpu.memref_slice %arg3[%add3A_1156, %dma_start3A_1165] : memref<768x16384xf32, #tpu.memory_space<hbm>> -> memref<1x16384xf32, #tpu.memory_space<hbm>>
    %dma_start3A_1167 = arith.constant 6 : i32
    %dma_start3A_1168 = arith.constant 0 : i32
    %dma_start3A_1169 = tpu.memref_slice %arg4[%dma_start3A_1167, %dma_start3A_1168] : memref<7x16384xf32, #tpu.memory_space<vmem>> -> memref<1x16384xf32, #tpu.memory_space<vmem>>
    tpu.enqueue_dma source(%dma_start3A_1169 : memref<1x16384xf32, #tpu.memory_space<vmem>>) target(%dma_start3A_1166 : memref<1x16384xf32, #tpu.memory_space<hbm>>) target_semaphore(%dma_start3A_1164 : memref<!tpu.dma_semaphore, #tpu.memory_space<semaphore_mem>>)
    %dma_wait3A_1170 = arith.constant 0 : i32
    %dma_wait3A_1171 = arith.constant 0 : i32
    %dma_wait3A_1172 = arith.constant 0 : i32
    %dma_wait3A_1173 = tpu.memref_slice %arg4[%dma_wait3A_1171, %dma_wait3A_1172] : memref<7x16384xf32, #tpu.memory_space<vmem>> -> memref<1x16384xf32, #tpu.memory_space<vmem>>
    %dma_wait3A_1174 = arith.constant 0 : i32
    %dma_wait3A_1175 = tpu.memref_slice %arg2[%add3A_932, %dma_wait3A_1174] : memref<768x16384xf32, #tpu.memory_space<hbm>> -> memref<1x16384xf32, #tpu.memory_space<hbm>>
    %dma_wait3A_1176 = tpu.memref_slice %arg5[%dma_wait3A_1170] : memref<7x!tpu.dma_semaphore, #tpu.memory_space<semaphore_mem>> -> memref<1x!tpu.dma_semaphore, #tpu.memory_space<semaphore_mem>>
    %dma_wait3A_1177 = tpu.memref_squeeze %dma_wait3A_1176 : memref<1x!tpu.dma_semaphore, #tpu.memory_space<semaphore_mem>> -> memref<!tpu.dma_semaphore, #tpu.memory_space<semaphore_mem>>
    %dma_wait3A_1178 = arith.constant 0 : i32
    %dma_wait3A_1179 = arith.constant 0 : i32
    %dma_wait3A_1180 = tpu.memref_slice %arg4[%dma_wait3A_1178, %dma_wait3A_1179] : memref<7x16384xf32, #tpu.memory_space<vmem>> -> memref<1x16384xf32, #tpu.memory_space<vmem>>
    %dma_wait3A_1181 = arith.constant 0 : i32
    %dma_wait3A_1182 = tpu.memref_slice %arg2[%add3A_932, %dma_wait3A_1181] : memref<768x16384xf32, #tpu.memory_space<hbm>> -> memref<1x16384xf32, #tpu.memory_space<hbm>>
    tpu.wait_dma2 semaphore(%dma_wait3A_1177 : memref<!tpu.dma_semaphore, #tpu.memory_space<semaphore_mem>>) src(%dma_wait3A_1182 : memref<1x16384xf32, #tpu.memory_space<hbm>>) dst(%dma_wait3A_1180 : memref<1x16384xf32, #tpu.memory_space<vmem>>)
    %add3A_1183 = arith.constant 21 : i32
    %add3A_1184 = arith.addi %mul3A_2, %add3A_1183 : i32
    %dma_start3A_1185 = arith.constant 0 : i32
    %dma_start3A_1186 = arith.constant 0 : i32
    %dma_start3A_1187 = arith.constant 0 : i32
    %dma_start3A_1188 = tpu.memref_slice %arg4[%dma_start3A_1186, %dma_start3A_1187] : memref<7x16384xf32, #tpu.memory_space<vmem>> -> memref<1x16384xf32, #tpu.memory_space<vmem>>
    %dma_start3A_1189 = arith.constant 0 : i32
    %dma_start3A_1190 = tpu.memref_slice %arg3[%add3A_1184, %dma_start3A_1189] : memref<768x16384xf32, #tpu.memory_space<hbm>> -> memref<1x16384xf32, #tpu.memory_space<hbm>>
    %dma_start3A_1191 = tpu.memref_slice %arg6[%dma_start3A_1185] : memref<7x!tpu.dma_semaphore, #tpu.memory_space<semaphore_mem>> -> memref<1x!tpu.dma_semaphore, #tpu.memory_space<semaphore_mem>>
    %dma_start3A_1192 = tpu.memref_squeeze %dma_start3A_1191 : memref<1x!tpu.dma_semaphore, #tpu.memory_space<semaphore_mem>> -> memref<!tpu.dma_semaphore, #tpu.memory_space<semaphore_mem>>
    %dma_start3A_1193 = arith.constant 0 : i32
    %dma_start3A_1194 = tpu.memref_slice %arg3[%add3A_1184, %dma_start3A_1193] : memref<768x16384xf32, #tpu.memory_space<hbm>> -> memref<1x16384xf32, #tpu.memory_space<hbm>>
    %dma_start3A_1195 = arith.constant 0 : i32
    %dma_start3A_1196 = arith.constant 0 : i32
    %dma_start3A_1197 = tpu.memref_slice %arg4[%dma_start3A_1195, %dma_start3A_1196] : memref<7x16384xf32, #tpu.memory_space<vmem>> -> memref<1x16384xf32, #tpu.memory_space<vmem>>
    tpu.enqueue_dma source(%dma_start3A_1197 : memref<1x16384xf32, #tpu.memory_space<vmem>>) target(%dma_start3A_1194 : memref<1x16384xf32, #tpu.memory_space<hbm>>) target_semaphore(%dma_start3A_1192 : memref<!tpu.dma_semaphore, #tpu.memory_space<semaphore_mem>>)
    %dma_wait3A_1198 = arith.constant 1 : i32
    %dma_wait3A_1199 = arith.constant 1 : i32
    %dma_wait3A_1200 = arith.constant 0 : i32
    %dma_wait3A_1201 = tpu.memref_slice %arg4[%dma_wait3A_1199, %dma_wait3A_1200] : memref<7x16384xf32, #tpu.memory_space<vmem>> -> memref<1x16384xf32, #tpu.memory_space<vmem>>
    %dma_wait3A_1202 = arith.constant 0 : i32
    %dma_wait3A_1203 = tpu.memref_slice %arg2[%add3A_988, %dma_wait3A_1202] : memref<768x16384xf32, #tpu.memory_space<hbm>> -> memref<1x16384xf32, #tpu.memory_space<hbm>>
    %dma_wait3A_1204 = tpu.memref_slice %arg5[%dma_wait3A_1198] : memref<7x!tpu.dma_semaphore, #tpu.memory_space<semaphore_mem>> -> memref<1x!tpu.dma_semaphore, #tpu.memory_space<semaphore_mem>>
    %dma_wait3A_1205 = tpu.memref_squeeze %dma_wait3A_1204 : memref<1x!tpu.dma_semaphore, #tpu.memory_space<semaphore_mem>> -> memref<!tpu.dma_semaphore, #tpu.memory_space<semaphore_mem>>
    %dma_wait3A_1206 = arith.constant 1 : i32
    %dma_wait3A_1207 = arith.constant 0 : i32
    %dma_wait3A_1208 = tpu.memref_slice %arg4[%dma_wait3A_1206, %dma_wait3A_1207] : memref<7x16384xf32, #tpu.memory_space<vmem>> -> memref<1x16384xf32, #tpu.memory_space<vmem>>
    %dma_wait3A_1209 = arith.constant 0 : i32
    %dma_wait3A_1210 = tpu.memref_slice %arg2[%add3A_988, %dma_wait3A_1209] : memref<768x16384xf32, #tpu.memory_space<hbm>> -> memref<1x16384xf32, #tpu.memory_space<hbm>>
    tpu.wait_dma2 semaphore(%dma_wait3A_1205 : memref<!tpu.dma_semaphore, #tpu.memory_space<semaphore_mem>>) src(%dma_wait3A_1210 : memref<1x16384xf32, #tpu.memory_space<hbm>>) dst(%dma_wait3A_1208 : memref<1x16384xf32, #tpu.memory_space<vmem>>)
    %add3A_1211 = arith.constant 22 : i32
    %add3A_1212 = arith.addi %mul3A_2, %add3A_1211 : i32
    %dma_start3A_1213 = arith.constant 1 : i32
    %dma_start3A_1214 = arith.constant 1 : i32
    %dma_start3A_1215 = arith.constant 0 : i32
    %dma_start3A_1216 = tpu.memref_slice %arg4[%dma_start3A_1214, %dma_start3A_1215] : memref<7x16384xf32, #tpu.memory_space<vmem>> -> memref<1x16384xf32, #tpu.memory_space<vmem>>
    %dma_start3A_1217 = arith.constant 0 : i32
    %dma_start3A_1218 = tpu.memref_slice %arg3[%add3A_1212, %dma_start3A_1217] : memref<768x16384xf32, #tpu.memory_space<hbm>> -> memref<1x16384xf32, #tpu.memory_space<hbm>>
    %dma_start3A_1219 = tpu.memref_slice %arg6[%dma_start3A_1213] : memref<7x!tpu.dma_semaphore, #tpu.memory_space<semaphore_mem>> -> memref<1x!tpu.dma_semaphore, #tpu.memory_space<semaphore_mem>>
    %dma_start3A_1220 = tpu.memref_squeeze %dma_start3A_1219 : memref<1x!tpu.dma_semaphore, #tpu.memory_space<semaphore_mem>> -> memref<!tpu.dma_semaphore, #tpu.memory_space<semaphore_mem>>
    %dma_start3A_1221 = arith.constant 0 : i32
    %dma_start3A_1222 = tpu.memref_slice %arg3[%add3A_1212, %dma_start3A_1221] : memref<768x16384xf32, #tpu.memory_space<hbm>> -> memref<1x16384xf32, #tpu.memory_space<hbm>>
    %dma_start3A_1223 = arith.constant 1 : i32
    %dma_start3A_1224 = arith.constant 0 : i32
    %dma_start3A_1225 = tpu.memref_slice %arg4[%dma_start3A_1223, %dma_start3A_1224] : memref<7x16384xf32, #tpu.memory_space<vmem>> -> memref<1x16384xf32, #tpu.memory_space<vmem>>
    tpu.enqueue_dma source(%dma_start3A_1225 : memref<1x16384xf32, #tpu.memory_space<vmem>>) target(%dma_start3A_1222 : memref<1x16384xf32, #tpu.memory_space<hbm>>) target_semaphore(%dma_start3A_1220 : memref<!tpu.dma_semaphore, #tpu.memory_space<semaphore_mem>>)
    %dma_wait3A_1226 = arith.constant 2 : i32
    %dma_wait3A_1227 = arith.constant 2 : i32
    %dma_wait3A_1228 = arith.constant 0 : i32
    %dma_wait3A_1229 = tpu.memref_slice %arg4[%dma_wait3A_1227, %dma_wait3A_1228] : memref<7x16384xf32, #tpu.memory_space<vmem>> -> memref<1x16384xf32, #tpu.memory_space<vmem>>
    %dma_wait3A_1230 = arith.constant 0 : i32
    %dma_wait3A_1231 = tpu.memref_slice %arg2[%add3A_1044, %dma_wait3A_1230] : memref<768x16384xf32, #tpu.memory_space<hbm>> -> memref<1x16384xf32, #tpu.memory_space<hbm>>
    %dma_wait3A_1232 = tpu.memref_slice %arg5[%dma_wait3A_1226] : memref<7x!tpu.dma_semaphore, #tpu.memory_space<semaphore_mem>> -> memref<1x!tpu.dma_semaphore, #tpu.memory_space<semaphore_mem>>
    %dma_wait3A_1233 = tpu.memref_squeeze %dma_wait3A_1232 : memref<1x!tpu.dma_semaphore, #tpu.memory_space<semaphore_mem>> -> memref<!tpu.dma_semaphore, #tpu.memory_space<semaphore_mem>>
    %dma_wait3A_1234 = arith.constant 2 : i32
    %dma_wait3A_1235 = arith.constant 0 : i32
    %dma_wait3A_1236 = tpu.memref_slice %arg4[%dma_wait3A_1234, %dma_wait3A_1235] : memref<7x16384xf32, #tpu.memory_space<vmem>> -> memref<1x16384xf32, #tpu.memory_space<vmem>>
    %dma_wait3A_1237 = arith.constant 0 : i32
    %dma_wait3A_1238 = tpu.memref_slice %arg2[%add3A_1044, %dma_wait3A_1237] : memref<768x16384xf32, #tpu.memory_space<hbm>> -> memref<1x16384xf32, #tpu.memory_space<hbm>>
    tpu.wait_dma2 semaphore(%dma_wait3A_1233 : memref<!tpu.dma_semaphore, #tpu.memory_space<semaphore_mem>>) src(%dma_wait3A_1238 : memref<1x16384xf32, #tpu.memory_space<hbm>>) dst(%dma_wait3A_1236 : memref<1x16384xf32, #tpu.memory_space<vmem>>)
    %add3A_1239 = arith.constant 23 : i32
    %add3A_1240 = arith.addi %mul3A_2, %add3A_1239 : i32
    %dma_start3A_1241 = arith.constant 2 : i32
    %dma_start3A_1242 = arith.constant 2 : i32
    %dma_start3A_1243 = arith.constant 0 : i32
    %dma_start3A_1244 = tpu.memref_slice %arg4[%dma_start3A_1242, %dma_start3A_1243] : memref<7x16384xf32, #tpu.memory_space<vmem>> -> memref<1x16384xf32, #tpu.memory_space<vmem>>
    %dma_start3A_1245 = arith.constant 0 : i32
    %dma_start3A_1246 = tpu.memref_slice %arg3[%add3A_1240, %dma_start3A_1245] : memref<768x16384xf32, #tpu.memory_space<hbm>> -> memref<1x16384xf32, #tpu.memory_space<hbm>>
    %dma_start3A_1247 = tpu.memref_slice %arg6[%dma_start3A_1241] : memref<7x!tpu.dma_semaphore, #tpu.memory_space<semaphore_mem>> -> memref<1x!tpu.dma_semaphore, #tpu.memory_space<semaphore_mem>>
    %dma_start3A_1248 = tpu.memref_squeeze %dma_start3A_1247 : memref<1x!tpu.dma_semaphore, #tpu.memory_space<semaphore_mem>> -> memref<!tpu.dma_semaphore, #tpu.memory_space<semaphore_mem>>
    %dma_start3A_1249 = arith.constant 0 : i32
    %dma_start3A_1250 = tpu.memref_slice %arg3[%add3A_1240, %dma_start3A_1249] : memref<768x16384xf32, #tpu.memory_space<hbm>> -> memref<1x16384xf32, #tpu.memory_space<hbm>>
    %dma_start3A_1251 = arith.constant 2 : i32
    %dma_start3A_1252 = arith.constant 0 : i32
    %dma_start3A_1253 = tpu.memref_slice %arg4[%dma_start3A_1251, %dma_start3A_1252] : memref<7x16384xf32, #tpu.memory_space<vmem>> -> memref<1x16384xf32, #tpu.memory_space<vmem>>
    tpu.enqueue_dma source(%dma_start3A_1253 : memref<1x16384xf32, #tpu.memory_space<vmem>>) target(%dma_start3A_1250 : memref<1x16384xf32, #tpu.memory_space<hbm>>) target_semaphore(%dma_start3A_1248 : memref<!tpu.dma_semaphore, #tpu.memory_space<semaphore_mem>>)
    %dma_wait3A_1254 = arith.constant 3 : i32
    %dma_wait3A_1255 = arith.constant 3 : i32
    %dma_wait3A_1256 = arith.constant 0 : i32
    %dma_wait3A_1257 = tpu.memref_slice %arg4[%dma_wait3A_1255, %dma_wait3A_1256] : memref<7x16384xf32, #tpu.memory_space<vmem>> -> memref<1x16384xf32, #tpu.memory_space<vmem>>
    %dma_wait3A_1258 = arith.constant 0 : i32
    %dma_wait3A_1259 = tpu.memref_slice %arg3[%add3A_1072, %dma_wait3A_1258] : memref<768x16384xf32, #tpu.memory_space<hbm>> -> memref<1x16384xf32, #tpu.memory_space<hbm>>
    %dma_wait3A_1260 = tpu.memref_slice %arg6[%dma_wait3A_1254] : memref<7x!tpu.dma_semaphore, #tpu.memory_space<semaphore_mem>> -> memref<1x!tpu.dma_semaphore, #tpu.memory_space<semaphore_mem>>
    %dma_wait3A_1261 = tpu.memref_squeeze %dma_wait3A_1260 : memref<1x!tpu.dma_semaphore, #tpu.memory_space<semaphore_mem>> -> memref<!tpu.dma_semaphore, #tpu.memory_space<semaphore_mem>>
    %dma_wait3A_1262 = arith.constant 0 : i32
    %dma_wait3A_1263 = tpu.memref_slice %arg3[%add3A_1072, %dma_wait3A_1262] : memref<768x16384xf32, #tpu.memory_space<hbm>> -> memref<1x16384xf32, #tpu.memory_space<hbm>>
    %dma_wait3A_1264 = arith.constant 3 : i32
    %dma_wait3A_1265 = arith.constant 0 : i32
    %dma_wait3A_1266 = tpu.memref_slice %arg4[%dma_wait3A_1264, %dma_wait3A_1265] : memref<7x16384xf32, #tpu.memory_space<vmem>> -> memref<1x16384xf32, #tpu.memory_space<vmem>>
    tpu.wait_dma2 semaphore(%dma_wait3A_1261 : memref<!tpu.dma_semaphore, #tpu.memory_space<semaphore_mem>>) src(%dma_wait3A_1266 : memref<1x16384xf32, #tpu.memory_space<vmem>>) dst(%dma_wait3A_1263 : memref<1x16384xf32, #tpu.memory_space<hbm>>)
    %dma_wait3A_1267 = arith.constant 4 : i32
    %dma_wait3A_1268 = arith.constant 4 : i32
    %dma_wait3A_1269 = arith.constant 0 : i32
    %dma_wait3A_1270 = tpu.memref_slice %arg4[%dma_wait3A_1268, %dma_wait3A_1269] : memref<7x16384xf32, #tpu.memory_space<vmem>> -> memref<1x16384xf32, #tpu.memory_space<vmem>>
    %dma_wait3A_1271 = arith.constant 0 : i32
    %dma_wait3A_1272 = tpu.memref_slice %arg3[%add3A_1100, %dma_wait3A_1271] : memref<768x16384xf32, #tpu.memory_space<hbm>> -> memref<1x16384xf32, #tpu.memory_space<hbm>>
    %dma_wait3A_1273 = tpu.memref_slice %arg6[%dma_wait3A_1267] : memref<7x!tpu.dma_semaphore, #tpu.memory_space<semaphore_mem>> -> memref<1x!tpu.dma_semaphore, #tpu.memory_space<semaphore_mem>>
    %dma_wait3A_1274 = tpu.memref_squeeze %dma_wait3A_1273 : memref<1x!tpu.dma_semaphore, #tpu.memory_space<semaphore_mem>> -> memref<!tpu.dma_semaphore, #tpu.memory_space<semaphore_mem>>
    %dma_wait3A_1275 = arith.constant 0 : i32
    %dma_wait3A_1276 = tpu.memref_slice %arg3[%add3A_1100, %dma_wait3A_1275] : memref<768x16384xf32, #tpu.memory_space<hbm>> -> memref<1x16384xf32, #tpu.memory_space<hbm>>
    %dma_wait3A_1277 = arith.constant 4 : i32
    %dma_wait3A_1278 = arith.constant 0 : i32
    %dma_wait3A_1279 = tpu.memref_slice %arg4[%dma_wait3A_1277, %dma_wait3A_1278] : memref<7x16384xf32, #tpu.memory_space<vmem>> -> memref<1x16384xf32, #tpu.memory_space<vmem>>
    tpu.wait_dma2 semaphore(%dma_wait3A_1274 : memref<!tpu.dma_semaphore, #tpu.memory_space<semaphore_mem>>) src(%dma_wait3A_1279 : memref<1x16384xf32, #tpu.memory_space<vmem>>) dst(%dma_wait3A_1276 : memref<1x16384xf32, #tpu.memory_space<hbm>>)
    %dma_wait3A_1280 = arith.constant 5 : i32
    %dma_wait3A_1281 = arith.constant 5 : i32
    %dma_wait3A_1282 = arith.constant 0 : i32
    %dma_wait3A_1283 = tpu.memref_slice %arg4[%dma_wait3A_1281, %dma_wait3A_1282] : memref<7x16384xf32, #tpu.memory_space<vmem>> -> memref<1x16384xf32, #tpu.memory_space<vmem>>
    %dma_wait3A_1284 = arith.constant 0 : i32
    %dma_wait3A_1285 = tpu.memref_slice %arg3[%add3A_1128, %dma_wait3A_1284] : memref<768x16384xf32, #tpu.memory_space<hbm>> -> memref<1x16384xf32, #tpu.memory_space<hbm>>
    %dma_wait3A_1286 = tpu.memref_slice %arg6[%dma_wait3A_1280] : memref<7x!tpu.dma_semaphore, #tpu.memory_space<semaphore_mem>> -> memref<1x!tpu.dma_semaphore, #tpu.memory_space<semaphore_mem>>
    %dma_wait3A_1287 = tpu.memref_squeeze %dma_wait3A_1286 : memref<1x!tpu.dma_semaphore, #tpu.memory_space<semaphore_mem>> -> memref<!tpu.dma_semaphore, #tpu.memory_space<semaphore_mem>>
    %dma_wait3A_1288 = arith.constant 0 : i32
    %dma_wait3A_1289 = tpu.memref_slice %arg3[%add3A_1128, %dma_wait3A_1288] : memref<768x16384xf32, #tpu.memory_space<hbm>> -> memref<1x16384xf32, #tpu.memory_space<hbm>>
    %dma_wait3A_1290 = arith.constant 5 : i32
    %dma_wait3A_1291 = arith.constant 0 : i32
    %dma_wait3A_1292 = tpu.memref_slice %arg4[%dma_wait3A_1290, %dma_wait3A_1291] : memref<7x16384xf32, #tpu.memory_space<vmem>> -> memref<1x16384xf32, #tpu.memory_space<vmem>>
    tpu.wait_dma2 semaphore(%dma_wait3A_1287 : memref<!tpu.dma_semaphore, #tpu.memory_space<semaphore_mem>>) src(%dma_wait3A_1292 : memref<1x16384xf32, #tpu.memory_space<vmem>>) dst(%dma_wait3A_1289 : memref<1x16384xf32, #tpu.memory_space<hbm>>)
    %dma_wait3A_1293 = arith.constant 6 : i32
    %dma_wait3A_1294 = arith.constant 6 : i32
    %dma_wait3A_1295 = arith.constant 0 : i32
    %dma_wait3A_1296 = tpu.memref_slice %arg4[%dma_wait3A_1294, %dma_wait3A_1295] : memref<7x16384xf32, #tpu.memory_space<vmem>> -> memref<1x16384xf32, #tpu.memory_space<vmem>>
    %dma_wait3A_1297 = arith.constant 0 : i32
    %dma_wait3A_1298 = tpu.memref_slice %arg3[%add3A_1156, %dma_wait3A_1297] : memref<768x16384xf32, #tpu.memory_space<hbm>> -> memref<1x16384xf32, #tpu.memory_space<hbm>>
    %dma_wait3A_1299 = tpu.memref_slice %arg6[%dma_wait3A_1293] : memref<7x!tpu.dma_semaphore, #tpu.memory_space<semaphore_mem>> -> memref<1x!tpu.dma_semaphore, #tpu.memory_space<semaphore_mem>>
    %dma_wait3A_1300 = tpu.memref_squeeze %dma_wait3A_1299 : memref<1x!tpu.dma_semaphore, #tpu.memory_space<semaphore_mem>> -> memref<!tpu.dma_semaphore, #tpu.memory_space<semaphore_mem>>
    %dma_wait3A_1301 = arith.constant 0 : i32
    %dma_wait3A_1302 = tpu.memref_slice %arg3[%add3A_1156, %dma_wait3A_1301] : memref<768x16384xf32, #tpu.memory_space<hbm>> -> memref<1x16384xf32, #tpu.memory_space<hbm>>
    %dma_wait3A_1303 = arith.constant 6 : i32
    %dma_wait3A_1304 = arith.constant 0 : i32
    %dma_wait3A_1305 = tpu.memref_slice %arg4[%dma_wait3A_1303, %dma_wait3A_1304] : memref<7x16384xf32, #tpu.memory_space<vmem>> -> memref<1x16384xf32, #tpu.memory_space<vmem>>
    tpu.wait_dma2 semaphore(%dma_wait3A_1300 : memref<!tpu.dma_semaphore, #tpu.memory_space<semaphore_mem>>) src(%dma_wait3A_1305 : memref<1x16384xf32, #tpu.memory_space<vmem>>) dst(%dma_wait3A_1302 : memref<1x16384xf32, #tpu.memory_space<hbm>>)
    %dma_wait3A_1306 = arith.constant 0 : i32
    %dma_wait3A_1307 = arith.constant 0 : i32
    %dma_wait3A_1308 = arith.constant 0 : i32
    %dma_wait3A_1309 = tpu.memref_slice %arg4[%dma_wait3A_1307, %dma_wait3A_1308] : memref<7x16384xf32, #tpu.memory_space<vmem>> -> memref<1x16384xf32, #tpu.memory_space<vmem>>
    %dma_wait3A_1310 = arith.constant 0 : i32
    %dma_wait3A_1311 = tpu.memref_slice %arg3[%add3A_1184, %dma_wait3A_1310] : memref<768x16384xf32, #tpu.memory_space<hbm>> -> memref<1x16384xf32, #tpu.memory_space<hbm>>
    %dma_wait3A_1312 = tpu.memref_slice %arg6[%dma_wait3A_1306] : memref<7x!tpu.dma_semaphore, #tpu.memory_space<semaphore_mem>> -> memref<1x!tpu.dma_semaphore, #tpu.memory_space<semaphore_mem>>
    %dma_wait3A_1313 = tpu.memref_squeeze %dma_wait3A_1312 : memref<1x!tpu.dma_semaphore, #tpu.memory_space<semaphore_mem>> -> memref<!tpu.dma_semaphore, #tpu.memory_space<semaphore_mem>>
    %dma_wait3A_1314 = arith.constant 0 : i32
    %dma_wait3A_1315 = tpu.memref_slice %arg3[%add3A_1184, %dma_wait3A_1314] : memref<768x16384xf32, #tpu.memory_space<hbm>> -> memref<1x16384xf32, #tpu.memory_space<hbm>>
    %dma_wait3A_1316 = arith.constant 0 : i32
    %dma_wait3A_1317 = arith.constant 0 : i32
    %dma_wait3A_1318 = tpu.memref_slice %arg4[%dma_wait3A_1316, %dma_wait3A_1317] : memref<7x16384xf32, #tpu.memory_space<vmem>> -> memref<1x16384xf32, #tpu.memory_space<vmem>>
    tpu.wait_dma2 semaphore(%dma_wait3A_1313 : memref<!tpu.dma_semaphore, #tpu.memory_space<semaphore_mem>>) src(%dma_wait3A_1318 : memref<1x16384xf32, #tpu.memory_space<vmem>>) dst(%dma_wait3A_1315 : memref<1x16384xf32, #tpu.memory_space<hbm>>)
    %dma_wait3A_1319 = arith.constant 1 : i32
    %dma_wait3A_1320 = arith.constant 1 : i32
    %dma_wait3A_1321 = arith.constant 0 : i32
    %dma_wait3A_1322 = tpu.memref_slice %arg4[%dma_wait3A_1320, %dma_wait3A_1321] : memref<7x16384xf32, #tpu.memory_space<vmem>> -> memref<1x16384xf32, #tpu.memory_space<vmem>>
    %dma_wait3A_1323 = arith.constant 0 : i32
    %dma_wait3A_1324 = tpu.memref_slice %arg3[%add3A_1212, %dma_wait3A_1323] : memref<768x16384xf32, #tpu.memory_space<hbm>> -> memref<1x16384xf32, #tpu.memory_space<hbm>>
    %dma_wait3A_1325 = tpu.memref_slice %arg6[%dma_wait3A_1319] : memref<7x!tpu.dma_semaphore, #tpu.memory_space<semaphore_mem>> -> memref<1x!tpu.dma_semaphore, #tpu.memory_space<semaphore_mem>>
    %dma_wait3A_1326 = tpu.memref_squeeze %dma_wait3A_1325 : memref<1x!tpu.dma_semaphore, #tpu.memory_space<semaphore_mem>> -> memref<!tpu.dma_semaphore, #tpu.memory_space<semaphore_mem>>
    %dma_wait3A_1327 = arith.constant 0 : i32
    %dma_wait3A_1328 = tpu.memref_slice %arg3[%add3A_1212, %dma_wait3A_1327] : memref<768x16384xf32, #tpu.memory_space<hbm>> -> memref<1x16384xf32, #tpu.memory_space<hbm>>
    %dma_wait3A_1329 = arith.constant 1 : i32
    %dma_wait3A_1330 = arith.constant 0 : i32
    %dma_wait3A_1331 = tpu.memref_slice %arg4[%dma_wait3A_1329, %dma_wait3A_1330] : memref<7x16384xf32, #tpu.memory_space<vmem>> -> memref<1x16384xf32, #tpu.memory_space<vmem>>
    tpu.wait_dma2 semaphore(%dma_wait3A_1326 : memref<!tpu.dma_semaphore, #tpu.memory_space<semaphore_mem>>) src(%dma_wait3A_1331 : memref<1x16384xf32, #tpu.memory_space<vmem>>) dst(%dma_wait3A_1328 : memref<1x16384xf32, #tpu.memory_space<hbm>>)
    %dma_wait3A_1332 = arith.constant 2 : i32
    %dma_wait3A_1333 = arith.constant 2 : i32
    %dma_wait3A_1334 = arith.constant 0 : i32
    %dma_wait3A_1335 = tpu.memref_slice %arg4[%dma_wait3A_1333, %dma_wait3A_1334] : memref<7x16384xf32, #tpu.memory_space<vmem>> -> memref<1x16384xf32, #tpu.memory_space<vmem>>
    %dma_wait3A_1336 = arith.constant 0 : i32
    %dma_wait3A_1337 = tpu.memref_slice %arg3[%add3A_1240, %dma_wait3A_1336] : memref<768x16384xf32, #tpu.memory_space<hbm>> -> memref<1x16384xf32, #tpu.memory_space<hbm>>
    %dma_wait3A_1338 = tpu.memref_slice %arg6[%dma_wait3A_1332] : memref<7x!tpu.dma_semaphore, #tpu.memory_space<semaphore_mem>> -> memref<1x!tpu.dma_semaphore, #tpu.memory_space<semaphore_mem>>
    %dma_wait3A_1339 = tpu.memref_squeeze %dma_wait3A_1338 : memref<1x!tpu.dma_semaphore, #tpu.memory_space<semaphore_mem>> -> memref<!tpu.dma_semaphore, #tpu.memory_space<semaphore_mem>>
    %dma_wait3A_1340 = arith.constant 0 : i32
    %dma_wait3A_1341 = tpu.memref_slice %arg3[%add3A_1240, %dma_wait3A_1340] : memref<768x16384xf32, #tpu.memory_space<hbm>> -> memref<1x16384xf32, #tpu.memory_space<hbm>>
    %dma_wait3A_1342 = arith.constant 2 : i32
    %dma_wait3A_1343 = arith.constant 0 : i32
    %dma_wait3A_1344 = tpu.memref_slice %arg4[%dma_wait3A_1342, %dma_wait3A_1343] : memref<7x16384xf32, #tpu.memory_space<vmem>> -> memref<1x16384xf32, #tpu.memory_space<vmem>>
    tpu.wait_dma2 semaphore(%dma_wait3A_1339 : memref<!tpu.dma_semaphore, #tpu.memory_space<semaphore_mem>>) src(%dma_wait3A_1344 : memref<1x16384xf32, #tpu.memory_space<vmem>>) dst(%dma_wait3A_1341 : memref<1x16384xf32, #tpu.memory_space<hbm>>)
    return
  }
}

</mosaic_0001>

<sc_bundles>
// kernel: kernel.3.cloned.1.call-start
scs
__scs_entry_jumppad:
0x0: {  	(pc) =	sbr.rel $0x88, $3  }
0x1: {  	(tag) =	ssettag $0x0;
	lr =	simm.s32 $0x1  }
0x2: {  	[smem:$0x3FA0] =	sst lr;
	_ =	strace $0xD0000000  }
0x3: {  	_ = 	snop  }
0x4: {  	_ = 	snop  }
0x5: {  	_ = 	snop  }
0x6: {  	_ = 	snop  }
0x7: {  	_ = 	snop  }
__scs_overlays_trampoline_lowered:
0x8: {  	[smem:$0x3FAF] =	sst s0  }
0x9: {  	[smem:$0x3FB0] =	sst s1  }
0xa: {  	[smem:$0x3FB1] =	sst s2  }
0xb: {  	[smem:$0x3FB2] =	sst s3  }
0xc: {  	[smem:$0x3FB3] =	sst s4  }
0xd: {  	[smem:$0x3FB4] =	sst s5  }
0xe: {  	[smem:$0x3FB5] =	sst s6  }
0xf: {  	[smem:$0x3FB6] =	sst s7  }
0x10: {  	[smem:$0x3FB7] =	sst s8  }
0x11: {  	[smem:$0x3FB8] =	sst s9;
	s0 =	simm.s32 @!p0 $0x0  }
0x12: {  	s1 =	sld [smem:$0x3F9E];
	s0 =	simm.s32 @p0 $0x1  }
0x13: {  	[smem:$0x3FB9] =	sst s0;
	s0 =	simm.s32 @!p1 $0x0  }
0x14: {  	s2 =	sld [smem:$0x3F9D];
	s0 =	simm.s32 @p1 $0x1  }
0x15: {  	[smem:$0x3FBA] =	sst s0;
	s0 =	simm.s32 @!p2 $0x0  }
0x16: {  	s3 =	sld [smem:$0x3FDB];
	s0 =	simm.s32 @p2 $0x1  }
0x17: {  	s4 =	simm.s32 $0x1BF5;
	[smem:$0x3FBC] =	sst s0  }
0x18: {  	s0 =	sld [smem:$0x3F9F];
	_ =	swait.ge [sflag:s4], $0x0  }
0x19: {  	s7 =	sld [smem:$0x3FA0]  }
0x1a: {  	s8 =	sadd.s32 $0xFFFFE003, lr  }
0x1b: {  	s9 =	sadd.s32 $0xFFFFFEF7, lr;
	s5 =	simm.s32 $0xFFFFFFFF;
	p2 =	slt.u32 s8, $0xFFFFF086  }
0x1c: {  	p1 =	slt.u32 s9, $0xF7A;
	s5 =	simm.s32 @!p2 $0x0  }
0x1d: {  	s5 =	simm.s32 @p1 $0x1;
	p0 =	seq.s32 s7, s2  }
0x1e: {  	s7 =	smul.u32 @!p0 $0xF7A, s2;
	p2 =	seq.s32 @!p0 s5, $0x0  }
0x1f: {  	s9 =	smul.u32 $0xF7A, s1;
	s8 =	simm.s32 @!p0 $0x1BF5;
	p2 =	por !p2, p0  }
0x20: {  	[sflag:s8] =	ssyncset.s32 @!p0 $0xFFFFF086;
	s6 =	sadd.s32 @!p0 s3, s7;
	s7 =	simm.s32 @!p0 $0x108  }
0x21: {  	s3 =	sadd.s32 s3, s9;
	s6 =	sadd.s32 @!p0 $0x88, s6;
	s7 =	simm.s32 @p2 $0x1082  }
0x22: {  	[simem:s7], [sflag:s8] =	dma.local @!p0 [hbm:s6], $0xF7A  }
0x23: {  	s9 =	sor.u32 $0xD0000000, s2;
	s6 =	simm.s32 $0x108;
	_ =	swait.ge @!p0 [sflag:s8], $0x0  }
0x24: {  	s3 =	sadd.s32 $0x88, s3;
	s6 =	simm.s32 @!p1 $0x1082;
	[sflag:s4] =	ssyncset.s32 $0xFFFFF086  }
0x25: {  	[simem:s6], [sflag:s4] =	dma.local [hbm:s3], $0xF7A  }
0x26: {  	[smem:$0x3FA0] =	sst s1;
	(tag) =	ssettag s2;
	_ =	strace s9  }
0x27: {  	s1 =	sld [smem:$0x3FB0]  }
0x28: {  	s2 =	sld [smem:$0x3FB1]  }
0x29: {  	s4 =	sld [smem:$0x3FB3]  }
0x2a: {  	p0 =	seq.s32 s5, $0x0;
	s5 =	sld [smem:$0x3FB4]  }
0x2b: {  	s6 =	sld [smem:$0x3FB5]  }
0x2c: {  	s7 =	sld [smem:$0x3FB6]  }
0x2d: {  	s3 =	simm.s32 $0x108;
	s8 =	sld [smem:$0x3FB7]  }
0x2e: {  	s3 =	simm.s32 @!p0 $0x1082;
	s9 =	sld [smem:$0x3FB8]  }
0x2f: {  	lr =	sadd.s32 s0, s3;
	s0 =	sld [smem:$0x3FAF]  }
0x30: {  	s3 =	sld [smem:$0x3FB2]  }
0x31: {  	[smem:$0x3FBB] =	sst s10  }
0x32: {  	s10 =	sld [smem:$0x3FB9];
	_ =	sdelay $0x3  }
0x33: {  	p0 =	seq.s32 s10, $0x1;
	s10 =	sld [smem:$0x3FBB];
	_ =	sdelay $0x3  }
0x34: {  	[smem:$0x3FBB] =	sst s10  }
0x35: {  	s10 =	sld [smem:$0x3FBA];
	_ =	sdelay $0x3  }
0x36: {  	p1 =	seq.s32 s10, $0x1;
	s10 =	sld [smem:$0x3FBB];
	_ =	sdelay $0x3  }
0x37: {  	[smem:$0x3FBB] =	sst s10  }
0x38: {  	s10 =	sld [smem:$0x3FBC]  }
0x39: {  	_ = 	snop;
	(pc) =	sbr.ind lr, $3  }
0x3a: {  	_ = 	snop  }
0x3b: {  	_ = 	snop  }
0x3c: {  	p2 =	seq.s32 s10, $0x1;
	s10 =	sld [smem:$0x3FBB]  }
0x3d: {  	_ =	shalt  }
0x3e: {  	_ =	shalt  }
0x3f: {  	_ =	shalt  }
0x40: {  	_ =	shalt  }
0x41: {  	_ =	shalt  }
0x42: {  	_ =	shalt  }
0x43: {  	_ =	shalt  }
0x44: {  	_ =	shalt  }
0x45: {  	_ =	shalt  }
0x46: {  	_ =	shalt  }
0x47: {  	_ =	shalt  }
0x48: {  	_ =	shalt  }
0x49: {  	_ =	shalt  }
0x4a: {  	_ =	shalt  }
0x4b: {  	_ =	shalt  }
0x4c: {  	_ =	shalt  }
0x4d: {  	_ =	shalt  }
0x4e: {  	_ =	shalt  }
0x4f: {  	_ =	shalt  }
0x50: {  	_ =	shalt  }
0x51: {  	_ =	shalt  }
0x52: {  	_ =	shalt  }
0x53: {  	_ =	shalt  }
0x54: {  	_ =	shalt  }
0x55: {  	_ =	shalt  }
0x56: {  	_ =	shalt  }
0x57: {  	_ =	shalt  }
0x58: {  	_ =	shalt  }
0x59: {  	_ =	shalt  }
0x5a: {  	_ =	shalt  }
0x5b: {  	_ =	shalt  }
0x5c: {  	_ =	shalt  }
0x5d: {  	_ =	shalt  }
0x5e: {  	_ =	shalt  }
0x5f: {  	_ =	shalt  }
0x60: {  	_ =	shalt  }
0x61: {  	_ =	shalt  }
0x62: {  	_ =	shalt  }
0x63: {  	_ =	shalt  }
0x64: {  	_ =	shalt  }
0x65: {  	_ =	shalt  }
0x66: {  	_ =	shalt  }
0x67: {  	_ =	shalt  }
0x68: {  	_ =	shalt  }
0x69: {  	_ =	shalt  }
0x6a: {  	_ =	shalt  }
0x6b: {  	_ =	shalt  }
0x6c: {  	_ =	shalt  }
0x6d: {  	_ =	shalt  }
0x6e: {  	_ =	shalt  }
0x6f: {  	_ =	shalt  }
0x70: {  	_ =	shalt  }
0x71: {  	_ =	shalt  }
0x72: {  	_ =	shalt  }
0x73: {  	_ =	shalt  }
0x74: {  	_ =	shalt  }
0x75: {  	_ =	shalt  }
0x76: {  	_ =	shalt  }
0x77: {  	_ =	shalt  }
0x78: {  	_ =	shalt  }
0x79: {  	_ =	shalt  }
0x7a: {  	_ =	shalt  }
0x7b: {  	_ =	shalt  }
0x7c: {  	_ =	shalt  }
0x7d: {  	_ =	shalt  }
0x7e: {  	_ =	shalt  }
0x7f: {  	_ =	shalt  }
0x80: {  	_ =	shalt  }
0x81: {  	_ =	shalt  }
0x82: {  	_ =	shalt  }
0x83: {  	_ =	shalt  }
0x84: {  	_ =	shalt  }
0x85: {  	_ =	shalt  }
0x86: {  	_ =	shalt  }
0x87: {  	_ =	shalt  }
.Lfunc_end0:
.L_simem_size_0:
called_computation_lowered:
.L_overlay_start_0:
0x88: {  	s2 =	sld [smem:$0x3FD9]  }
0x89: {  	s3 =	sld [smem:$0x3FFE];
	_ =	sdelay $0x1  }
0x8a: {  	s1 =	srdreg.scid  }
0x8b: {  	s0 =	sand.u32 $0x1, s1  }
0x8c: {  	s17 =	sshll.u32 s0, $0xA;
	s2 =	sadd.s32 s3, s2  }
0x8d: {  	s2 =	sadd.s32 s2, s17  }
0x8e: {  	[smem:$0x3FC7] =	sst s2  }
0x8f: {  	_ = 	snop  }
0x90: {  	s2 =	sld [smem:$0x3FD0];
	(tm) =	ssettm $0x1  }
0x91: {  	s18 =	sld [smem:$0x3FFB];
	_ =	sdelay $0x3  }
0x92: {  	_ =	strace s18  }
0x93: {  	s3 =	sld [smem:$0x3FFC];
	_ =	sdelay $0x3  }
0x94: {  	_ =	strace s3  }
0x95: {  	s3 =	sld [smem:$0x3FFD];
	_ =	sdelay $0x3  }
0x96: {  	_ =	strace s3  }
0x97: {  	_ =	strace $0x8FFFFFFF  }
0x98: {  	s19 =	sld [smem:$0x3FDB];
	_ =	sdelay $0x1  }
0x99: {  	s4 =	simm.s32 $_scs_section_size  }
0x9a: {  	s5 =	simm.s32 $_size__tile_overlayer_lowered;
	s6 =	simm.s32 $_tile_overlayer_lowered  }
0x9b: {  	s22 =	simm.s32 $0x1BFF;
	s21 =	sshll.u32 s6, $0x1;
	s3 =	sadd.s32 s4, s19  }
0x9c: {  	s7 =	simm.s32 $0x0;
	s20 =	sshll.u32 s5, $0x1;
	s5 =	sadd.s32 s21, s3  }
0x9d: {  	[timem:s7], [sflag:s22] =	dma.local [hbm:s5], s20  }
0x9e: {  	_ =	swait.ge [sflag:s22], s20  }
0x9f: {  	s4 =	ssub.s32 $0x0, s20;
	[sflag:s22] =	ssyncset.done $0x0  }
0xa0: {  	[sflag:s22] =	ssyncadd.s32 s4;
	_ =	sdelay $0x1  }
0xa1: {  	s23 =	simm.s32 $0x1B8B  }
0xa2: {  	_ =	swait.ge [sflag:s23], $0x1  }
0xa3: {  	[sflag:s23] =	ssyncset.done $0x0  }
0xa4: {  	s25 =	simm.s32 $0x1B8E;
	s24 =	sld [smem:$0x3FFE];
	[sflag:s23] =	ssyncadd.s32 $0xFFFFFFFF  }
0xa5: {  	s26 =	simm.s32 $execute0_lowered;
	[smem:$0x3FD2] =	sst s25  }
0xa6: {  	s5 =	sshll.u32 s26, $0x1;
	_ =	strace $0x80000046;
	[dreg:$0x1] =	wrdreg $0xFFFFFFFF  }
0xa7: {  	s28 =	simm.s32 $_size_execute0_lowered;
	s3 =	sadd.s32 s3, s5;
	[dreg:$0x0] =	wrdreg $0x0  }
0xa8: {  	s5 =	sshll.u32 s28, $0x1;
	[dreg:$0x2] =	wrdreg s3  }
0xa9: {  	[dreg:$0x3] =	wrdreg s5  }
0xaa: {  	[dreg:$0x4] =	wrdreg $0xC0  }
0xab: {  	_ =	task [dreg:s7], $0x5FFFF  }
0xac: {  	[dreg:$0x1] =	wrdreg $0xFFFFFFFF  }
0xad: {  	[dreg:$0x0] =	wrdreg $0x60  }
0xae: {  	[dreg:$0x2] =	wrdreg s2  }
0xaf: {  	[dreg:$0x3] =	wrdreg s24  }
0xb0: {  	[dreg:$0x4] =	wrdreg $0x9  }
0xb1: {  	_ =	task.clear_ibuf [dreg:s7], $0x5FFFF;
	_ =	strace $0x90000046  }
0xb2: {  	s29 =	simm.s32 $0x9;
	_ =	strace $0x80000048  }
0xb3: {  	_ =	swait.ge [sflag:s29], $0x1  }
0xb4: {  	[sflag:s29] =	ssyncadd.s32 $0xFFFFFFFF  }
0xb5: {  	_ =	strace $0x90000048  }
0xb6: {  	_ =	sfence  }
0xb7: {  	s30 =	sld [smem:$0x0];
	_ =	sdelay $0x2  }
0xb8: {  	s31 =	sshll.u32 s1, $0xD;
	s1 =	sshrl.u32 s1, $0x2  }
0xb9: {  	s3 =	sand.u32 $0x4000, s31;
	s1 =	sadd.s32 s1, s30  }
0xba: {  	s0 =	sor.u32 s3, s0;
	s1 =	sshll.u32 s1, $0x11  }
0xbb: {  	s0 =	sor.u32 s1, s0  }
0xbc: {  	s0 =	sadd.s32 $0x8F2B, s0  }
0xbd: {  	[sflag:s0] =	ssyncadd.remote.s32 $0x1  }
0xbe: {  	_ =	sfence.sel $0xFFFF  }
0xbf: {  	[dreg:$0x0] =	wrdreg $0xFFFFFFFF;
	(pc) =	sbr.abs _section_cstart, $3  }
0xc0: {  	[dreg:$0x1] =	wrdreg $0xFFFFFFFF  }
0xc1: {  	_ =	task.clear_ibuf [dreg:s7], $0x2FFFF;
	_ =	strace $0x9FFFFFFF  }
0xc2: {  	(tm) =	ssettm $0x7FFFFFFF  }
0xc3: {  	_ =	shalt  }
tec
execute0_lowered:
.L_overlay_start_1:
0x0: {  	(tag) =	ssettag $0x1  }
0x1: {  	s0 =	srdreg.scid;
	s1 =	stileid.u32  }
0x2: {  	s2 =	rddreg [dreg:$0x1];
	s0 =	sand.u32 $0x1, s0;
	s1 =	sshll.u32 s1, $0x1  }
0x3: {  	s12 =	rddreg [dreg:$0x0];
	s19 =	sadd.s32 $0x400, s2;
	s3 =	sor.u32 s0, s1  }
0x4: {  	s1 =	simm.s32 $0x0;
	s0 =	ssub.s32 $0x2, s0;
	s4 =	smul.u32 $0xC000, s3  }
0x5: {  	[smem:$0x7FF] =	sst s1;
	s5 =	sshrl.u32 s0, $0x1;
	s3 =	smul.u32 $0x60000, s3  }
0x6: {  	s22 =	ssub.s32 s0, s5;
	s21 =	sadd.s32 s12, s4;
	s11 =	sor.u32 $0x10, s4  }
0x7: {  	s13 =	sor.u32 $0x20, s4;
	s14 =	sor.u32 $0x30, s4;
	s16 =	sor.u32 $0x40, s4  }
0x8: {  	s7 =	sor.u32 $0x50, s4;
	s17 =	sor.u32 $0x60, s4;
	s18 =	sor.u32 $0x70, s4  }
0x9: {  	s10 =	sshrl.u32 s3, $0x3;
	s28 =	sadd.s32 s19, s4;
	s6 =	sadd.s32 s12, s11  }
0xa: {  	s15 =	sadd.s32 s12, s13;
	s25 =	sadd.s32 s12, s14;
	[dreg:$0x4] =	wrdreg s6  }
0xb: {  	s8 =	sadd.s32 s12, s16;
	s26 =	sadd.s32 s12, s7;
	[dreg:$0x5] =	wrdreg s15  }
0xc: {  	s9 =	sadd.s32 s12, s17;
	s20 =	sadd.s32 s12, s18;
	[dreg:$0x7] =	wrdreg s8  }
0xd: {  	s23 =	sadd.s32 $0x4000, s10;
	s29 =	sadd.s32 s19, s11;
	[dreg:$0x9] =	wrdreg s9  }
0xe: {  	s30 =	sadd.s32 s19, s13;
	s13 =	sadd.s32 s19, s16;
	[dreg:$0xb] =	wrdreg s20  }
0xf: {  	s24 =	sadd.s32 s19, s14;
	s14 =	sadd.s32 s19, s17;
	[dreg:$0x11] =	wrdreg s13  }
0x10: {  	s4 =	sadd.s32 $0x4010, s10;
	s31 =	sadd.s32 s12, s23;
	[dreg:$0x13] =	wrdreg s14  }
0x11: {  	s5 =	sadd.s32 $0x4020, s10;
	s11 =	sadd.s32 s12, s4;
	[dreg:$0xd] =	wrdreg s31  }
0x12: {  	s17 =	sadd.s32 $0x4030, s10;
	s3 =	sadd.s32 s19, s23;
	[dreg:$0xf] =	wrdreg s11  }
0x13: {  	s15 =	sadd.s32 s19, s18;
	s16 =	sadd.s32 s12, s5;
	[dreg:$0x15] =	wrdreg s3  }
0x14: {  	s2 =	sadd.s32 s19, s5;
	s18 =	sadd.s32 s12, s17;
	[dreg:$0x17] =	wrdreg s16  }
0x15: {  	s20 =	sadd.s32 $0x4040, s10;
	s23 =	sadd.s32 s19, s17;
	[dreg:$0x18] =	wrdreg s2  }
0x16: {  	s31 =	sadd.s32 s19, s7;
	[dreg:$0x19] =	wrdreg s18;
	s7 =	sadd.s32 s12, s20  }
0x17: {  	s8 =	sadd.s32 $0x4050, s10;
	s2 =	sadd.s32 s19, s20;
	[dreg:$0x1b] =	wrdreg s7  }
0x18: {  	s17 =	sadd.s32 $0x8000, s10;
	s9 =	sadd.s32 s12, s8;
	[dreg:$0x1c] =	wrdreg s2  }
0x19: {  	s20 =	sadd.s32 s12, s17;
	[dreg:$0x1d] =	wrdreg s9  }
0x1a: {  	s11 =	sadd.s32 $0x4060, s10;
	s5 =	sadd.s32 s19, s17;
	[smem:$0x7F9] =	sst s20  }
0x1b: {  	s0 =	smov.u32 s15;
	s14 =	sadd.s32 s12, s11;
	[smem:$0x7FA] =	sst s5  }
0x1c: {  	s15 =	sadd.s32 $0x4070, s10;
	s2 =	sadd.s32 s19, s11;
	[dreg:$0x1f] =	wrdreg s14  }
0x1d: {  	s16 =	sadd.s32 s12, s15;
	[smem:$0x7F7] =	sst s2  }
0x1e: {  	s3 =	smov.u32 s23;
	s23 =	smax.u32 s22, $0x1;
	[smem:$0x7F8] =	sst s16  }
0x1f: {  	_ =	strace $0x80000047;
	[smem:$0x7FB] =	sst s23  }
0x20: {  	s6 =	sadd.s32 s19, s4;
	s13 =	sadd.s32 s19, s8;
	[dreg:$0x3] =	wrdreg s21  }
0x21: {  	s17 =	sadd.s32 $0x8050, s10;
	s22 =	simm.s32 $0x0;
	[dreg:$0x6] =	wrdreg s25  }
0x22: {  	s4 =	smov.u32 s13;
	s18 =	sadd.s32 s19, s15;
	[dreg:$0x8] =	wrdreg s26  }
0x23: {  	s13 =	sadd.s32 $0x8010, s10;
	s15 =	sadd.s32 $0x8030, s10;
	[dreg:$0xa] =	wrdreg s28  }
0x24: {  	s20 =	sadd.s32 $0x8070, s10;
	s2 =	smov.u32 s6;
	[dreg:$0xc] =	wrdreg s29  }
0x25: {  	s5 =	smov.u32 s18;
	s14 =	sadd.s32 $0x8020, s10;
	[dreg:$0xe] =	wrdreg s30  }
0x26: {  	s16 =	sadd.s32 $0x8040, s10;
	s18 =	sadd.s32 $0x8060, s10;
	[dreg:$0x10] =	wrdreg s24  }
0x27: {  	s6 =	sadd.s32 s12, s13;
	s8 =	sadd.s32 s12, s15;
	[dreg:$0x12] =	wrdreg s31  }
0x28: {  	s10 =	sadd.s32 s12, s17;
	s13 =	sadd.s32 s19, s13;
	[dreg:$0x14] =	wrdreg s0  }
0x29: {  	s15 =	sadd.s32 s19, s15;
	s17 =	sadd.s32 s19, s17;
	[dreg:$0x16] =	wrdreg s2  }
0x2a: {  	s7 =	sadd.s32 s12, s14;
	s9 =	sadd.s32 s12, s16;
	[dreg:$0x1a] =	wrdreg s3  }
0x2b: {  	s11 =	sadd.s32 s12, s18;
	s12 =	sadd.s32 s12, s20;
	[dreg:$0x1e] =	wrdreg s4  }
0x2c: {  	s14 =	sadd.s32 s19, s14;
	s16 =	sadd.s32 s19, s16;
	[smem:$0x7FC] =	sst s5  }
0x2d: {  	s18 =	sadd.s32 s19, s18;
	s19 =	sadd.s32 s19, s20;
	[smem:$0x7FD] =	sst s6  }
.LBB2_1:
0x2e: {  	[smem:$0x7F6] =	sst s22;
	s20 =	simm.s32 $0x80;
	s23 =	sadd.s32 $0x0, s21  }
0x2f: {  	s24 =	smov.u32 s21;
	s21 =	simm.s32 $0x400;
	s22 =	simm.s32 $0x0  }
.LBB2_2:
0x30: {  	[tilespmem:s22], [sflag:$0x1] =	stream.linear.gather [hbm4b:s23+s1], $0x80, $0x38;
	v63 =	vld [tilespmem:$0x0]  }
0x31: {  	s23 =	smov.u32 s20;
	s22 =	smov.u32 s21;
	p0 =	sne.s32 s20, $0x3F80  }
.Ltmp0:
0x32: {  	s20 =	sadd.s32 $0x80, s20;
	(pc) =	sbr.rel @p0 .LBB2_2-.Ltmp0, $2  }
0x33: {  	_ =	sdelay $0x2  }
0x34: {  	s21 =	sadd.s32 $0x400, s21;
	s23 =	sadd.s32 s23, s24  }
0x35: {  	[tilespmem:s22], [sflag:$0x1] =	stream.linear.gather [hbm4b:s23+s1], $0x80, $0x38;
	v63 =	vld [tilespmem:$0x0]  }
0x36: {  	s20 =	simm.s32 $0x80;
	s21 =	simm.s32 $0x80;
	s24 =	rddreg [dreg:$0x4]  }
0x37: {  	s22 =	simm.s32 $0x480;
	s3 =	rddreg [dreg:$0x19];
	s23 =	sadd.s32 $0x0, s24  }
.LBB2_4:
0x38: {  	[tilespmem:s20], [sflag:$0x2] =	stream.linear.gather [hbm4b:s23+s1], $0x80, $0x38;
	v63 =	vld [tilespmem:$0x0]  }
0x39: {  	s23 =	smov.u32 s21;
	s20 =	smov.u32 s22;
	p0 =	sne.s32 s21, $0x3F80  }
.Ltmp1:
0x3a: {  	s21 =	sadd.s32 $0x80, s21;
	(pc) =	sbr.rel @p0 .LBB2_4-.Ltmp1, $2  }
0x3b: {  	_ =	sdelay $0x2  }
0x3c: {  	s22 =	sadd.s32 $0x400, s22;
	s23 =	sadd.s32 s23, s24  }
0x3d: {  	[tilespmem:s20], [sflag:$0x2] =	stream.linear.gather [hbm4b:s23+s1], $0x80, $0x38;
	v63 =	vld [tilespmem:$0x0]  }
0x3e: {  	s20 =	simm.s32 $0x100;
	s25 =	rddreg [dreg:$0x5]  }
0x3f: {  	s21 =	simm.s32 $0x80;
	s22 =	simm.s32 $0x500;
	s23 =	sadd.s32 $0x0, s25  }
.LBB2_6:
0x40: {  	[tilespmem:s20], [sflag:$0x3] =	stream.linear.gather [hbm4b:s23+s1], $0x80, $0x38;
	v63 =	vld [tilespmem:$0x0]  }
0x41: {  	s23 =	smov.u32 s21;
	s20 =	smov.u32 s22;
	p0 =	sne.s32 s21, $0x3F80  }
.Ltmp2:
0x42: {  	s21 =	sadd.s32 $0x80, s21;
	(pc) =	sbr.rel @p0 .LBB2_6-.Ltmp2, $2  }
0x43: {  	_ =	sdelay $0x2  }
0x44: {  	s22 =	sadd.s32 $0x400, s22;
	s23 =	sadd.s32 s23, s25  }
0x45: {  	[tilespmem:s20], [sflag:$0x3] =	stream.linear.gather [hbm4b:s23+s1], $0x80, $0x38;
	v63 =	vld [tilespmem:$0x0]  }
0x46: {  	s20 =	simm.s32 $0x180;
	s25 =	rddreg [dreg:$0x6]  }
0x47: {  	s21 =	simm.s32 $0x80;
	s22 =	simm.s32 $0x580;
	s23 =	sadd.s32 $0x0, s25  }
.LBB2_8:
0x48: {  	[tilespmem:s20], [sflag:$0x4] =	stream.linear.gather [hbm4b:s23+s1], $0x80, $0x38;
	v63 =	vld [tilespmem:$0x0]  }
0x49: {  	s23 =	smov.u32 s21;
	s20 =	smov.u32 s22;
	p0 =	sne.s32 s21, $0x3F80  }
.Ltmp3:
0x4a: {  	s21 =	sadd.s32 $0x80, s21;
	(pc) =	sbr.rel @p0 .LBB2_8-.Ltmp3, $2  }
0x4b: {  	_ =	sdelay $0x2  }
0x4c: {  	s22 =	sadd.s32 $0x400, s22;
	s23 =	sadd.s32 s23, s25  }
0x4d: {  	[tilespmem:s20], [sflag:$0x4] =	stream.linear.gather [hbm4b:s23+s1], $0x80, $0x38;
	v63 =	vld [tilespmem:$0x0]  }
0x4e: {  	s20 =	simm.s32 $0x200;
	s26 =	rddreg [dreg:$0x7]  }
0x4f: {  	s21 =	simm.s32 $0x80;
	s22 =	simm.s32 $0x600;
	s23 =	sadd.s32 $0x0, s26  }
.LBB2_10:
0x50: {  	[tilespmem:s20], [sflag:$0x5] =	stream.linear.gather [hbm4b:s23+s1], $0x80, $0x38;
	v63 =	vld [tilespmem:$0x0]  }
0x51: {  	s23 =	smov.u32 s21;
	s20 =	smov.u32 s22;
	p0 =	sne.s32 s21, $0x3F80  }
.Ltmp4:
0x52: {  	s21 =	sadd.s32 $0x80, s21;
	(pc) =	sbr.rel @p0 .LBB2_10-.Ltmp4, $2  }
0x53: {  	_ =	sdelay $0x2  }
0x54: {  	s22 =	sadd.s32 $0x400, s22;
	s23 =	sadd.s32 s23, s26  }
0x55: {  	[tilespmem:s20], [sflag:$0x5] =	stream.linear.gather [hbm4b:s23+s1], $0x80, $0x38;
	v63 =	vld [tilespmem:$0x0]  }
0x56: {  	s20 =	simm.s32 $0x280;
	s26 =	rddreg [dreg:$0x8]  }
0x57: {  	s21 =	simm.s32 $0x80;
	s22 =	simm.s32 $0x680;
	s23 =	sadd.s32 $0x0, s26  }
.LBB2_12:
0x58: {  	[tilespmem:s20], [sflag:$0x6] =	stream.linear.gather [hbm4b:s23+s1], $0x80, $0x38;
	v63 =	vld [tilespmem:$0x0]  }
0x59: {  	s23 =	smov.u32 s21;
	s20 =	smov.u32 s22;
	p0 =	sne.s32 s21, $0x3F80  }
.Ltmp5:
0x5a: {  	s21 =	sadd.s32 $0x80, s21;
	(pc) =	sbr.rel @p0 .LBB2_12-.Ltmp5, $2  }
0x5b: {  	_ =	sdelay $0x2  }
0x5c: {  	s22 =	sadd.s32 $0x400, s22;
	s23 =	sadd.s32 s23, s26  }
0x5d: {  	[tilespmem:s20], [sflag:$0x6] =	stream.linear.gather [hbm4b:s23+s1], $0x80, $0x38;
	v63 =	vld [tilespmem:$0x0]  }
0x5e: {  	s20 =	simm.s32 $0x300;
	s28 =	rddreg [dreg:$0x9]  }
0x5f: {  	s21 =	simm.s32 $0x80;
	s22 =	simm.s32 $0x700;
	s23 =	sadd.s32 $0x0, s28  }
.LBB2_14:
0x60: {  	[tilespmem:s20], [sflag:$0x7] =	stream.linear.gather [hbm4b:s23+s1], $0x80, $0x38;
	v63 =	vld [tilespmem:$0x0]  }
0x61: {  	s23 =	smov.u32 s21;
	s20 =	smov.u32 s22;
	p0 =	sne.s32 s21, $0x3F80  }
.Ltmp6:
0x62: {  	s21 =	sadd.s32 $0x80, s21;
	(pc) =	sbr.rel @p0 .LBB2_14-.Ltmp6, $2  }
0x63: {  	_ =	sdelay $0x2  }
0x64: {  	s22 =	sadd.s32 $0x400, s22;
	s23 =	sadd.s32 s23, s28  }
0x65: {  	[tilespmem:s20], [sflag:$0x7] =	stream.linear.gather [hbm4b:s23+s1], $0x80, $0x38;
	v63 =	vld [tilespmem:$0x0]  }
0x66: {  	s31 =	simm.s32 $0x1  }
0x67: {  	s20 =	simm.s32 $0x0;
	_ =	swait.ge [sflag:s31], $0x4000  }
0x68: {  	s21 =	simm.s32 $0x80;
	[sflag:s31] =	ssyncset.done $0x0;
	s28 =	rddreg [dreg:$0xa]  }
0x69: {  	s22 =	simm.s32 $0x400;
	[sflag:s31] =	ssyncadd.s32 $0xFFFFC000;
	s23 =	sadd.s32 $0x0, s28  }
.LBB2_16:
0x6a: {  	[hbm4b:s23+s1] =	stream.linear.scatter [tilespmem:s20], [sflag:$0x8], $0x80, $0x38;
	v63 =	vld [tilespmem:$0x0]  }
0x6b: {  	s23 =	smov.u32 s21;
	s20 =	smov.u32 s22;
	p0 =	sne.s32 s21, $0x3F80  }
.Ltmp7:
0x6c: {  	s21 =	sadd.s32 $0x80, s21;
	(pc) =	sbr.rel @p0 .LBB2_16-.Ltmp7, $2  }
0x6d: {  	_ =	sdelay $0x2  }
0x6e: {  	s22 =	sadd.s32 $0x400, s22;
	s23 =	sadd.s32 s23, s28  }
0x6f: {  	[hbm4b:s23+s1] =	stream.linear.scatter [tilespmem:s20], [sflag:$0x8], $0x80, $0x38;
	v63 =	vld [tilespmem:$0x0]  }
0x70: {  	s31 =	simm.s32 $0x8  }
0x71: {  	s20 =	simm.s32 $0x0;
	_ =	swait.ge [sflag:s31], $0x4000  }
0x72: {  	s21 =	simm.s32 $0x80;
	[sflag:s31] =	ssyncset.done $0x0;
	s29 =	rddreg [dreg:$0xb]  }
0x73: {  	s22 =	simm.s32 $0x400;
	[sflag:s31] =	ssyncadd.s32 $0xFFFFC000;
	s23 =	sadd.s32 $0x0, s29  }
.LBB2_18:
0x74: {  	[tilespmem:s20], [sflag:$0x1] =	stream.linear.gather [hbm4b:s23+s1], $0x80, $0x38;
	v63 =	vld [tilespmem:$0x0]  }
0x75: {  	s23 =	smov.u32 s21;
	s20 =	smov.u32 s22;
	p0 =	sne.s32 s21, $0x3F80  }
.Ltmp8:
0x76: {  	s21 =	sadd.s32 $0x80, s21;
	(pc) =	sbr.rel @p0 .LBB2_18-.Ltmp8, $2  }
0x77: {  	_ =	sdelay $0x2  }
0x78: {  	s22 =	sadd.s32 $0x400, s22;
	s23 =	sadd.s32 s23, s29  }
0x79: {  	[tilespmem:s20], [sflag:$0x1] =	stream.linear.gather [hbm4b:s23+s1], $0x80, $0x38;
	v63 =	vld [tilespmem:$0x0]  }
0x7a: {  	s31 =	simm.s32 $0x2  }
0x7b: {  	s20 =	simm.s32 $0x80;
	_ =	swait.ge [sflag:s31], $0x4000  }
0x7c: {  	s21 =	simm.s32 $0x80;
	[sflag:s31] =	ssyncset.done $0x0;
	s29 =	rddreg [dreg:$0xc]  }
0x7d: {  	s22 =	simm.s32 $0x480;
	[sflag:s31] =	ssyncadd.s32 $0xFFFFC000;
	s23 =	sadd.s32 $0x0, s29  }
.LBB2_20:
0x7e: {  	[hbm4b:s23+s1] =	stream.linear.scatter [tilespmem:s20], [sflag:$0x9], $0x80, $0x38;
	v63 =	vld [tilespmem:$0x0]  }
0x7f: {  	s23 =	smov.u32 s21;
	s20 =	smov.u32 s22;
	p0 =	sne.s32 s21, $0x3F80  }
.Ltmp9:
0x80: {  	s21 =	sadd.s32 $0x80, s21;
	(pc) =	sbr.rel @p0 .LBB2_20-.Ltmp9, $2  }
0x81: {  	_ =	sdelay $0x2  }
0x82: {  	s22 =	sadd.s32 $0x400, s22;
	s23 =	sadd.s32 s23, s29  }
0x83: {  	[hbm4b:s23+s1] =	stream.linear.scatter [tilespmem:s20], [sflag:$0x9], $0x80, $0x38;
	v63 =	vld [tilespmem:$0x0]  }
0x84: {  	s31 =	simm.s32 $0x9  }
0x85: {  	s20 =	simm.s32 $0x80;
	_ =	swait.ge [sflag:s31], $0x4000  }
0x86: {  	s21 =	simm.s32 $0x80;
	[sflag:s31] =	ssyncset.done $0x0;
	s30 =	rddreg [dreg:$0xd]  }
0x87: {  	s22 =	simm.s32 $0x480;
	[sflag:s31] =	ssyncadd.s32 $0xFFFFC000;
	s23 =	sadd.s32 $0x0, s30  }
.LBB2_22:
0x88: {  	[tilespmem:s20], [sflag:$0x2] =	stream.linear.gather [hbm4b:s23+s1], $0x80, $0x38;
	v63 =	vld [tilespmem:$0x0]  }
0x89: {  	s23 =	smov.u32 s21;
	s20 =	smov.u32 s22;
	p0 =	sne.s32 s21, $0x3F80  }
.Ltmp10:
0x8a: {  	s21 =	sadd.s32 $0x80, s21;
	(pc) =	sbr.rel @p0 .LBB2_22-.Ltmp10, $2  }
0x8b: {  	_ =	sdelay $0x2  }
0x8c: {  	s22 =	sadd.s32 $0x400, s22;
	s23 =	sadd.s32 s23, s30  }
0x8d: {  	[tilespmem:s20], [sflag:$0x2] =	stream.linear.gather [hbm4b:s23+s1], $0x80, $0x38;
	v63 =	vld [tilespmem:$0x0]  }
0x8e: {  	s31 =	simm.s32 $0x3  }
0x8f: {  	s20 =	simm.s32 $0x100;
	_ =	swait.ge [sflag:s31], $0x4000  }
0x90: {  	s21 =	simm.s32 $0x80;
	[sflag:s31] =	ssyncset.done $0x0;
	s30 =	rddreg [dreg:$0xe]  }
0x91: {  	s22 =	simm.s32 $0x500;
	[sflag:s31] =	ssyncadd.s32 $0xFFFFC000;
	s23 =	sadd.s32 $0x0, s30  }
.LBB2_24:
0x92: {  	[hbm4b:s23+s1] =	stream.linear.scatter [tilespmem:s20], [sflag:$0xA], $0x80, $0x38;
	v63 =	vld [tilespmem:$0x0]  }
0x93: {  	s23 =	smov.u32 s21;
	s20 =	smov.u32 s22;
	p0 =	sne.s32 s21, $0x3F80  }
.Ltmp11:
0x94: {  	s21 =	sadd.s32 $0x80, s21;
	(pc) =	sbr.rel @p0 .LBB2_24-.Ltmp11, $2  }
0x95: {  	_ =	sdelay $0x2  }
0x96: {  	s22 =	sadd.s32 $0x400, s22;
	s23 =	sadd.s32 s23, s30  }
0x97: {  	[hbm4b:s23+s1] =	stream.linear.scatter [tilespmem:s20], [sflag:$0xA], $0x80, $0x38;
	v63 =	vld [tilespmem:$0x0]  }
0x98: {  	s31 =	simm.s32 $0xA  }
0x99: {  	s20 =	simm.s32 $0x100;
	_ =	swait.ge [sflag:s31], $0x4000  }
0x9a: {  	s21 =	simm.s32 $0x80;
	[sflag:s31] =	ssyncset.done $0x0;
	s24 =	rddreg [dreg:$0xf]  }
0x9b: {  	s22 =	simm.s32 $0x500;
	[sflag:s31] =	ssyncadd.s32 $0xFFFFC000;
	s23 =	sadd.s32 $0x0, s24  }
.LBB2_26:
0x9c: {  	[tilespmem:s20], [sflag:$0x3] =	stream.linear.gather [hbm4b:s23+s1], $0x80, $0x38;
	v63 =	vld [tilespmem:$0x0]  }
0x9d: {  	s23 =	smov.u32 s21;
	s20 =	smov.u32 s22;
	p0 =	sne.s32 s21, $0x3F80  }
.Ltmp12:
0x9e: {  	s21 =	sadd.s32 $0x80, s21;
	(pc) =	sbr.rel @p0 .LBB2_26-.Ltmp12, $2  }
0x9f: {  	_ =	sdelay $0x2  }
0xa0: {  	s22 =	sadd.s32 $0x400, s22;
	s23 =	sadd.s32 s23, s24  }
0xa1: {  	[tilespmem:s20], [sflag:$0x3] =	stream.linear.gather [hbm4b:s23+s1], $0x80, $0x38;
	v63 =	vld [tilespmem:$0x0]  }
0xa2: {  	s31 =	simm.s32 $0x4  }
0xa3: {  	s20 =	simm.s32 $0x180;
	_ =	swait.ge [sflag:s31], $0x4000  }
0xa4: {  	s21 =	simm.s32 $0x80;
	[sflag:s31] =	ssyncset.done $0x0;
	s24 =	rddreg [dreg:$0x10]  }
0xa5: {  	s22 =	simm.s32 $0x580;
	[sflag:s31] =	ssyncadd.s32 $0xFFFFC000;
	s23 =	sadd.s32 $0x0, s24  }
.LBB2_28:
0xa6: {  	[hbm4b:s23+s1] =	stream.linear.scatter [tilespmem:s20], [sflag:$0xB], $0x80, $0x38;
	v63 =	vld [tilespmem:$0x0]  }
0xa7: {  	s23 =	smov.u32 s21;
	s20 =	smov.u32 s22;
	p0 =	sne.s32 s21, $0x3F80  }
.Ltmp13:
0xa8: {  	s21 =	sadd.s32 $0x80, s21;
	(pc) =	sbr.rel @p0 .LBB2_28-.Ltmp13, $2  }
0xa9: {  	_ =	sdelay $0x2  }
0xaa: {  	s22 =	sadd.s32 $0x400, s22;
	s23 =	sadd.s32 s23, s24  }
0xab: {  	[hbm4b:s23+s1] =	stream.linear.scatter [tilespmem:s20], [sflag:$0xB], $0x80, $0x38;
	v63 =	vld [tilespmem:$0x0]  }
0xac: {  	s30 =	simm.s32 $0xB  }
0xad: {  	s20 =	simm.s32 $0x180;
	_ =	swait.ge [sflag:s30], $0x4000  }
0xae: {  	s21 =	simm.s32 $0x80;
	[sflag:s30] =	ssyncset.done $0x0;
	s31 =	rddreg [dreg:$0x17]  }
0xaf: {  	s22 =	simm.s32 $0x580;
	[sflag:s30] =	ssyncadd.s32 $0xFFFFC000;
	s23 =	sadd.s32 $0x0, s31  }
.LBB2_30:
0xb0: {  	[tilespmem:s20], [sflag:$0x4] =	stream.linear.gather [hbm4b:s23+s1], $0x80, $0x38;
	v63 =	vld [tilespmem:$0x0]  }
0xb1: {  	s23 =	smov.u32 s21;
	s20 =	smov.u32 s22;
	p0 =	sne.s32 s21, $0x3F80  }
.Ltmp14:
0xb2: {  	s21 =	sadd.s32 $0x80, s21;
	(pc) =	sbr.rel @p0 .LBB2_30-.Ltmp14, $2  }
0xb3: {  	_ =	sdelay $0x2  }
0xb4: {  	s22 =	sadd.s32 $0x400, s22;
	s23 =	sadd.s32 s23, s31  }
0xb5: {  	[tilespmem:s20], [sflag:$0x4] =	stream.linear.gather [hbm4b:s23+s1], $0x80, $0x38;
	v63 =	vld [tilespmem:$0x0]  }
0xb6: {  	s30 =	simm.s32 $0x5  }
0xb7: {  	s20 =	simm.s32 $0x200;
	_ =	swait.ge [sflag:s30], $0x4000  }
0xb8: {  	s21 =	simm.s32 $0x80;
	[sflag:s30] =	ssyncset.done $0x0;
	s31 =	rddreg [dreg:$0x11]  }
0xb9: {  	s22 =	simm.s32 $0x600;
	[sflag:s30] =	ssyncadd.s32 $0xFFFFC000;
	s23 =	sadd.s32 $0x0, s31  }
.LBB2_32:
0xba: {  	[hbm4b:s23+s1] =	stream.linear.scatter [tilespmem:s20], [sflag:$0xC], $0x80, $0x38;
	v63 =	vld [tilespmem:$0x0]  }
0xbb: {  	s23 =	smov.u32 s21;
	s20 =	smov.u32 s22;
	p0 =	sne.s32 s21, $0x3F80  }
.Ltmp15:
0xbc: {  	s21 =	sadd.s32 $0x80, s21;
	(pc) =	sbr.rel @p0 .LBB2_32-.Ltmp15, $2  }
0xbd: {  	_ =	sdelay $0x2  }
0xbe: {  	s22 =	sadd.s32 $0x400, s22;
	s23 =	sadd.s32 s23, s31  }
0xbf: {  	[hbm4b:s23+s1] =	stream.linear.scatter [tilespmem:s20], [sflag:$0xC], $0x80, $0x38;
	v63 =	vld [tilespmem:$0x0]  }
0xc0: {  	s31 =	simm.s32 $0xC  }
0xc1: {  	_ =	swait.ge [sflag:s31], $0x4000  }
0xc2: {  	s20 =	simm.s32 $0x200;
	s21 =	simm.s32 $0x80;
	[sflag:s31] =	ssyncset.done $0x0  }
0xc3: {  	s23 =	sadd.s32 $0x0, s3;
	s22 =	simm.s32 $0x600;
	[sflag:s31] =	ssyncadd.s32 $0xFFFFC000  }
.LBB2_34:
0xc4: {  	[tilespmem:s20], [sflag:$0x5] =	stream.linear.gather [hbm4b:s23+s1], $0x80, $0x38;
	v63 =	vld [tilespmem:$0x0]  }
0xc5: {  	s23 =	smov.u32 s21;
	s20 =	smov.u32 s22;
	p0 =	sne.s32 s21, $0x3F80  }
.Ltmp16:
0xc6: {  	s21 =	sadd.s32 $0x80, s21;
	(pc) =	sbr.rel @p0 .LBB2_34-.Ltmp16, $2  }
0xc7: {  	_ =	sdelay $0x2  }
0xc8: {  	s22 =	sadd.s32 $0x400, s22;
	s23 =	sadd.s32 s23, s3  }
0xc9: {  	[tilespmem:s20], [sflag:$0x5] =	stream.linear.gather [hbm4b:s23+s1], $0x80, $0x38;
	v63 =	vld [tilespmem:$0x0]  }
0xca: {  	s3 =	simm.s32 $0x6  }
0xcb: {  	s20 =	simm.s32 $0x280;
	_ =	swait.ge [sflag:s3], $0x4000  }
0xcc: {  	s21 =	simm.s32 $0x80;
	[sflag:s3] =	ssyncset.done $0x0;
	s31 =	rddreg [dreg:$0x12]  }
0xcd: {  	s22 =	simm.s32 $0x680;
	[sflag:s3] =	ssyncadd.s32 $0xFFFFC000;
	s23 =	sadd.s32 $0x0, s31  }
.LBB2_36:
0xce: {  	[hbm4b:s23+s1] =	stream.linear.scatter [tilespmem:s20], [sflag:$0xD], $0x80, $0x38;
	v63 =	vld [tilespmem:$0x0]  }
0xcf: {  	s23 =	smov.u32 s21;
	s20 =	smov.u32 s22;
	p0 =	sne.s32 s21, $0x3F80  }
.Ltmp17:
0xd0: {  	s21 =	sadd.s32 $0x80, s21;
	(pc) =	sbr.rel @p0 .LBB2_36-.Ltmp17, $2  }
0xd1: {  	_ =	sdelay $0x2  }
0xd2: {  	s22 =	sadd.s32 $0x400, s22;
	s23 =	sadd.s32 s23, s31  }
0xd3: {  	[hbm4b:s23+s1] =	stream.linear.scatter [tilespmem:s20], [sflag:$0xD], $0x80, $0x38;
	v63 =	vld [tilespmem:$0x0]  }
0xd4: {  	s0 =	simm.s32 $0xD  }
0xd5: {  	_ =	swait.ge [sflag:s0], $0x4000  }
0xd6: {  	s20 =	simm.s32 $0x280;
	[sflag:s0] =	ssyncset.done $0x0  }
0xd7: {  	s21 =	simm.s32 $0x80;
	[sflag:s0] =	ssyncadd.s32 $0xFFFFC000;
	s0 =	rddreg [dreg:$0x1b]  }
0xd8: {  	s22 =	simm.s32 $0x680;
	s3 =	sld [smem:$0x7F9];
	s23 =	sadd.s32 $0x0, s0  }
.LBB2_38:
0xd9: {  	[tilespmem:s20], [sflag:$0x6] =	stream.linear.gather [hbm4b:s23+s1], $0x80, $0x38;
	v63 =	vld [tilespmem:$0x0]  }
0xda: {  	s23 =	smov.u32 s21;
	s20 =	smov.u32 s22;
	p0 =	sne.s32 s21, $0x3F80  }
.Ltmp18:
0xdb: {  	s21 =	sadd.s32 $0x80, s21;
	(pc) =	sbr.rel @p0 .LBB2_38-.Ltmp18, $2  }
0xdc: {  	_ =	sdelay $0x2  }
0xdd: {  	s22 =	sadd.s32 $0x400, s22;
	s23 =	sadd.s32 s23, s0  }
0xde: {  	[tilespmem:s20], [sflag:$0x6] =	stream.linear.gather [hbm4b:s23+s1], $0x80, $0x38;
	v63 =	vld [tilespmem:$0x0]  }
0xdf: {  	s0 =	simm.s32 $0x7  }
0xe0: {  	_ =	swait.ge [sflag:s0], $0x4000  }
0xe1: {  	[sflag:s0] =	ssyncset.done $0x0  }
0xe2: {  	s20 =	simm.s32 $0x300;
	[sflag:s0] =	ssyncadd.s32 $0xFFFFC000;
	s0 =	rddreg [dreg:$0x13]  }
0xe3: {  	s21 =	simm.s32 $0x80;
	s22 =	simm.s32 $0x700;
	s23 =	sadd.s32 $0x0, s0  }
.LBB2_40:
0xe4: {  	[hbm4b:s23+s1] =	stream.linear.scatter [tilespmem:s20], [sflag:$0xE], $0x80, $0x38;
	v63 =	vld [tilespmem:$0x0]  }
0xe5: {  	s23 =	smov.u32 s21;
	s20 =	smov.u32 s22;
	p0 =	sne.s32 s21, $0x3F80  }
.Ltmp19:
0xe6: {  	s21 =	sadd.s32 $0x80, s21;
	(pc) =	sbr.rel @p0 .LBB2_40-.Ltmp19, $2  }
0xe7: {  	_ =	sdelay $0x2  }
0xe8: {  	s22 =	sadd.s32 $0x400, s22;
	s23 =	sadd.s32 s23, s0  }
0xe9: {  	[hbm4b:s23+s1] =	stream.linear.scatter [tilespmem:s20], [sflag:$0xE], $0x80, $0x38;
	v63 =	vld [tilespmem:$0x0]  }
0xea: {  	s0 =	simm.s32 $0xE  }
0xeb: {  	_ =	swait.ge [sflag:s0], $0x4000  }
0xec: {  	[sflag:s0] =	ssyncset.done $0x0  }
0xed: {  	s20 =	simm.s32 $0x300;
	[sflag:s0] =	ssyncadd.s32 $0xFFFFC000;
	s0 =	rddreg [dreg:$0x1d]  }
0xee: {  	s21 =	simm.s32 $0x80;
	s22 =	simm.s32 $0x700;
	s23 =	sadd.s32 $0x0, s0  }
.LBB2_42:
0xef: {  	[tilespmem:s20], [sflag:$0x7] =	stream.linear.gather [hbm4b:s23+s1], $0x80, $0x38;
	v63 =	vld [tilespmem:$0x0]  }
0xf0: {  	s23 =	smov.u32 s21;
	s20 =	smov.u32 s22;
	p0 =	sne.s32 s21, $0x3F80  }
.Ltmp20:
0xf1: {  	s21 =	sadd.s32 $0x80, s21;
	(pc) =	sbr.rel @p0 .LBB2_42-.Ltmp20, $2  }
0xf2: {  	_ =	sdelay $0x2  }
0xf3: {  	s22 =	sadd.s32 $0x400, s22;
	s23 =	sadd.s32 s23, s0  }
0xf4: {  	[tilespmem:s20], [sflag:$0x7] =	stream.linear.gather [hbm4b:s23+s1], $0x80, $0x38;
	v63 =	vld [tilespmem:$0x0]  }
0xf5: {  	s0 =	simm.s32 $0x1  }
0xf6: {  	_ =	swait.ge [sflag:s0], $0x4000  }
0xf7: {  	[sflag:s0] =	ssyncset.done $0x0  }
0xf8: {  	s20 =	simm.s32 $0x0;
	[sflag:s0] =	ssyncadd.s32 $0xFFFFC000;
	s0 =	rddreg [dreg:$0x14]  }
0xf9: {  	s21 =	simm.s32 $0x80;
	s22 =	simm.s32 $0x400;
	s23 =	sadd.s32 $0x0, s0  }
.LBB2_44:
0xfa: {  	[hbm4b:s23+s1] =	stream.linear.scatter [tilespmem:s20], [sflag:$0x8], $0x80, $0x38;
	v63 =	vld [tilespmem:$0x0]  }
0xfb: {  	s23 =	smov.u32 s21;
	s20 =	smov.u32 s22;
	p0 =	sne.s32 s21, $0x3F80  }
.Ltmp21:
0xfc: {  	s21 =	sadd.s32 $0x80, s21;
	(pc) =	sbr.rel @p0 .LBB2_44-.Ltmp21, $2  }
0xfd: {  	_ =	sdelay $0x2  }
0xfe: {  	s22 =	sadd.s32 $0x400, s22;
	s23 =	sadd.s32 s23, s0  }
0xff: {  	[hbm4b:s23+s1] =	stream.linear.scatter [tilespmem:s20], [sflag:$0x8], $0x80, $0x38;
	v63 =	vld [tilespmem:$0x0]  }
0x100: {  	s2 =	simm.s32 $0x8  }
0x101: {  	_ =	swait.ge [sflag:s2], $0x4000  }
0x102: {  	[sflag:s2] =	ssyncset.done $0x0  }
0x103: {  	s20 =	simm.s32 $0x0;
	[sflag:s2] =	ssyncadd.s32 $0xFFFFC000;
	s2 =	rddreg [dreg:$0x1f]  }
0x104: {  	s21 =	simm.s32 $0x80;
	s22 =	simm.s32 $0x400;
	s23 =	sadd.s32 $0x0, s2  }
.LBB2_46:
0x105: {  	[tilespmem:s20], [sflag:$0x1] =	stream.linear.gather [hbm4b:s23+s1], $0x80, $0x38;
	v63 =	vld [tilespmem:$0x0]  }
0x106: {  	s23 =	smov.u32 s21;
	s20 =	smov.u32 s22;
	p0 =	sne.s32 s21, $0x3F80  }
.Ltmp22:
0x107: {  	s21 =	sadd.s32 $0x80, s21;
	(pc) =	sbr.rel @p0 .LBB2_46-.Ltmp22, $2  }
0x108: {  	_ =	sdelay $0x2  }
0x109: {  	s22 =	sadd.s32 $0x400, s22;
	s23 =	sadd.s32 s23, s2  }
0x10a: {  	[tilespmem:s20], [sflag:$0x1] =	stream.linear.gather [hbm4b:s23+s1], $0x80, $0x38;
	v63 =	vld [tilespmem:$0x0]  }
0x10b: {  	s2 =	simm.s32 $0x2  }
0x10c: {  	_ =	swait.ge [sflag:s2], $0x4000  }
0x10d: {  	[sflag:s2] =	ssyncset.done $0x0  }
0x10e: {  	s20 =	simm.s32 $0x80;
	[sflag:s2] =	ssyncadd.s32 $0xFFFFC000;
	s2 =	rddreg [dreg:$0x15]  }
0x10f: {  	s21 =	simm.s32 $0x80;
	s22 =	simm.s32 $0x480;
	s23 =	sadd.s32 $0x0, s2  }
.LBB2_48:
0x110: {  	[hbm4b:s23+s1] =	stream.linear.scatter [tilespmem:s20], [sflag:$0x9], $0x80, $0x38;
	v63 =	vld [tilespmem:$0x0]  }
0x111: {  	s23 =	smov.u32 s21;
	s20 =	smov.u32 s22;
	p0 =	sne.s32 s21, $0x3F80  }
.Ltmp23:
0x112: {  	s21 =	sadd.s32 $0x80, s21;
	(pc) =	sbr.rel @p0 .LBB2_48-.Ltmp23, $2  }
0x113: {  	_ =	sdelay $0x2  }
0x114: {  	s22 =	sadd.s32 $0x400, s22;
	s23 =	sadd.s32 s23, s2  }
0x115: {  	[hbm4b:s23+s1] =	stream.linear.scatter [tilespmem:s20], [sflag:$0x9], $0x80, $0x38;
	v63 =	vld [tilespmem:$0x0]  }
0x116: {  	s2 =	simm.s32 $0x9  }
0x117: {  	_ =	swait.ge [sflag:s2], $0x4000  }
0x118: {  	[sflag:s2] =	ssyncset.done $0x0  }
0x119: {  	[sflag:s2] =	ssyncadd.s32 $0xFFFFC000;
	s2 =	sld [smem:$0x7F8];
	_ =	sdelay $0x1  }
0x11a: {  	s20 =	simm.s32 $0x80  }
0x11b: {  	s21 =	simm.s32 $0x80;
	s22 =	simm.s32 $0x480;
	s23 =	sadd.s32 $0x0, s2  }
.LBB2_50:
0x11c: {  	[tilespmem:s20], [sflag:$0x2] =	stream.linear.gather [hbm4b:s23+s1], $0x80, $0x38;
	v63 =	vld [tilespmem:$0x0]  }
0x11d: {  	s23 =	smov.u32 s21;
	s20 =	smov.u32 s22;
	p0 =	sne.s32 s21, $0x3F80  }
.Ltmp24:
0x11e: {  	s21 =	sadd.s32 $0x80, s21;
	(pc) =	sbr.rel @p0 .LBB2_50-.Ltmp24, $2  }
0x11f: {  	_ =	sdelay $0x2  }
0x120: {  	s22 =	sadd.s32 $0x400, s22;
	s23 =	sadd.s32 s23, s2  }
0x121: {  	[tilespmem:s20], [sflag:$0x2] =	stream.linear.gather [hbm4b:s23+s1], $0x80, $0x38;
	v63 =	vld [tilespmem:$0x0]  }
0x122: {  	s2 =	simm.s32 $0x3  }
0x123: {  	_ =	swait.ge [sflag:s2], $0x4000  }
0x124: {  	[sflag:s2] =	ssyncset.done $0x0  }
0x125: {  	s20 =	simm.s32 $0x100;
	[sflag:s2] =	ssyncadd.s32 $0xFFFFC000;
	s2 =	rddreg [dreg:$0x16]  }
0x126: {  	s21 =	simm.s32 $0x80;
	s22 =	simm.s32 $0x500;
	s23 =	sadd.s32 $0x0, s2  }
.LBB2_52:
0x127: {  	[hbm4b:s23+s1] =	stream.linear.scatter [tilespmem:s20], [sflag:$0xA], $0x80, $0x38;
	v63 =	vld [tilespmem:$0x0]  }
0x128: {  	s23 =	smov.u32 s21;
	s20 =	smov.u32 s22;
	p0 =	sne.s32 s21, $0x3F80  }
.Ltmp25:
0x129: {  	s21 =	sadd.s32 $0x80, s21;
	(pc) =	sbr.rel @p0 .LBB2_52-.Ltmp25, $2  }
0x12a: {  	_ =	sdelay $0x2  }
0x12b: {  	s22 =	sadd.s32 $0x400, s22;
	s23 =	sadd.s32 s23, s2  }
0x12c: {  	[hbm4b:s23+s1] =	stream.linear.scatter [tilespmem:s20], [sflag:$0xA], $0x80, $0x38;
	v63 =	vld [tilespmem:$0x0]  }
0x12d: {  	s31 =	simm.s32 $0xA  }
0x12e: {  	_ =	swait.ge [sflag:s31], $0x4000  }
0x12f: {  	s20 =	simm.s32 $0x100;
	s21 =	simm.s32 $0x80;
	[sflag:s31] =	ssyncset.done $0x0  }
0x130: {  	s23 =	sadd.s32 $0x0, s3;
	s22 =	simm.s32 $0x500;
	[sflag:s31] =	ssyncadd.s32 $0xFFFFC000  }
.LBB2_54:
0x131: {  	[tilespmem:s20], [sflag:$0x3] =	stream.linear.gather [hbm4b:s23+s1], $0x80, $0x38;
	v63 =	vld [tilespmem:$0x0]  }
0x132: {  	s23 =	smov.u32 s21;
	s20 =	smov.u32 s22;
	p0 =	sne.s32 s21, $0x3F80  }
.Ltmp26:
0x133: {  	s21 =	sadd.s32 $0x80, s21;
	(pc) =	sbr.rel @p0 .LBB2_54-.Ltmp26, $2  }
0x134: {  	_ =	sdelay $0x2  }
0x135: {  	s22 =	sadd.s32 $0x400, s22;
	s23 =	sadd.s32 s23, s3  }
0x136: {  	[tilespmem:s20], [sflag:$0x3] =	stream.linear.gather [hbm4b:s23+s1], $0x80, $0x38;
	v63 =	vld [tilespmem:$0x0]  }
0x137: {  	s3 =	simm.s32 $0x4  }
0x138: {  	_ =	swait.ge [sflag:s3], $0x4000  }
0x139: {  	[sflag:s3] =	ssyncset.done $0x0  }
0x13a: {  	s20 =	simm.s32 $0x180;
	[sflag:s3] =	ssyncadd.s32 $0xFFFFC000;
	s3 =	rddreg [dreg:$0x18]  }
0x13b: {  	s21 =	simm.s32 $0x80;
	s22 =	simm.s32 $0x580;
	s23 =	sadd.s32 $0x0, s3  }
.LBB2_56:
0x13c: {  	[hbm4b:s23+s1] =	stream.linear.scatter [tilespmem:s20], [sflag:$0xB], $0x80, $0x38;
	v63 =	vld [tilespmem:$0x0]  }
0x13d: {  	s23 =	smov.u32 s21;
	s20 =	smov.u32 s22;
	p0 =	sne.s32 s21, $0x3F80  }
.Ltmp27:
0x13e: {  	s21 =	sadd.s32 $0x80, s21;
	(pc) =	sbr.rel @p0 .LBB2_56-.Ltmp27, $2  }
0x13f: {  	_ =	sdelay $0x2  }
0x140: {  	s22 =	sadd.s32 $0x400, s22;
	s23 =	sadd.s32 s23, s3  }
0x141: {  	[hbm4b:s23+s1] =	stream.linear.scatter [tilespmem:s20], [sflag:$0xB], $0x80, $0x38;
	v63 =	vld [tilespmem:$0x0]  }
0x142: {  	s3 =	simm.s32 $0xB  }
0x143: {  	_ =	swait.ge [sflag:s3], $0x4000  }
0x144: {  	s20 =	simm.s32 $0x180;
	s21 =	simm.s32 $0x80;
	[sflag:s3] =	ssyncset.done $0x0  }
0x145: {  	s23 =	sadd.s32 $0x0, s6;
	s22 =	simm.s32 $0x580;
	[sflag:s3] =	ssyncadd.s32 $0xFFFFC000  }
.LBB2_58:
0x146: {  	[tilespmem:s20], [sflag:$0x4] =	stream.linear.gather [hbm4b:s23+s1], $0x80, $0x38;
	v63 =	vld [tilespmem:$0x0]  }
0x147: {  	s23 =	smov.u32 s21;
	s20 =	smov.u32 s22;
	p0 =	sne.s32 s21, $0x3F80  }
.Ltmp28:
0x148: {  	s21 =	sadd.s32 $0x80, s21;
	(pc) =	sbr.rel @p0 .LBB2_58-.Ltmp28, $2  }
0x149: {  	_ =	sdelay $0x2  }
0x14a: {  	s22 =	sadd.s32 $0x400, s22;
	s23 =	sadd.s32 s23, s6  }
0x14b: {  	[tilespmem:s20], [sflag:$0x4] =	stream.linear.gather [hbm4b:s23+s1], $0x80, $0x38;
	v63 =	vld [tilespmem:$0x0]  }
0x14c: {  	s3 =	simm.s32 $0x5  }
0x14d: {  	_ =	swait.ge [sflag:s3], $0x4000  }
0x14e: {  	[sflag:s3] =	ssyncset.done $0x0  }
0x14f: {  	s20 =	simm.s32 $0x200;
	[sflag:s3] =	ssyncadd.s32 $0xFFFFC000;
	s3 =	rddreg [dreg:$0x1a]  }
0x150: {  	s21 =	simm.s32 $0x80;
	s22 =	simm.s32 $0x600;
	s23 =	sadd.s32 $0x0, s3  }
.LBB2_60:
0x151: {  	[hbm4b:s23+s1] =	stream.linear.scatter [tilespmem:s20], [sflag:$0xC], $0x80, $0x38;
	v63 =	vld [tilespmem:$0x0]  }
0x152: {  	s23 =	smov.u32 s21;
	s20 =	smov.u32 s22;
	p0 =	sne.s32 s21, $0x3F80  }
.Ltmp29:
0x153: {  	s21 =	sadd.s32 $0x80, s21;
	(pc) =	sbr.rel @p0 .LBB2_60-.Ltmp29, $2  }
0x154: {  	_ =	sdelay $0x2  }
0x155: {  	s22 =	sadd.s32 $0x400, s22;
	s23 =	sadd.s32 s23, s3  }
0x156: {  	[hbm4b:s23+s1] =	stream.linear.scatter [tilespmem:s20], [sflag:$0xC], $0x80, $0x38;
	v63 =	vld [tilespmem:$0x0]  }
0x157: {  	s4 =	simm.s32 $0xC  }
0x158: {  	_ =	swait.ge [sflag:s4], $0x4000  }
0x159: {  	s20 =	simm.s32 $0x200;
	s21 =	simm.s32 $0x80;
	[sflag:s4] =	ssyncset.done $0x0  }
0x15a: {  	s23 =	sadd.s32 $0x0, s7;
	s22 =	simm.s32 $0x600;
	[sflag:s4] =	ssyncadd.s32 $0xFFFFC000  }
.LBB2_62:
0x15b: {  	[tilespmem:s20], [sflag:$0x5] =	stream.linear.gather [hbm4b:s23+s1], $0x80, $0x38;
	v63 =	vld [tilespmem:$0x0]  }
0x15c: {  	s23 =	smov.u32 s21;
	s20 =	smov.u32 s22;
	p0 =	sne.s32 s21, $0x3F80  }
.Ltmp30:
0x15d: {  	s21 =	sadd.s32 $0x80, s21;
	(pc) =	sbr.rel @p0 .LBB2_62-.Ltmp30, $2  }
0x15e: {  	_ =	sdelay $0x2  }
0x15f: {  	s22 =	sadd.s32 $0x400, s22;
	s23 =	sadd.s32 s23, s7  }
0x160: {  	[tilespmem:s20], [sflag:$0x5] =	stream.linear.gather [hbm4b:s23+s1], $0x80, $0x38;
	v63 =	vld [tilespmem:$0x0]  }
0x161: {  	s4 =	simm.s32 $0x6  }
0x162: {  	_ =	swait.ge [sflag:s4], $0x4000  }
0x163: {  	[sflag:s4] =	ssyncset.done $0x0  }
0x164: {  	s20 =	simm.s32 $0x280;
	[sflag:s4] =	ssyncadd.s32 $0xFFFFC000;
	s4 =	rddreg [dreg:$0x1c]  }
0x165: {  	s21 =	simm.s32 $0x80;
	s22 =	simm.s32 $0x680;
	s23 =	sadd.s32 $0x0, s4  }
.LBB2_64:
0x166: {  	[hbm4b:s23+s1] =	stream.linear.scatter [tilespmem:s20], [sflag:$0xD], $0x80, $0x38;
	v63 =	vld [tilespmem:$0x0]  }
0x167: {  	s23 =	smov.u32 s21;
	s20 =	smov.u32 s22;
	p0 =	sne.s32 s21, $0x3F80  }
.Ltmp31:
0x168: {  	s21 =	sadd.s32 $0x80, s21;
	(pc) =	sbr.rel @p0 .LBB2_64-.Ltmp31, $2  }
0x169: {  	_ =	sdelay $0x2  }
0x16a: {  	s22 =	sadd.s32 $0x400, s22;
	s23 =	sadd.s32 s23, s4  }
0x16b: {  	[hbm4b:s23+s1] =	stream.linear.scatter [tilespmem:s20], [sflag:$0xD], $0x80, $0x38;
	v63 =	vld [tilespmem:$0x0]  }
0x16c: {  	s4 =	simm.s32 $0xD  }
0x16d: {  	_ =	swait.ge [sflag:s4], $0x4000  }
0x16e: {  	s20 =	simm.s32 $0x280;
	s21 =	simm.s32 $0x80;
	[sflag:s4] =	ssyncset.done $0x0  }
0x16f: {  	s23 =	sadd.s32 $0x0, s8;
	s22 =	simm.s32 $0x680;
	[sflag:s4] =	ssyncadd.s32 $0xFFFFC000  }
.LBB2_66:
0x170: {  	[tilespmem:s20], [sflag:$0x6] =	stream.linear.gather [hbm4b:s23+s1], $0x80, $0x38;
	v63 =	vld [tilespmem:$0x0]  }
0x171: {  	s23 =	smov.u32 s21;
	s20 =	smov.u32 s22;
	p0 =	sne.s32 s21, $0x3F80  }
.Ltmp32:
0x172: {  	s21 =	sadd.s32 $0x80, s21;
	(pc) =	sbr.rel @p0 .LBB2_66-.Ltmp32, $2  }
0x173: {  	_ =	sdelay $0x2  }
0x174: {  	s22 =	sadd.s32 $0x400, s22;
	s23 =	sadd.s32 s23, s8  }
0x175: {  	[tilespmem:s20], [sflag:$0x6] =	stream.linear.gather [hbm4b:s23+s1], $0x80, $0x38;
	v63 =	vld [tilespmem:$0x0]  }
0x176: {  	s4 =	simm.s32 $0x7  }
0x177: {  	_ =	swait.ge [sflag:s4], $0x4000  }
0x178: {  	[sflag:s4] =	ssyncset.done $0x0  }
0x179: {  	s20 =	simm.s32 $0x300;
	[sflag:s4] =	ssyncadd.s32 $0xFFFFC000;
	s4 =	rddreg [dreg:$0x1e]  }
0x17a: {  	s21 =	simm.s32 $0x80;
	s22 =	simm.s32 $0x700;
	s23 =	sadd.s32 $0x0, s4  }
.LBB2_68:
0x17b: {  	[hbm4b:s23+s1] =	stream.linear.scatter [tilespmem:s20], [sflag:$0xE], $0x80, $0x38;
	v63 =	vld [tilespmem:$0x0]  }
0x17c: {  	s23 =	smov.u32 s21;
	s20 =	smov.u32 s22;
	p0 =	sne.s32 s21, $0x3F80  }
.Ltmp33:
0x17d: {  	s21 =	sadd.s32 $0x80, s21;
	(pc) =	sbr.rel @p0 .LBB2_68-.Ltmp33, $2  }
0x17e: {  	_ =	sdelay $0x2  }
0x17f: {  	s22 =	sadd.s32 $0x400, s22;
	s23 =	sadd.s32 s23, s4  }
0x180: {  	[hbm4b:s23+s1] =	stream.linear.scatter [tilespmem:s20], [sflag:$0xE], $0x80, $0x38;
	v63 =	vld [tilespmem:$0x0]  }
0x181: {  	s5 =	simm.s32 $0xE  }
0x182: {  	_ =	swait.ge [sflag:s5], $0x4000  }
0x183: {  	s20 =	simm.s32 $0x300;
	s21 =	simm.s32 $0x80;
	[sflag:s5] =	ssyncset.done $0x0  }
0x184: {  	s23 =	sadd.s32 $0x0, s9;
	s22 =	simm.s32 $0x700;
	[sflag:s5] =	ssyncadd.s32 $0xFFFFC000  }
.LBB2_70:
0x185: {  	[tilespmem:s20], [sflag:$0x7] =	stream.linear.gather [hbm4b:s23+s1], $0x80, $0x38;
	v63 =	vld [tilespmem:$0x0]  }
0x186: {  	s23 =	smov.u32 s21;
	s20 =	smov.u32 s22;
	p0 =	sne.s32 s21, $0x3F80  }
.Ltmp34:
0x187: {  	s21 =	sadd.s32 $0x80, s21;
	(pc) =	sbr.rel @p0 .LBB2_70-.Ltmp34, $2  }
0x188: {  	_ =	sdelay $0x2  }
0x189: {  	s22 =	sadd.s32 $0x400, s22;
	s23 =	sadd.s32 s23, s9  }
0x18a: {  	[tilespmem:s20], [sflag:$0x7] =	stream.linear.gather [hbm4b:s23+s1], $0x80, $0x38;
	v63 =	vld [tilespmem:$0x0]  }
0x18b: {  	s5 =	simm.s32 $0x1  }
0x18c: {  	_ =	swait.ge [sflag:s5], $0x4000  }
0x18d: {  	[sflag:s5] =	ssyncset.done $0x0  }
0x18e: {  	[sflag:s5] =	ssyncadd.s32 $0xFFFFC000;
	s5 =	sld [smem:$0x7F7];
	_ =	sdelay $0x1  }
0x18f: {  	s20 =	simm.s32 $0x0  }
0x190: {  	s21 =	simm.s32 $0x80;
	s22 =	simm.s32 $0x400;
	s23 =	sadd.s32 $0x0, s5  }
.LBB2_72:
0x191: {  	[hbm4b:s23+s1] =	stream.linear.scatter [tilespmem:s20], [sflag:$0x8], $0x80, $0x38;
	v63 =	vld [tilespmem:$0x0]  }
0x192: {  	s23 =	smov.u32 s21;
	s20 =	smov.u32 s22;
	p0 =	sne.s32 s21, $0x3F80  }
.Ltmp35:
0x193: {  	s21 =	sadd.s32 $0x80, s21;
	(pc) =	sbr.rel @p0 .LBB2_72-.Ltmp35, $2  }
0x194: {  	_ =	sdelay $0x2  }
0x195: {  	s22 =	sadd.s32 $0x400, s22;
	s23 =	sadd.s32 s23, s5  }
0x196: {  	[hbm4b:s23+s1] =	stream.linear.scatter [tilespmem:s20], [sflag:$0x8], $0x80, $0x38;
	v63 =	vld [tilespmem:$0x0]  }
0x197: {  	s5 =	simm.s32 $0x8  }
0x198: {  	_ =	swait.ge [sflag:s5], $0x4000  }
0x199: {  	s20 =	simm.s32 $0x0;
	s21 =	simm.s32 $0x80;
	[sflag:s5] =	ssyncset.done $0x0  }
0x19a: {  	s23 =	sadd.s32 $0x0, s10;
	s22 =	simm.s32 $0x400;
	[sflag:s5] =	ssyncadd.s32 $0xFFFFC000  }
.LBB2_74:
0x19b: {  	[tilespmem:s20], [sflag:$0x1] =	stream.linear.gather [hbm4b:s23+s1], $0x80, $0x38;
	v63 =	vld [tilespmem:$0x0]  }
0x19c: {  	s23 =	smov.u32 s21;
	s20 =	smov.u32 s22;
	p0 =	sne.s32 s21, $0x3F80  }
.Ltmp36:
0x19d: {  	s21 =	sadd.s32 $0x80, s21;
	(pc) =	sbr.rel @p0 .LBB2_74-.Ltmp36, $2  }
0x19e: {  	_ =	sdelay $0x2  }
0x19f: {  	s22 =	sadd.s32 $0x400, s22;
	s23 =	sadd.s32 s23, s10  }
0x1a0: {  	[tilespmem:s20], [sflag:$0x1] =	stream.linear.gather [hbm4b:s23+s1], $0x80, $0x38;
	v63 =	vld [tilespmem:$0x0]  }
0x1a1: {  	s5 =	simm.s32 $0x2  }
0x1a2: {  	_ =	swait.ge [sflag:s5], $0x4000  }
0x1a3: {  	[sflag:s5] =	ssyncset.done $0x0  }
0x1a4: {  	[sflag:s5] =	ssyncadd.s32 $0xFFFFC000;
	s5 =	sld [smem:$0x7FC];
	_ =	sdelay $0x1  }
0x1a5: {  	s20 =	simm.s32 $0x80  }
0x1a6: {  	s21 =	simm.s32 $0x80;
	s22 =	simm.s32 $0x480;
	s23 =	sadd.s32 $0x0, s5  }
.LBB2_76:
0x1a7: {  	[hbm4b:s23+s1] =	stream.linear.scatter [tilespmem:s20], [sflag:$0x9], $0x80, $0x38;
	v63 =	vld [tilespmem:$0x0]  }
0x1a8: {  	s23 =	smov.u32 s21;
	s20 =	smov.u32 s22;
	p0 =	sne.s32 s21, $0x3F80  }
.Ltmp37:
0x1a9: {  	s21 =	sadd.s32 $0x80, s21;
	(pc) =	sbr.rel @p0 .LBB2_76-.Ltmp37, $2  }
0x1aa: {  	_ =	sdelay $0x2  }
0x1ab: {  	s22 =	sadd.s32 $0x400, s22;
	s23 =	sadd.s32 s23, s5  }
0x1ac: {  	[hbm4b:s23+s1] =	stream.linear.scatter [tilespmem:s20], [sflag:$0x9], $0x80, $0x38;
	v63 =	vld [tilespmem:$0x0]  }
0x1ad: {  	s6 =	simm.s32 $0x9  }
0x1ae: {  	_ =	swait.ge [sflag:s6], $0x4000  }
0x1af: {  	s20 =	simm.s32 $0x80;
	s21 =	simm.s32 $0x80;
	[sflag:s6] =	ssyncset.done $0x0  }
0x1b0: {  	s23 =	sadd.s32 $0x0, s11;
	s22 =	simm.s32 $0x480;
	[sflag:s6] =	ssyncadd.s32 $0xFFFFC000  }
.LBB2_78:
0x1b1: {  	[tilespmem:s20], [sflag:$0x2] =	stream.linear.gather [hbm4b:s23+s1], $0x80, $0x38;
	v63 =	vld [tilespmem:$0x0]  }
0x1b2: {  	s23 =	smov.u32 s21;
	s20 =	smov.u32 s22;
	p0 =	sne.s32 s21, $0x3F80  }
.Ltmp38:
0x1b3: {  	s21 =	sadd.s32 $0x80, s21;
	(pc) =	sbr.rel @p0 .LBB2_78-.Ltmp38, $2  }
0x1b4: {  	_ =	sdelay $0x2  }
0x1b5: {  	s22 =	sadd.s32 $0x400, s22;
	s23 =	sadd.s32 s23, s11  }
0x1b6: {  	[tilespmem:s20], [sflag:$0x2] =	stream.linear.gather [hbm4b:s23+s1], $0x80, $0x38;
	v63 =	vld [tilespmem:$0x0]  }
0x1b7: {  	s6 =	simm.s32 $0x3  }
0x1b8: {  	_ =	swait.ge [sflag:s6], $0x4000  }
0x1b9: {  	[sflag:s6] =	ssyncset.done $0x0  }
0x1ba: {  	[sflag:s6] =	ssyncadd.s32 $0xFFFFC000;
	s6 =	sld [smem:$0x7FA];
	_ =	sdelay $0x1  }
0x1bb: {  	s20 =	simm.s32 $0x100  }
0x1bc: {  	s21 =	simm.s32 $0x80;
	s22 =	simm.s32 $0x500;
	s23 =	sadd.s32 $0x0, s6  }
.LBB2_80:
0x1bd: {  	[hbm4b:s23+s1] =	stream.linear.scatter [tilespmem:s20], [sflag:$0xA], $0x80, $0x38;
	v63 =	vld [tilespmem:$0x0]  }
0x1be: {  	s23 =	smov.u32 s21;
	s20 =	smov.u32 s22;
	p0 =	sne.s32 s21, $0x3F80  }
.Ltmp39:
0x1bf: {  	s21 =	sadd.s32 $0x80, s21;
	(pc) =	sbr.rel @p0 .LBB2_80-.Ltmp39, $2  }
0x1c0: {  	_ =	sdelay $0x2  }
0x1c1: {  	s22 =	sadd.s32 $0x400, s22;
	s23 =	sadd.s32 s23, s6  }
0x1c2: {  	[hbm4b:s23+s1] =	stream.linear.scatter [tilespmem:s20], [sflag:$0xA], $0x80, $0x38;
	v63 =	vld [tilespmem:$0x0]  }
0x1c3: {  	s6 =	simm.s32 $0xA  }
0x1c4: {  	_ =	swait.ge [sflag:s6], $0x4000  }
0x1c5: {  	s20 =	simm.s32 $0x100;
	s21 =	simm.s32 $0x80;
	[sflag:s6] =	ssyncset.done $0x0  }
0x1c6: {  	s23 =	sadd.s32 $0x0, s12;
	s22 =	simm.s32 $0x500;
	[sflag:s6] =	ssyncadd.s32 $0xFFFFC000  }
.LBB2_82:
0x1c7: {  	[tilespmem:s20], [sflag:$0x3] =	stream.linear.gather [hbm4b:s23+s1], $0x80, $0x38;
	v63 =	vld [tilespmem:$0x0]  }
0x1c8: {  	s23 =	smov.u32 s21;
	s20 =	smov.u32 s22;
	p0 =	sne.s32 s21, $0x3F80  }
.Ltmp40:
0x1c9: {  	s21 =	sadd.s32 $0x80, s21;
	(pc) =	sbr.rel @p0 .LBB2_82-.Ltmp40, $2  }
0x1ca: {  	_ =	sdelay $0x2  }
0x1cb: {  	s22 =	sadd.s32 $0x400, s22;
	s23 =	sadd.s32 s23, s12  }
0x1cc: {  	[tilespmem:s20], [sflag:$0x3] =	stream.linear.gather [hbm4b:s23+s1], $0x80, $0x38;
	v63 =	vld [tilespmem:$0x0]  }
0x1cd: {  	s6 =	simm.s32 $0x4  }
0x1ce: {  	s20 =	simm.s32 $0x180;
	_ =	swait.ge [sflag:s6], $0x4000  }
0x1cf: {  	s21 =	simm.s32 $0x80;
	s23 =	sadd.s32 $0x0, s13;
	[sflag:s6] =	ssyncset.done $0x0  }
0x1d0: {  	s22 =	simm.s32 $0x580;
	[sflag:s6] =	ssyncadd.s32 $0xFFFFC000;
	s6 =	sld [smem:$0x7FD]  }
.LBB2_84:
0x1d1: {  	[hbm4b:s23+s1] =	stream.linear.scatter [tilespmem:s20], [sflag:$0xB], $0x80, $0x38;
	v63 =	vld [tilespmem:$0x0]  }
0x1d2: {  	s23 =	smov.u32 s21;
	s20 =	smov.u32 s22;
	p0 =	sne.s32 s21, $0x3F80  }
.Ltmp41:
0x1d3: {  	s21 =	sadd.s32 $0x80, s21;
	(pc) =	sbr.rel @p0 .LBB2_84-.Ltmp41, $2  }
0x1d4: {  	_ =	sdelay $0x2  }
0x1d5: {  	s22 =	sadd.s32 $0x400, s22;
	s23 =	sadd.s32 s23, s13  }
0x1d6: {  	[hbm4b:s23+s1] =	stream.linear.scatter [tilespmem:s20], [sflag:$0xB], $0x80, $0x38;
	v63 =	vld [tilespmem:$0x0]  }
0x1d7: {  	s31 =	simm.s32 $0x5  }
0x1d8: {  	_ =	swait.ge [sflag:s31], $0x4000  }
0x1d9: {  	s20 =	simm.s32 $0x200;
	s21 =	simm.s32 $0x80;
	[sflag:s31] =	ssyncset.done $0x0  }
0x1da: {  	s23 =	sadd.s32 $0x0, s14;
	s22 =	simm.s32 $0x600;
	[sflag:s31] =	ssyncadd.s32 $0xFFFFC000  }
.LBB2_86:
0x1db: {  	[hbm4b:s23+s1] =	stream.linear.scatter [tilespmem:s20], [sflag:$0xC], $0x80, $0x38;
	v63 =	vld [tilespmem:$0x0]  }
0x1dc: {  	s23 =	smov.u32 s21;
	s20 =	smov.u32 s22;
	p0 =	sne.s32 s21, $0x3F80  }
.Ltmp42:
0x1dd: {  	s21 =	sadd.s32 $0x80, s21;
	(pc) =	sbr.rel @p0 .LBB2_86-.Ltmp42, $2  }
0x1de: {  	_ =	sdelay $0x2  }
0x1df: {  	s22 =	sadd.s32 $0x400, s22;
	s23 =	sadd.s32 s23, s14  }
0x1e0: {  	[hbm4b:s23+s1] =	stream.linear.scatter [tilespmem:s20], [sflag:$0xC], $0x80, $0x38;
	v63 =	vld [tilespmem:$0x0]  }
0x1e1: {  	s31 =	simm.s32 $0x6  }
0x1e2: {  	_ =	swait.ge [sflag:s31], $0x4000  }
0x1e3: {  	s20 =	simm.s32 $0x280;
	s21 =	simm.s32 $0x80;
	[sflag:s31] =	ssyncset.done $0x0  }
0x1e4: {  	s23 =	sadd.s32 $0x0, s15;
	s22 =	simm.s32 $0x680;
	[sflag:s31] =	ssyncadd.s32 $0xFFFFC000  }
.LBB2_88:
0x1e5: {  	[hbm4b:s23+s1] =	stream.linear.scatter [tilespmem:s20], [sflag:$0xD], $0x80, $0x38;
	v63 =	vld [tilespmem:$0x0]  }
0x1e6: {  	s23 =	smov.u32 s21;
	s20 =	smov.u32 s22;
	p0 =	sne.s32 s21, $0x3F80  }
.Ltmp43:
0x1e7: {  	s21 =	sadd.s32 $0x80, s21;
	(pc) =	sbr.rel @p0 .LBB2_88-.Ltmp43, $2  }
0x1e8: {  	_ =	sdelay $0x2  }
0x1e9: {  	s22 =	sadd.s32 $0x400, s22;
	s23 =	sadd.s32 s23, s15  }
0x1ea: {  	[hbm4b:s23+s1] =	stream.linear.scatter [tilespmem:s20], [sflag:$0xD], $0x80, $0x38;
	v63 =	vld [tilespmem:$0x0]  }
0x1eb: {  	s31 =	simm.s32 $0x7  }
0x1ec: {  	_ =	swait.ge [sflag:s31], $0x4000  }
0x1ed: {  	s20 =	simm.s32 $0x300;
	s21 =	simm.s32 $0x80;
	[sflag:s31] =	ssyncset.done $0x0  }
0x1ee: {  	s23 =	sadd.s32 $0x0, s16;
	s22 =	simm.s32 $0x700;
	[sflag:s31] =	ssyncadd.s32 $0xFFFFC000  }
.LBB2_90:
0x1ef: {  	[hbm4b:s23+s1] =	stream.linear.scatter [tilespmem:s20], [sflag:$0xE], $0x80, $0x38;
	v63 =	vld [tilespmem:$0x0]  }
0x1f0: {  	s23 =	smov.u32 s21;
	s20 =	smov.u32 s22;
	p0 =	sne.s32 s21, $0x3F80  }
.Ltmp44:
0x1f1: {  	s21 =	sadd.s32 $0x80, s21;
	(pc) =	sbr.rel @p0 .LBB2_90-.Ltmp44, $2  }
0x1f2: {  	_ =	sdelay $0x2  }
0x1f3: {  	s22 =	sadd.s32 $0x400, s22;
	s23 =	sadd.s32 s23, s16  }
0x1f4: {  	[hbm4b:s23+s1] =	stream.linear.scatter [tilespmem:s20], [sflag:$0xE], $0x80, $0x38;
	v63 =	vld [tilespmem:$0x0]  }
0x1f5: {  	s31 =	simm.s32 $0x1  }
0x1f6: {  	_ =	swait.ge [sflag:s31], $0x4000  }
0x1f7: {  	s20 =	simm.s32 $0x0;
	s21 =	simm.s32 $0x80;
	[sflag:s31] =	ssyncset.done $0x0  }
0x1f8: {  	s23 =	sadd.s32 $0x0, s17;
	s22 =	simm.s32 $0x400;
	[sflag:s31] =	ssyncadd.s32 $0xFFFFC000  }
.LBB2_92:
0x1f9: {  	[hbm4b:s23+s1] =	stream.linear.scatter [tilespmem:s20], [sflag:$0x8], $0x80, $0x38;
	v63 =	vld [tilespmem:$0x0]  }
0x1fa: {  	s23 =	smov.u32 s21;
	s20 =	smov.u32 s22;
	p0 =	sne.s32 s21, $0x3F80  }
.Ltmp45:
0x1fb: {  	s21 =	sadd.s32 $0x80, s21;
	(pc) =	sbr.rel @p0 .LBB2_92-.Ltmp45, $2  }
0x1fc: {  	_ =	sdelay $0x2  }
0x1fd: {  	s22 =	sadd.s32 $0x400, s22;
	s23 =	sadd.s32 s23, s17  }
0x1fe: {  	[hbm4b:s23+s1] =	stream.linear.scatter [tilespmem:s20], [sflag:$0x8], $0x80, $0x38;
	v63 =	vld [tilespmem:$0x0]  }
0x1ff: {  	s31 =	simm.s32 $0x2  }
0x200: {  	_ =	swait.ge [sflag:s31], $0x4000  }
0x201: {  	s20 =	simm.s32 $0x80;
	s21 =	simm.s32 $0x80;
	[sflag:s31] =	ssyncset.done $0x0  }
0x202: {  	s23 =	sadd.s32 $0x0, s18;
	s22 =	simm.s32 $0x480;
	[sflag:s31] =	ssyncadd.s32 $0xFFFFC000  }
.LBB2_94:
0x203: {  	[hbm4b:s23+s1] =	stream.linear.scatter [tilespmem:s20], [sflag:$0x9], $0x80, $0x38;
	v63 =	vld [tilespmem:$0x0]  }
0x204: {  	s23 =	smov.u32 s21;
	s20 =	smov.u32 s22;
	p0 =	sne.s32 s21, $0x3F80  }
.Ltmp46:
0x205: {  	s21 =	sadd.s32 $0x80, s21;
	(pc) =	sbr.rel @p0 .LBB2_94-.Ltmp46, $2  }
0x206: {  	_ =	sdelay $0x2  }
0x207: {  	s22 =	sadd.s32 $0x400, s22;
	s23 =	sadd.s32 s23, s18  }
0x208: {  	[hbm4b:s23+s1] =	stream.linear.scatter [tilespmem:s20], [sflag:$0x9], $0x80, $0x38;
	v63 =	vld [tilespmem:$0x0]  }
0x209: {  	s31 =	simm.s32 $0x3  }
0x20a: {  	_ =	swait.ge [sflag:s31], $0x4000  }
0x20b: {  	s20 =	simm.s32 $0x100;
	s21 =	simm.s32 $0x80;
	[sflag:s31] =	ssyncset.done $0x0  }
0x20c: {  	s23 =	sadd.s32 $0x0, s19;
	s22 =	simm.s32 $0x500;
	[sflag:s31] =	ssyncadd.s32 $0xFFFFC000  }
.LBB2_96:
0x20d: {  	[hbm4b:s23+s1] =	stream.linear.scatter [tilespmem:s20], [sflag:$0xA], $0x80, $0x38;
	v63 =	vld [tilespmem:$0x0]  }
0x20e: {  	s23 =	smov.u32 s21;
	s20 =	smov.u32 s22;
	p0 =	sne.s32 s21, $0x3F80  }
.Ltmp47:
0x20f: {  	s21 =	sadd.s32 $0x80, s21;
	(pc) =	sbr.rel @p0 .LBB2_96-.Ltmp47, $2  }
0x210: {  	_ =	sdelay $0x2  }
0x211: {  	s22 =	sadd.s32 $0x400, s22;
	s23 =	sadd.s32 s23, s19  }
0x212: {  	[hbm4b:s23+s1] =	stream.linear.scatter [tilespmem:s20], [sflag:$0xA], $0x80, $0x38;
	v63 =	vld [tilespmem:$0x0]  }
0x213: {  	s24 =	simm.s32 $0xB  }
0x214: {  	_ =	swait.ge [sflag:s24], $0x4000  }
0x215: {  	[sflag:s24] =	ssyncset.done $0x0  }
0x216: {  	s25 =	simm.s32 $0xC;
	[sflag:s24] =	ssyncadd.s32 $0xFFFFC000  }
0x217: {  	_ =	swait.ge [sflag:s25], $0x4000  }
0x218: {  	[sflag:s25] =	ssyncset.done $0x0  }
0x219: {  	s26 =	simm.s32 $0xD;
	[sflag:s25] =	ssyncadd.s32 $0xFFFFC000  }
0x21a: {  	_ =	swait.ge [sflag:s26], $0x4000  }
0x21b: {  	[sflag:s26] =	ssyncset.done $0x0  }
0x21c: {  	s28 =	simm.s32 $0xE;
	[sflag:s26] =	ssyncadd.s32 $0xFFFFC000  }
0x21d: {  	_ =	swait.ge [sflag:s28], $0x4000  }
0x21e: {  	[sflag:s28] =	ssyncset.done $0x0  }
0x21f: {  	s29 =	simm.s32 $0x8;
	[sflag:s28] =	ssyncadd.s32 $0xFFFFC000  }
0x220: {  	_ =	swait.ge [sflag:s29], $0x4000  }
0x221: {  	[sflag:s29] =	ssyncset.done $0x0  }
0x222: {  	s30 =	simm.s32 $0x9;
	[sflag:s29] =	ssyncadd.s32 $0xFFFFC000  }
0x223: {  	_ =	swait.ge [sflag:s30], $0x4000  }
0x224: {  	[sflag:s30] =	ssyncset.done $0x0  }
0x225: {  	s21 =	simm.s32 $0xA;
	[sflag:s30] =	ssyncadd.s32 $0xFFFFC000  }
0x226: {  	_ =	swait.ge [sflag:s21], $0x4000  }
0x227: {  	s22 =	sld [smem:$0x7F6]  }
0x228: {  	s31 =	sld [smem:$0x7FB];
	_ =	sdelay $0x1  }
0x229: {  	s22 =	sadd.s32 $0x1, s22  }
0x22a: {  	p0 =	sne.s32 s22, s31  }
.Ltmp48:
0x22b: {  	_ = 	snop;
	(pc) =	sbr.rel @p0 .LBB2_1-.Ltmp48, $3  }
0x22c: {  	_ =	sdelay $0x1  }
0x22d: {  	[sflag:s21] =	ssyncset.done $0x0  }
0x22e: {  	[sflag:s21] =	ssyncadd.s32 $0xFFFFC000;
	s21 =	rddreg [dreg:$0x3]  }
0x22f: {  	_ =	sfence.sel $0x180000  }
0x230: {  	[bflag:$0x0] =	sbarrier.arrive $0xFFFF  }
0x231: {  	_ =	strace $0x90000047  }
0x232: {  	s0 =	stileid.u32;
	[bflag:$0x2] =	sbarrier.arrive $0xFFFF  }
0x233: {  	p0 =	sne.s32 s0, $0x0;
	s0 =	rddreg [dreg:$0x2]  }
0x234: {  	s0 =	sadd.s32 @!p0 $0x100000, s0  }
0x235: {  	[sflag:s0] =	ssyncadd.tile.s32 @!p0 $0x1;
	_ =	shalt  }
.Lfunc_end2:
_tile_overlayer_lowered:
.L_overlay_start_2:
0x236: {  	(tag) =	ssettag $0x2  }
0x237: {  	s0 =	rddreg [dreg:$0x0];
	s2 =	stileid.u32  }
0x238: {  	s1 =	rddreg [dreg:$0x1];
	p0 =	sne.s32 s2, $0x0  }
0x239: {  	s3 =	rddreg [dreg:$0x2];
	[bflag:$0x3] =	sbarrier.arrive $0xFFFF;
	s2 =	simm.s32 @!p0 $0x1C0F  }
0x23a: {  	[timem:s3], [sflag:s2] =	dma.local @!p0 [hbm:s0], s1  }
0x23b: {  	s0 =	simm.s32 @!p0 $0xF  }
0x23c: {  	_ =	swait.ge @!p0 [sflag:s0], s1  }
0x23d: {  	s1 =	ssub.s32 @!p0 $0x0, s1;
	[sflag:s0] =	ssyncset.done @!p0 $0x0  }
0x23e: {  	[sflag:s0] =	ssyncadd.s32 @!p0 s1  }
0x23f: {  	[bflag:$0x3] =	sbarrier.arrive $0xFFFF  }
0x240: {  	_ =	shalt  }

</sc_bundles>
